<compile_context>
chip_gen: v7x
topology: tpu7x:2x2x1
jax: 0.10.2.dev20260603
libtpu: 0.0.44.dev20260713+nightly
codegen_flags: <defaults>
</compile_context>

<pallas_src>
import functools

import jax
import jax.numpy as jnp
from jax import lax
from jax.experimental import pallas as pl
from jax.experimental.pallas import tpu as pltpu
from jax.experimental.pallas import tpu_sc as plsc

NC = 2
NS = 16
NW = NC * NS
L = 16

BATCH = 4096
HIST = 200
HIDDEN = 64
B = BATCH * HIST
C = 128
ROWS_PER_W = B // NW
NCHUNK = ROWS_PER_W // C
NBUF = 2


_GATHER_DNUMS = lax.GatherDimensionNumbers(
    offset_dims=(), collapsed_slice_dims=(0,), start_index_map=(0,)
)


def _lane_perm(v, perm):
    return lax.gather(
        v,
        perm[:, None],
        _GATHER_DNUMS,
        slice_sizes=(1,),
        mode=lax.GatherScatterMode.PROMISE_IN_BOUNDS,
    )


def _lane_sum(v):
    lanes = lax.iota(jnp.int32, L)
    for d in (8, 4, 2, 1):
        v = v + _lane_perm(v, lanes ^ d)
    return v


def _rsqrt_vec(s):
    i = lax.bitcast_convert_type(s, jnp.int32)
    i = jnp.int32(0x5F3759DF) - (i >> 1)
    y = lax.bitcast_convert_type(i, jnp.float32)
    for _ in range(2):
        y = y * (1.5 - 0.5 * s * y * y)
    return y


def _norm_row(inb, outb, b, r):
    v0 = inb[b, r, pl.ds(0, L)]
    v1 = inb[b, r, pl.ds(L, L)]
    v2 = inb[b, r, pl.ds(2 * L, L)]
    v3 = inb[b, r, pl.ds(3 * L, L)]
    ss = _lane_sum(v0 * v0 + v1 * v1 + v2 * v2 + v3 * v3)
    sc = _rsqrt_vec(ss)
    outb[b, r, pl.ds(0, L)] = v0 * sc
    outb[b, r, pl.ds(L, L)] = v1 * sc
    outb[b, r, pl.ds(2 * L, L)] = v2 * sc
    outb[b, r, pl.ds(3 * L, L)] = v3 * sc


@functools.partial(
    pl.kernel,
    out_type=jax.ShapeDtypeStruct((B, HIDDEN), jnp.float32),
    mesh=plsc.VectorSubcoreMesh(
        core_axis_name="c", subcore_axis_name="s", num_cores=NC
    ),
    compiler_params=pltpu.CompilerParams(use_tc_tiling_on_sc=False),
    scratch_types=[
        pltpu.VMEM((ROWS_PER_W,), jnp.int32),
        pltpu.VMEM((NBUF, C, HIDDEN), jnp.float32),
        pltpu.VMEM((NBUF, C, HIDDEN), jnp.float32),
        pltpu.SemaphoreType.DMA((NBUF,)),
        pltpu.SemaphoreType.DMA((NBUF,)),
    ],
)
def _emb_norm(idx_hbm, table_hbm, out_hbm, idx_v, inb, outb, gsem, osem):
    wid = lax.axis_index("s") * NC + lax.axis_index("c")
    base = wid * ROWS_PER_W

    pltpu.sync_copy(idx_hbm.at[pl.ds(base, ROWS_PER_W)], idx_v)

    def _gather(j, b):
        return pltpu.make_async_copy(
            table_hbm.at[idx_v.at[pl.ds(j * C, C)]], inb.at[b], gsem.at[b]
        )

    def _put(j, b):
        return pltpu.make_async_copy(
            outb.at[b], out_hbm.at[pl.ds(base + j * C, C)], osem.at[b]
        )

    for b in range(NBUF):
        _gather(b, b).start()

    def chunk_body(i, carry):
        for b in range(NBUF):
            j = i * NBUF + b
            _gather(j, b).wait()

            @pl.when(j >= NBUF)
            def _():
                _put(j - NBUF, b).wait()

            def rows_body(g, c):
                r0 = g * 8
                for rr in range(8):
                    _norm_row(inb, outb, b, r0 + rr)
                return c

            lax.fori_loop(0, C // 8, rows_body, 0)

            _put(j, b).start()

            @pl.when(j + NBUF < NCHUNK)
            def _():
                _gather(j + NBUF, b).start()
        return carry

    lax.fori_loop(0, NCHUNK // NBUF, chunk_body, 0)

    for b in range(NBUF):
        _put(0, b).wait()


def kernel(inputs, embedding_weight):
    idx = inputs.reshape(B).astype(jnp.int32)
    out = _emb_norm(idx, embedding_weight)
    return out.reshape(BATCH, HIST, HIDDEN)

# --- scband reference (transcript-rebuilt; emitter-appended) ---
"""Pipeline reference for scband-session-graph-attn-30949534335134 (READ-ONLY COPY).

The authoritative reference and input builder live on the scoring server;
editing this copy changes nothing except your own understanding.
"""

import jax, jax.numpy as jnp
import numpy as np

N_NODE = 1000000
HIDDEN = 64
BATCH = 4096
HIST = 200

def setup_inputs(seed: int = 0) -> dict:
    key = jax.random.key(seed)
    k1, k2 = jax.random.split(key)
    inputs = jax.random.randint(k1, (BATCH, HIST), 0, N_NODE)
    stdv = 1.0 / np.sqrt(HIDDEN)
    embedding_weight = jax.random.uniform(k2, (N_NODE, HIDDEN), dtype=jnp.float32, minval=-stdv, maxval=stdv)
    return {"inputs": inputs, "embedding_weight": embedding_weight}

def reference(inputs, embedding_weight):
    # hidden = self.embedding(inputs)
    hidden = jnp.take(embedding_weight, inputs, axis=0)
    # if self.norm: hidden = hidden / (||hidden||_2 + 1e-12)
    norm = jnp.sqrt(jnp.sum(hidden * hidden, axis=-1, keepdims=True))
    hidden = hidden / (norm + 1e-12)
    # F.dropout with p=0.0 is identity (eval-equivalent)
    return hidden

if __name__ == "__main__":
    import jax
    _d = setup_inputs()
    print(jax.jit(kernel)(*tuple(_d.values())))

</pallas_src>

<mosaic_0001>
#map = affine_map<(d0, d1) -> (0)>
#map1 = affine_map<(d0, d1) -> (0, 0)>
module attributes {stable_mosaic.version = 14 : i64} {
  func.func @_emb_norm(%arg0: i32, %arg1: i32, %arg2: memref<819200xi32, #tpu.memory_space<hbm>>, %arg3: memref<1000000x64xf32, #tpu.memory_space<hbm>>, %arg4: memref<819200x64xf32, #tpu.memory_space<hbm>>, %arg5: memref<25600xi32, #tpu.memory_space<vmem>>, %arg6: memref<2x128x64xf32, #tpu.memory_space<vmem>>, %arg7: memref<2x128x64xf32, #tpu.memory_space<vmem>>, %arg8: memref<2x!tpu.dma_semaphore, #tpu.memory_space<semaphore_mem>>, %arg9: memref<2x!tpu.dma_semaphore, #tpu.memory_space<semaphore_mem>>) attributes {dimension_semantics = [#tpu.dimension_semantics<core_parallel>, #tpu.dimension_semantics<subcore_parallel>], iteration_bounds = array<i64: 2, 16>, scalar_prefetch = 0 : i64, scratch_operands = 5 : i64, tpu.core_type = #tpu.core_type<sc_vector_subcore>, window_params = [{transform_indices = #map}, {transform_indices = #map1}, {transform_indices = #map1}]} {
    %mul3A = arith.constant 2 : i32
    %mul3A_0 = arith.muli %arg1, %mul3A : i32
    %add3A = arith.addi %mul3A_0, %arg0 : i32
    %mul3A_1 = arith.constant 25600 : i32
    %mul3A_2 = arith.muli %add3A, %mul3A_1 : i32
    "tpu.region"() ({
      %run_scoped3A = tpu.sem_alloc : memref<!tpu.dma_semaphore, #tpu.memory_space<semaphore_mem>>
      %dma_start3A_68 = tpu.memref_slice %arg2[%mul3A_2] : memref<819200xi32, #tpu.memory_space<hbm>> -> memref<25600xi32, #tpu.memory_space<hbm>>
      %dma_start3A_69 = tpu.memref_slice %arg2[%mul3A_2] : memref<819200xi32, #tpu.memory_space<hbm>> -> memref<25600xi32, #tpu.memory_space<hbm>>
      tpu.enqueue_dma source(%dma_start3A_69 : memref<25600xi32, #tpu.memory_space<hbm>>) target(%arg5 : memref<25600xi32, #tpu.memory_space<vmem>>) target_semaphore(%run_scoped3A : memref<!tpu.dma_semaphore, #tpu.memory_space<semaphore_mem>>)
      %dma_wait3A_70 = tpu.memref_slice %arg2[%mul3A_2] : memref<819200xi32, #tpu.memory_space<hbm>> -> memref<25600xi32, #tpu.memory_space<hbm>>
      %dma_wait3A_71 = tpu.memref_slice %arg2[%mul3A_2] : memref<819200xi32, #tpu.memory_space<hbm>> -> memref<25600xi32, #tpu.memory_space<hbm>>
      tpu.wait_dma2 semaphore(%run_scoped3A : memref<!tpu.dma_semaphore, #tpu.memory_space<semaphore_mem>>) src(%dma_wait3A_71 : memref<25600xi32, #tpu.memory_space<hbm>>) dst(%arg5 : memref<25600xi32, #tpu.memory_space<vmem>>)
      tpu.yield
    }) : () -> ()
    %dma_start3A = arith.constant 0 : i32
    %dma_start3A_3 = arith.constant 0 : i32
    %dma_start3A_4 = arith.constant 0 : i32
    %dma_start3A_5 = arith.constant 0 : i32
    %dma_start3A_6 = tpu.memref_slice %arg6[%dma_start3A, %dma_start3A_4, %dma_start3A_5] : memref<2x128x64xf32, #tpu.memory_space<vmem>> -> memref<1x128x64xf32, #tpu.memory_space<vmem>>
    %dma_start3A_7 = tpu.memref_squeeze %dma_start3A_6 : memref<1x128x64xf32, #tpu.memory_space<vmem>> -> memref<128x64xf32, #tpu.memory_space<vmem>>
    %dma_start3A_8 = arith.constant 0 : i32
    %dma_start3A_9 = tpu.memref_slice %arg5[%dma_start3A_8] : memref<25600xi32, #tpu.memory_space<vmem>> -> memref<128xi32, #tpu.memory_space<vmem>>
    %dma_start3A_10 = arith.constant 0 : i32
    %dma_start3A_11 = arith.constant 0 : i32
    %dma_start3A_12 = tpu.memref_slice %arg3[%dma_start3A_10, %dma_start3A_11] : memref<1000000x64xf32, #tpu.memory_space<hbm>> -> memref<1000000x64xf32, #tpu.memory_space<hbm>>
    %dma_start3A_13 = tpu.memref_slice %arg8[%dma_start3A_3] : memref<2x!tpu.dma_semaphore, #tpu.memory_space<semaphore_mem>> -> memref<1x!tpu.dma_semaphore, #tpu.memory_space<semaphore_mem>>
    %dma_start3A_14 = tpu.memref_squeeze %dma_start3A_13 : memref<1x!tpu.dma_semaphore, #tpu.memory_space<semaphore_mem>> -> memref<!tpu.dma_semaphore, #tpu.memory_space<semaphore_mem>>
    tpu.enqueue_indirect_dma source(%dma_start3A_12 : memref<1000000x64xf32, #tpu.memory_space<hbm>>) target(%dma_start3A_7 : memref<128x64xf32, #tpu.memory_space<vmem>>) offsets(%dma_start3A_9 : memref<128xi32, #tpu.memory_space<vmem>>) semaphore(%dma_start3A_14 : memref<!tpu.dma_semaphore, #tpu.memory_space<semaphore_mem>>)
    %dma_start3A_15 = arith.constant 1 : i32
    %dma_start3A_16 = arith.constant 1 : i32
    %dma_start3A_17 = arith.constant 0 : i32
    %dma_start3A_18 = arith.constant 0 : i32
    %dma_start3A_19 = tpu.memref_slice %arg6[%dma_start3A_15, %dma_start3A_17, %dma_start3A_18] : memref<2x128x64xf32, #tpu.memory_space<vmem>> -> memref<1x128x64xf32, #tpu.memory_space<vmem>>
    %dma_start3A_20 = tpu.memref_squeeze %dma_start3A_19 : memref<1x128x64xf32, #tpu.memory_space<vmem>> -> memref<128x64xf32, #tpu.memory_space<vmem>>
    %dma_start3A_21 = arith.constant 128 : i32
    %dma_start3A_22 = tpu.memref_slice %arg5[%dma_start3A_21] : memref<25600xi32, #tpu.memory_space<vmem>> -> memref<128xi32, #tpu.memory_space<vmem>>
    %dma_start3A_23 = arith.constant 0 : i32
    %dma_start3A_24 = arith.constant 0 : i32
    %dma_start3A_25 = tpu.memref_slice %arg3[%dma_start3A_23, %dma_start3A_24] : memref<1000000x64xf32, #tpu.memory_space<hbm>> -> memref<1000000x64xf32, #tpu.memory_space<hbm>>
    %dma_start3A_26 = tpu.memref_slice %arg8[%dma_start3A_16] : memref<2x!tpu.dma_semaphore, #tpu.memory_space<semaphore_mem>> -> memref<1x!tpu.dma_semaphore, #tpu.memory_space<semaphore_mem>>
    %dma_start3A_27 = tpu.memref_squeeze %dma_start3A_26 : memref<1x!tpu.dma_semaphore, #tpu.memory_space<semaphore_mem>> -> memref<!tpu.dma_semaphore, #tpu.memory_space<semaphore_mem>>
    tpu.enqueue_indirect_dma source(%dma_start3A_25 : memref<1000000x64xf32, #tpu.memory_space<hbm>>) target(%dma_start3A_20 : memref<128x64xf32, #tpu.memory_space<vmem>>) offsets(%dma_start3A_22 : memref<128xi32, #tpu.memory_space<vmem>>) semaphore(%dma_start3A_27 : memref<!tpu.dma_semaphore, #tpu.memory_space<semaphore_mem>>)
    %scan3A = arith.constant 0 : i32
    %scan3A_28 = arith.constant 0 : i32
    %scan3A_29 = arith.constant 100 : i32
    %scan3A_30 = arith.addi %scan3A_28, %scan3A_29 : i32
    %scan3A_31 = arith.constant 1 : i32
    scf.for %scan3A_68 = %scan3A_28 to %scan3A_30 step %scan3A_31  : i32 {
      %mul3A_69 = arith.constant 2 : i32
      %mul3A_70 = arith.muli %scan3A_68, %mul3A_69 : i32
      %add3A_71 = arith.constant 0 : i32
      %add3A_72 = arith.addi %mul3A_70, %add3A_71 : i32
      %mul3A_73 = arith.constant 128 : i32
      %mul3A_74 = arith.muli %add3A_72, %mul3A_73 : i32
      %dma_wait3A_75 = arith.constant 0 : i32
      %dma_wait3A_76 = arith.constant 0 : i32
      %dma_wait3A_77 = arith.constant 0 : i32
      %dma_wait3A_78 = arith.constant 0 : i32
      %dma_wait3A_79 = tpu.memref_slice %arg6[%dma_wait3A_75, %dma_wait3A_77, %dma_wait3A_78] : memref<2x128x64xf32, #tpu.memory_space<vmem>> -> memref<1x128x64xf32, #tpu.memory_space<vmem>>
      %dma_wait3A_80 = tpu.memref_squeeze %dma_wait3A_79 : memref<1x128x64xf32, #tpu.memory_space<vmem>> -> memref<128x64xf32, #tpu.memory_space<vmem>>
      %dma_wait3A_81 = tpu.memref_slice %arg5[%mul3A_74] : memref<25600xi32, #tpu.memory_space<vmem>> -> memref<128xi32, #tpu.memory_space<vmem>>
      %dma_wait3A_82 = arith.constant 0 : i32
      %dma_wait3A_83 = arith.constant 0 : i32
      %dma_wait3A_84 = tpu.memref_slice %arg3[%dma_wait3A_82, %dma_wait3A_83] : memref<1000000x64xf32, #tpu.memory_space<hbm>> -> memref<1000000x64xf32, #tpu.memory_space<hbm>>
      %dma_wait3A_85 = tpu.memref_slice %arg8[%dma_wait3A_76] : memref<2x!tpu.dma_semaphore, #tpu.memory_space<semaphore_mem>> -> memref<1x!tpu.dma_semaphore, #tpu.memory_space<semaphore_mem>>
      %dma_wait3A_86 = tpu.memref_squeeze %dma_wait3A_85 : memref<1x!tpu.dma_semaphore, #tpu.memory_space<semaphore_mem>> -> memref<!tpu.dma_semaphore, #tpu.memory_space<semaphore_mem>>
      tpu.wait_indirect_dma semaphore(%dma_wait3A_86 : memref<!tpu.dma_semaphore, #tpu.memory_space<semaphore_mem>>) src(%dma_wait3A_84 : memref<1000000x64xf32, #tpu.memory_space<hbm>>) dst(%dma_wait3A_80 : memref<128x64xf32, #tpu.memory_space<vmem>>)
      %ge3A = arith.constant 2 : i32
      %ge3A_87 = arith.cmpi sge, %add3A_72, %ge3A : i32
      %convert_element_type3A = arith.extui %ge3A_87 : i1 to i32
      %cond3A = arith.constant 0 : i32
      %cond3A_88 = arith.cmpi ne, %convert_element_type3A, %cond3A : i32
      scf.if %cond3A_88 {
        %sub3A = arith.constant 2 : i32
        %sub3A_175 = arith.subi %add3A_72, %sub3A : i32
        %mul3A_176 = arith.constant 128 : i32
        %mul3A_177 = arith.muli %sub3A_175, %mul3A_176 : i32
        %add3A_178 = arith.addi %mul3A_2, %mul3A_177 : i32
        %dma_wait3A_179 = arith.constant 0 : i32
        %dma_wait3A_180 = arith.constant 0 : i32
        %dma_wait3A_181 = arith.constant 0 : i32
        %dma_wait3A_182 = arith.constant 0 : i32
        %dma_wait3A_183 = tpu.memref_slice %arg7[%dma_wait3A_179, %dma_wait3A_181, %dma_wait3A_182] : memref<2x128x64xf32, #tpu.memory_space<vmem>> -> memref<1x128x64xf32, #tpu.memory_space<vmem>>
        %dma_wait3A_184 = tpu.memref_squeeze %dma_wait3A_183 : memref<1x128x64xf32, #tpu.memory_space<vmem>> -> memref<128x64xf32, #tpu.memory_space<vmem>>
        %dma_wait3A_185 = arith.constant 0 : i32
        %dma_wait3A_186 = tpu.memref_slice %arg4[%add3A_178, %dma_wait3A_185] : memref<819200x64xf32, #tpu.memory_space<hbm>> -> memref<128x64xf32, #tpu.memory_space<hbm>>
        %dma_wait3A_187 = tpu.memref_slice %arg9[%dma_wait3A_180] : memref<2x!tpu.dma_semaphore, #tpu.memory_space<semaphore_mem>> -> memref<1x!tpu.dma_semaphore, #tpu.memory_space<semaphore_mem>>
        %dma_wait3A_188 = tpu.memref_squeeze %dma_wait3A_187 : memref<1x!tpu.dma_semaphore, #tpu.memory_space<semaphore_mem>> -> memref<!tpu.dma_semaphore, #tpu.memory_space<semaphore_mem>>
        %dma_wait3A_189 = arith.constant 0 : i32
        %dma_wait3A_190 = tpu.memref_slice %arg4[%add3A_178, %dma_wait3A_189] : memref<819200x64xf32, #tpu.memory_space<hbm>> -> memref<128x64xf32, #tpu.memory_space<hbm>>
        %dma_wait3A_191 = arith.constant 0 : i32
        %dma_wait3A_192 = arith.constant 0 : i32
        %dma_wait3A_193 = tpu.memref_slice %arg7[%dma_wait3A_179, %dma_wait3A_191, %dma_wait3A_192] : memref<2x128x64xf32, #tpu.memory_space<vmem>> -> memref<1x128x64xf32, #tpu.memory_space<vmem>>
        %dma_wait3A_194 = tpu.memref_squeeze %dma_wait3A_193 : memref<1x128x64xf32, #tpu.memory_space<vmem>> -> memref<128x64xf32, #tpu.memory_space<vmem>>
        tpu.wait_dma2 semaphore(%dma_wait3A_188 : memref<!tpu.dma_semaphore, #tpu.memory_space<semaphore_mem>>) src(%dma_wait3A_194 : memref<128x64xf32, #tpu.memory_space<vmem>>) dst(%dma_wait3A_190 : memref<128x64xf32, #tpu.memory_space<hbm>>)
      } else {
      }
      %scan3A_89 = arith.constant 0 : i32
      %scan3A_90 = arith.constant 0 : i32
      %scan3A_91 = arith.constant 16 : i32
      %scan3A_92 = arith.addi %scan3A_90, %scan3A_91 : i32
      %scan3A_93 = arith.constant 1 : i32
      scf.for %scan3A_175 = %scan3A_90 to %scan3A_92 step %scan3A_93  : i32 {
        %mul3A_176 = arith.constant 8 : i32
        %mul3A_177 = arith.muli %scan3A_175, %mul3A_176 : i32
        %add3A_178 = arith.constant 0 : i32
        %add3A_179 = arith.addi %mul3A_177, %add3A_178 : i32
        %get3A = arith.constant 0 : i32
        %get3A_180 = arith.index_cast %get3A : i32 to index
        %get3A_181 = arith.index_cast %add3A_179 : i32 to index
        %get3A_182 = arith.constant 0 : index
        %get3A_183 = tpu.vector_load %arg6[%get3A_180, %get3A_181, %get3A_182] {strides = array<i32>} : memref<2x128x64xf32, #tpu.memory_space<vmem>>, vector<1x1x16xf32>,
        %get3A_184 = vector.shape_cast %get3A_183 : vector<1x1x16xf32> to vector<16xf32>
        %get3A_185 = arith.constant 0 : i32
        %get3A_186 = arith.index_cast %get3A_185 : i32 to index
        %get3A_187 = arith.index_cast %add3A_179 : i32 to index
        %get3A_188 = arith.constant 16 : index
        %get3A_189 = tpu.vector_load %arg6[%get3A_186, %get3A_187, %get3A_188] {strides = array<i32>} : memref<2x128x64xf32, #tpu.memory_space<vmem>>, vector<1x1x16xf32>,
        %get3A_190 = vector.shape_cast %get3A_189 : vector<1x1x16xf32> to vector<16xf32>
        %get3A_191 = arith.constant 0 : i32
        %get3A_192 = arith.index_cast %get3A_191 : i32 to index
        %get3A_193 = arith.index_cast %add3A_179 : i32 to index
        %get3A_194 = arith.constant 32 : index
        %get3A_195 = tpu.vector_load %arg6[%get3A_192, %get3A_193, %get3A_194] {strides = array<i32>} : memref<2x128x64xf32, #tpu.memory_space<vmem>>, vector<1x1x16xf32>,
        %get3A_196 = vector.shape_cast %get3A_195 : vector<1x1x16xf32> to vector<16xf32>
        %get3A_197 = arith.constant 0 : i32
        %get3A_198 = arith.index_cast %get3A_197 : i32 to index
        %get3A_199 = arith.index_cast %add3A_179 : i32 to index
        %get3A_200 = arith.constant 48 : index
        %get3A_201 = tpu.vector_load %arg6[%get3A_198, %get3A_199, %get3A_200] {strides = array<i32>} : memref<2x128x64xf32, #tpu.memory_space<vmem>>, vector<1x1x16xf32>,
        %get3A_202 = vector.shape_cast %get3A_201 : vector<1x1x16xf32> to vector<16xf32>
        %mul3A_203 = arith.mulf %get3A_184, %get3A_184 : vector<16xf32>
        %mul3A_204 = arith.mulf %get3A_190, %get3A_190 : vector<16xf32>
        %add3A_205 = arith.addf %mul3A_203, %mul3A_204 : vector<16xf32>
        %mul3A_206 = arith.mulf %get3A_196, %get3A_196 : vector<16xf32>
        %add3A_207 = arith.addf %add3A_205, %mul3A_206 : vector<16xf32>
        %mul3A_208 = arith.mulf %get3A_202, %get3A_202 : vector<16xf32>
        %add3A_209 = arith.addf %add3A_207, %mul3A_208 : vector<16xf32>
        %iota3A = tpu.iota {dimensions = array<i32: 0>} : vector<16xi32>
        %xor3A = arith.constant 8 : i32
        %xor3A_210 = vector.broadcast %xor3A : i32 to vector<16xi32>
        %xor3A_211 = arith.xori %iota3A, %xor3A_210 : vector<16xi32>
        %broadcast_in_dim3A = vector.shape_cast %xor3A_211 : vector<16xi32> to vector<16x1xi32>
        %gather3A = vector.shape_cast %broadcast_in_dim3A : vector<16x1xi32> to vector<16xi32>
        %gather3A_212 = tpu.dynamic_gather %add3A_209[%gather3A] in [0] : vector<16xf32>, vector<16xi32> -> vector<16xf32>
        %add3A_213 = arith.addf %add3A_209, %gather3A_212 : vector<16xf32>
        %xor3A_214 = arith.constant 4 : i32
        %xor3A_215 = vector.broadcast %xor3A_214 : i32 to vector<16xi32>
        %xor3A_216 = arith.xori %iota3A, %xor3A_215 : vector<16xi32>
        %broadcast_in_dim3A_217 = vector.shape_cast %xor3A_216 : vector<16xi32> to vector<16x1xi32>
        %gather3A_218 = vector.shape_cast %broadcast_in_dim3A_217 : vector<16x1xi32> to vector<16xi32>
        %gather3A_219 = tpu.dynamic_gather %add3A_213[%gather3A_218] in [0] : vector<16xf32>, vector<16xi32> -> vector<16xf32>
        %add3A_220 = arith.addf %add3A_213, %gather3A_219 : vector<16xf32>
        %xor3A_221 = arith.constant 2 : i32
        %xor3A_222 = vector.broadcast %xor3A_221 : i32 to vector<16xi32>
        %xor3A_223 = arith.xori %iota3A, %xor3A_222 : vector<16xi32>
        %broadcast_in_dim3A_224 = vector.shape_cast %xor3A_223 : vector<16xi32> to vector<16x1xi32>
        %gather3A_225 = vector.shape_cast %broadcast_in_dim3A_224 : vector<16x1xi32> to vector<16xi32>
        %gather3A_226 = tpu.dynamic_gather %add3A_220[%gather3A_225] in [0] : vector<16xf32>, vector<16xi32> -> vector<16xf32>
        %add3A_227 = arith.addf %add3A_220, %gather3A_226 : vector<16xf32>
        %xor3A_228 = arith.constant 1 : i32
        %xor3A_229 = vector.broadcast %xor3A_228 : i32 to vector<16xi32>
        %xor3A_230 = arith.xori %iota3A, %xor3A_229 : vector<16xi32>
        %broadcast_in_dim3A_231 = vector.shape_cast %xor3A_230 : vector<16xi32> to vector<16x1xi32>
        %gather3A_232 = vector.shape_cast %broadcast_in_dim3A_231 : vector<16x1xi32> to vector<16xi32>
        %gather3A_233 = tpu.dynamic_gather %add3A_227[%gather3A_232] in [0] : vector<16xf32>, vector<16xi32> -> vector<16xf32>
        %add3A_234 = arith.addf %add3A_227, %gather3A_233 : vector<16xf32>
        %bitcast_convert_type3A = tpu.bitcast %add3A_234 : vector<16xf32> -> vector<16xi32>
        %shift_right_arithmetic3A = arith.constant 1 : i32
        %shift_right_arithmetic3A_235 = vector.broadcast %shift_right_arithmetic3A : i32 to vector<16xi32>
        %shift_right_arithmetic3A_236 = arith.shrsi %bitcast_convert_type3A, %shift_right_arithmetic3A_235 : vector<16xi32>
        %sub3A = arith.constant 1597463007 : i32
        %sub3A_237 = vector.broadcast %sub3A : i32 to vector<16xi32>
        %sub3A_238 = arith.subi %sub3A_237, %shift_right_arithmetic3A_236 : vector<16xi32>
        %bitcast_convert_type3A_239 = tpu.bitcast %sub3A_238 : vector<16xi32> -> vector<16xf32>
        %mul3A_240 = arith.constant 5.000000e-01 : f32
        %mul3A_241 = vector.broadcast %mul3A_240 : f32 to vector<16xf32>
        %mul3A_242 = arith.mulf %mul3A_241, %add3A_234 : vector<16xf32>
        %mul3A_243 = arith.mulf %mul3A_242, %bitcast_convert_type3A_239 : vector<16xf32>
        %mul3A_244 = arith.mulf %mul3A_243, %bitcast_convert_type3A_239 : vector<16xf32>
        %sub3A_245 = arith.constant 1.500000e+00 : f32
        %sub3A_246 = vector.broadcast %sub3A_245 : f32 to vector<16xf32>
        %sub3A_247 = arith.subf %sub3A_246, %mul3A_244 : vector<16xf32>
        %mul3A_248 = arith.mulf %bitcast_convert_type3A_239, %sub3A_247 : vector<16xf32>
        %mul3A_249 = arith.constant 5.000000e-01 : f32
        %mul3A_250 = vector.broadcast %mul3A_249 : f32 to vector<16xf32>
        %mul3A_251 = arith.mulf %mul3A_250, %add3A_234 : vector<16xf32>
        %mul3A_252 = arith.mulf %mul3A_251, %mul3A_248 : vector<16xf32>
        %mul3A_253 = arith.mulf %mul3A_252, %mul3A_248 : vector<16xf32>
        %sub3A_254 = arith.constant 1.500000e+00 : f32
        %sub3A_255 = vector.broadcast %sub3A_254 : f32 to vector<16xf32>
        %sub3A_256 = arith.subf %sub3A_255, %mul3A_253 : vector<16xf32>
        %mul3A_257 = arith.mulf %mul3A_248, %sub3A_256 : vector<16xf32>
        %mul3A_258 = arith.mulf %get3A_184, %mul3A_257 : vector<16xf32>
        %swap3A = arith.constant 0 : i32
        %swap3A_259 = arith.index_cast %swap3A : i32 to index
        %swap3A_260 = arith.index_cast %add3A_179 : i32 to index
        %swap3A_261 = arith.constant 0 : index
        %swap3A_262 = tpu.vector_load %arg7[%swap3A_259, %swap3A_260, %swap3A_261] {strides = array<i32>} : memref<2x128x64xf32, #tpu.memory_space<vmem>>, vector<1x1x16xf32>,
        %swap3A_263 = vector.shape_cast %swap3A_262 : vector<1x1x16xf32> to vector<16xf32>
        %swap3A_264 = vector.shape_cast %mul3A_258 : vector<16xf32> to vector<1x1x16xf32>
        tpu.vector_store %arg7[%swap3A_259, %swap3A_260, %swap3A_261], %swap3A_264 {strides = array<i32>} : memref<2x128x64xf32, #tpu.memory_space<vmem>>, vector<1x1x16xf32>,
        %mul3A_265 = arith.mulf %get3A_190, %mul3A_257 : vector<16xf32>
        %swap3A_266 = arith.constant 0 : i32
        %swap3A_267 = arith.index_cast %swap3A_266 : i32 to index
        %swap3A_268 = arith.index_cast %add3A_179 : i32 to index
        %swap3A_269 = arith.constant 16 : index
        %swap3A_270 = tpu.vector_load %arg7[%swap3A_267, %swap3A_268, %swap3A_269] {strides = array<i32>} : memref<2x128x64xf32, #tpu.memory_space<vmem>>, vector<1x1x16xf32>,
        %swap3A_271 = vector.shape_cast %swap3A_270 : vector<1x1x16xf32> to vector<16xf32>
        %swap3A_272 = vector.shape_cast %mul3A_265 : vector<16xf32> to vector<1x1x16xf32>
        tpu.vector_store %arg7[%swap3A_267, %swap3A_268, %swap3A_269], %swap3A_272 {strides = array<i32>} : memref<2x128x64xf32, #tpu.memory_space<vmem>>, vector<1x1x16xf32>,
        %mul3A_273 = arith.mulf %get3A_196, %mul3A_257 : vector<16xf32>
        %swap3A_274 = arith.constant 0 : i32
        %swap3A_275 = arith.index_cast %swap3A_274 : i32 to index
        %swap3A_276 = arith.index_cast %add3A_179 : i32 to index
        %swap3A_277 = arith.constant 32 : index
        %swap3A_278 = tpu.vector_load %arg7[%swap3A_275, %swap3A_276, %swap3A_277] {strides = array<i32>} : memref<2x128x64xf32, #tpu.memory_space<vmem>>, vector<1x1x16xf32>,
        %swap3A_279 = vector.shape_cast %swap3A_278 : vector<1x1x16xf32> to vector<16xf32>
        %swap3A_280 = vector.shape_cast %mul3A_273 : vector<16xf32> to vector<1x1x16xf32>
        tpu.vector_store %arg7[%swap3A_275, %swap3A_276, %swap3A_277], %swap3A_280 {strides = array<i32>} : memref<2x128x64xf32, #tpu.memory_space<vmem>>, vector<1x1x16xf32>,
        %mul3A_281 = arith.mulf %get3A_202, %mul3A_257 : vector<16xf32>
        %swap3A_282 = arith.constant 0 : i32
        %swap3A_283 = arith.index_cast %swap3A_282 : i32 to index
        %swap3A_284 = arith.index_cast %add3A_179 : i32 to index
        %swap3A_285 = arith.constant 48 : index
        %swap3A_286 = tpu.vector_load %arg7[%swap3A_283, %swap3A_284, %swap3A_285] {strides = array<i32>} : memref<2x128x64xf32, #tpu.memory_space<vmem>>, vector<1x1x16xf32>,
        %swap3A_287 = vector.shape_cast %swap3A_286 : vector<1x1x16xf32> to vector<16xf32>
        %swap3A_288 = vector.shape_cast %mul3A_281 : vector<16xf32> to vector<1x1x16xf32>
        tpu.vector_store %arg7[%swap3A_283, %swap3A_284, %swap3A_285], %swap3A_288 {strides = array<i32>} : memref<2x128x64xf32, #tpu.memory_space<vmem>>, vector<1x1x16xf32>,
        %add3A_289 = arith.constant 1 : i32
        %add3A_290 = arith.addi %mul3A_177, %add3A_289 : i32
        %get3A_291 = arith.constant 0 : i32
        %get3A_292 = arith.index_cast %get3A_291 : i32 to index
        %get3A_293 = arith.index_cast %add3A_290 : i32 to index
        %get3A_294 = arith.constant 0 : index
        %get3A_295 = tpu.vector_load %arg6[%get3A_292, %get3A_293, %get3A_294] {strides = array<i32>} : memref<2x128x64xf32, #tpu.memory_space<vmem>>, vector<1x1x16xf32>,
        %get3A_296 = vector.shape_cast %get3A_295 : vector<1x1x16xf32> to vector<16xf32>
        %get3A_297 = arith.constant 0 : i32
        %get3A_298 = arith.index_cast %get3A_297 : i32 to index
        %get3A_299 = arith.index_cast %add3A_290 : i32 to index
        %get3A_300 = arith.constant 16 : index
        %get3A_301 = tpu.vector_load %arg6[%get3A_298, %get3A_299, %get3A_300] {strides = array<i32>} : memref<2x128x64xf32, #tpu.memory_space<vmem>>, vector<1x1x16xf32>,
        %get3A_302 = vector.shape_cast %get3A_301 : vector<1x1x16xf32> to vector<16xf32>
        %get3A_303 = arith.constant 0 : i32
        %get3A_304 = arith.index_cast %get3A_303 : i32 to index
        %get3A_305 = arith.index_cast %add3A_290 : i32 to index
        %get3A_306 = arith.constant 32 : index
        %get3A_307 = tpu.vector_load %arg6[%get3A_304, %get3A_305, %get3A_306] {strides = array<i32>} : memref<2x128x64xf32, #tpu.memory_space<vmem>>, vector<1x1x16xf32>,
        %get3A_308 = vector.shape_cast %get3A_307 : vector<1x1x16xf32> to vector<16xf32>
        %get3A_309 = arith.constant 0 : i32
        %get3A_310 = arith.index_cast %get3A_309 : i32 to index
        %get3A_311 = arith.index_cast %add3A_290 : i32 to index
        %get3A_312 = arith.constant 48 : index
        %get3A_313 = tpu.vector_load %arg6[%get3A_310, %get3A_311, %get3A_312] {strides = array<i32>} : memref<2x128x64xf32, #tpu.memory_space<vmem>>, vector<1x1x16xf32>,
        %get3A_314 = vector.shape_cast %get3A_313 : vector<1x1x16xf32> to vector<16xf32>
        %mul3A_315 = arith.mulf %get3A_296, %get3A_296 : vector<16xf32>
        %mul3A_316 = arith.mulf %get3A_302, %get3A_302 : vector<16xf32>
        %add3A_317 = arith.addf %mul3A_315, %mul3A_316 : vector<16xf32>
        %mul3A_318 = arith.mulf %get3A_308, %get3A_308 : vector<16xf32>
        %add3A_319 = arith.addf %add3A_317, %mul3A_318 : vector<16xf32>
        %mul3A_320 = arith.mulf %get3A_314, %get3A_314 : vector<16xf32>
        %add3A_321 = arith.addf %add3A_319, %mul3A_320 : vector<16xf32>
        %iota3A_322 = tpu.iota {dimensions = array<i32: 0>} : vector<16xi32>
        %xor3A_323 = arith.constant 8 : i32
        %xor3A_324 = vector.broadcast %xor3A_323 : i32 to vector<16xi32>
        %xor3A_325 = arith.xori %iota3A_322, %xor3A_324 : vector<16xi32>
        %broadcast_in_dim3A_326 = vector.shape_cast %xor3A_325 : vector<16xi32> to vector<16x1xi32>
        %gather3A_327 = vector.shape_cast %broadcast_in_dim3A_326 : vector<16x1xi32> to vector<16xi32>
        %gather3A_328 = tpu.dynamic_gather %add3A_321[%gather3A_327] in [0] : vector<16xf32>, vector<16xi32> -> vector<16xf32>
        %add3A_329 = arith.addf %add3A_321, %gather3A_328 : vector<16xf32>
        %xor3A_330 = arith.constant 4 : i32
        %xor3A_331 = vector.broadcast %xor3A_330 : i32 to vector<16xi32>
        %xor3A_332 = arith.xori %iota3A_322, %xor3A_331 : vector<16xi32>
        %broadcast_in_dim3A_333 = vector.shape_cast %xor3A_332 : vector<16xi32> to vector<16x1xi32>
        %gather3A_334 = vector.shape_cast %broadcast_in_dim3A_333 : vector<16x1xi32> to vector<16xi32>
        %gather3A_335 = tpu.dynamic_gather %add3A_329[%gather3A_334] in [0] : vector<16xf32>, vector<16xi32> -> vector<16xf32>
        %add3A_336 = arith.addf %add3A_329, %gather3A_335 : vector<16xf32>
        %xor3A_337 = arith.constant 2 : i32
        %xor3A_338 = vector.broadcast %xor3A_337 : i32 to vector<16xi32>
        %xor3A_339 = arith.xori %iota3A_322, %xor3A_338 : vector<16xi32>
        %broadcast_in_dim3A_340 = vector.shape_cast %xor3A_339 : vector<16xi32> to vector<16x1xi32>
        %gather3A_341 = vector.shape_cast %broadcast_in_dim3A_340 : vector<16x1xi32> to vector<16xi32>
        %gather3A_342 = tpu.dynamic_gather %add3A_336[%gather3A_341] in [0] : vector<16xf32>, vector<16xi32> -> vector<16xf32>
        %add3A_343 = arith.addf %add3A_336, %gather3A_342 : vector<16xf32>
        %xor3A_344 = arith.constant 1 : i32
        %xor3A_345 = vector.broadcast %xor3A_344 : i32 to vector<16xi32>
        %xor3A_346 = arith.xori %iota3A_322, %xor3A_345 : vector<16xi32>
        %broadcast_in_dim3A_347 = vector.shape_cast %xor3A_346 : vector<16xi32> to vector<16x1xi32>
        %gather3A_348 = vector.shape_cast %broadcast_in_dim3A_347 : vector<16x1xi32> to vector<16xi32>
        %gather3A_349 = tpu.dynamic_gather %add3A_343[%gather3A_348] in [0] : vector<16xf32>, vector<16xi32> -> vector<16xf32>
        %add3A_350 = arith.addf %add3A_343, %gather3A_349 : vector<16xf32>
        %bitcast_convert_type3A_351 = tpu.bitcast %add3A_350 : vector<16xf32> -> vector<16xi32>
        %shift_right_arithmetic3A_352 = arith.constant 1 : i32
        %shift_right_arithmetic3A_353 = vector.broadcast %shift_right_arithmetic3A_352 : i32 to vector<16xi32>
        %shift_right_arithmetic3A_354 = arith.shrsi %bitcast_convert_type3A_351, %shift_right_arithmetic3A_353 : vector<16xi32>
        %sub3A_355 = arith.constant 1597463007 : i32
        %sub3A_356 = vector.broadcast %sub3A_355 : i32 to vector<16xi32>
        %sub3A_357 = arith.subi %sub3A_356, %shift_right_arithmetic3A_354 : vector<16xi32>
        %bitcast_convert_type3A_358 = tpu.bitcast %sub3A_357 : vector<16xi32> -> vector<16xf32>
        %mul3A_359 = arith.constant 5.000000e-01 : f32
        %mul3A_360 = vector.broadcast %mul3A_359 : f32 to vector<16xf32>
        %mul3A_361 = arith.mulf %mul3A_360, %add3A_350 : vector<16xf32>
        %mul3A_362 = arith.mulf %mul3A_361, %bitcast_convert_type3A_358 : vector<16xf32>
        %mul3A_363 = arith.mulf %mul3A_362, %bitcast_convert_type3A_358 : vector<16xf32>
        %sub3A_364 = arith.constant 1.500000e+00 : f32
        %sub3A_365 = vector.broadcast %sub3A_364 : f32 to vector<16xf32>
        %sub3A_366 = arith.subf %sub3A_365, %mul3A_363 : vector<16xf32>
        %mul3A_367 = arith.mulf %bitcast_convert_type3A_358, %sub3A_366 : vector<16xf32>
        %mul3A_368 = arith.constant 5.000000e-01 : f32
        %mul3A_369 = vector.broadcast %mul3A_368 : f32 to vector<16xf32>
        %mul3A_370 = arith.mulf %mul3A_369, %add3A_350 : vector<16xf32>
        %mul3A_371 = arith.mulf %mul3A_370, %mul3A_367 : vector<16xf32>
        %mul3A_372 = arith.mulf %mul3A_371, %mul3A_367 : vector<16xf32>
        %sub3A_373 = arith.constant 1.500000e+00 : f32
        %sub3A_374 = vector.broadcast %sub3A_373 : f32 to vector<16xf32>
        %sub3A_375 = arith.subf %sub3A_374, %mul3A_372 : vector<16xf32>
        %mul3A_376 = arith.mulf %mul3A_367, %sub3A_375 : vector<16xf32>
        %mul3A_377 = arith.mulf %get3A_296, %mul3A_376 : vector<16xf32>
        %swap3A_378 = arith.constant 0 : i32
        %swap3A_379 = arith.index_cast %swap3A_378 : i32 to index
        %swap3A_380 = arith.index_cast %add3A_290 : i32 to index
        %swap3A_381 = arith.constant 0 : index
        %swap3A_382 = tpu.vector_load %arg7[%swap3A_379, %swap3A_380, %swap3A_381] {strides = array<i32>} : memref<2x128x64xf32, #tpu.memory_space<vmem>>, vector<1x1x16xf32>,
        %swap3A_383 = vector.shape_cast %swap3A_382 : vector<1x1x16xf32> to vector<16xf32>
        %swap3A_384 = vector.shape_cast %mul3A_377 : vector<16xf32> to vector<1x1x16xf32>
        tpu.vector_store %arg7[%swap3A_379, %swap3A_380, %swap3A_381], %swap3A_384 {strides = array<i32>} : memref<2x128x64xf32, #tpu.memory_space<vmem>>, vector<1x1x16xf32>,
        %mul3A_385 = arith.mulf %get3A_302, %mul3A_376 : vector<16xf32>
        %swap3A_386 = arith.constant 0 : i32
        %swap3A_387 = arith.index_cast %swap3A_386 : i32 to index
        %swap3A_388 = arith.index_cast %add3A_290 : i32 to index
        %swap3A_389 = arith.constant 16 : index
        %swap3A_390 = tpu.vector_load %arg7[%swap3A_387, %swap3A_388, %swap3A_389] {strides = array<i32>} : memref<2x128x64xf32, #tpu.memory_space<vmem>>, vector<1x1x16xf32>,
        %swap3A_391 = vector.shape_cast %swap3A_390 : vector<1x1x16xf32> to vector<16xf32>
        %swap3A_392 = vector.shape_cast %mul3A_385 : vector<16xf32> to vector<1x1x16xf32>
        tpu.vector_store %arg7[%swap3A_387, %swap3A_388, %swap3A_389], %swap3A_392 {strides = array<i32>} : memref<2x128x64xf32, #tpu.memory_space<vmem>>, vector<1x1x16xf32>,
        %mul3A_393 = arith.mulf %get3A_308, %mul3A_376 : vector<16xf32>
        %swap3A_394 = arith.constant 0 : i32
        %swap3A_395 = arith.index_cast %swap3A_394 : i32 to index
        %swap3A_396 = arith.index_cast %add3A_290 : i32 to index
        %swap3A_397 = arith.constant 32 : index
        %swap3A_398 = tpu.vector_load %arg7[%swap3A_395, %swap3A_396, %swap3A_397] {strides = array<i32>} : memref<2x128x64xf32, #tpu.memory_space<vmem>>, vector<1x1x16xf32>,
        %swap3A_399 = vector.shape_cast %swap3A_398 : vector<1x1x16xf32> to vector<16xf32>
        %swap3A_400 = vector.shape_cast %mul3A_393 : vector<16xf32> to vector<1x1x16xf32>
        tpu.vector_store %arg7[%swap3A_395, %swap3A_396, %swap3A_397], %swap3A_400 {strides = array<i32>} : memref<2x128x64xf32, #tpu.memory_space<vmem>>, vector<1x1x16xf32>,
        %mul3A_401 = arith.mulf %get3A_314, %mul3A_376 : vector<16xf32>
        %swap3A_402 = arith.constant 0 : i32
        %swap3A_403 = arith.index_cast %swap3A_402 : i32 to index
        %swap3A_404 = arith.index_cast %add3A_290 : i32 to index
        %swap3A_405 = arith.constant 48 : index
        %swap3A_406 = tpu.vector_load %arg7[%swap3A_403, %swap3A_404, %swap3A_405] {strides = array<i32>} : memref<2x128x64xf32, #tpu.memory_space<vmem>>, vector<1x1x16xf32>,
        %swap3A_407 = vector.shape_cast %swap3A_406 : vector<1x1x16xf32> to vector<16xf32>
        %swap3A_408 = vector.shape_cast %mul3A_401 : vector<16xf32> to vector<1x1x16xf32>
        tpu.vector_store %arg7[%swap3A_403, %swap3A_404, %swap3A_405], %swap3A_408 {strides = array<i32>} : memref<2x128x64xf32, #tpu.memory_space<vmem>>, vector<1x1x16xf32>,
        %add3A_409 = arith.constant 2 : i32
        %add3A_410 = arith.addi %mul3A_177, %add3A_409 : i32
        %get3A_411 = arith.constant 0 : i32
        %get3A_412 = arith.index_cast %get3A_411 : i32 to index
        %get3A_413 = arith.index_cast %add3A_410 : i32 to index
        %get3A_414 = arith.constant 0 : index
        %get3A_415 = tpu.vector_load %arg6[%get3A_412, %get3A_413, %get3A_414] {strides = array<i32>} : memref<2x128x64xf32, #tpu.memory_space<vmem>>, vector<1x1x16xf32>,
        %get3A_416 = vector.shape_cast %get3A_415 : vector<1x1x16xf32> to vector<16xf32>
        %get3A_417 = arith.constant 0 : i32
        %get3A_418 = arith.index_cast %get3A_417 : i32 to index
        %get3A_419 = arith.index_cast %add3A_410 : i32 to index
        %get3A_420 = arith.constant 16 : index
        %get3A_421 = tpu.vector_load %arg6[%get3A_418, %get3A_419, %get3A_420] {strides = array<i32>} : memref<2x128x64xf32, #tpu.memory_space<vmem>>, vector<1x1x16xf32>,
        %get3A_422 = vector.shape_cast %get3A_421 : vector<1x1x16xf32> to vector<16xf32>
        %get3A_423 = arith.constant 0 : i32
        %get3A_424 = arith.index_cast %get3A_423 : i32 to index
        %get3A_425 = arith.index_cast %add3A_410 : i32 to index
        %get3A_426 = arith.constant 32 : index
        %get3A_427 = tpu.vector_load %arg6[%get3A_424, %get3A_425, %get3A_426] {strides = array<i32>} : memref<2x128x64xf32, #tpu.memory_space<vmem>>, vector<1x1x16xf32>,
        %get3A_428 = vector.shape_cast %get3A_427 : vector<1x1x16xf32> to vector<16xf32>
        %get3A_429 = arith.constant 0 : i32
        %get3A_430 = arith.index_cast %get3A_429 : i32 to index
        %get3A_431 = arith.index_cast %add3A_410 : i32 to index
        %get3A_432 = arith.constant 48 : index
        %get3A_433 = tpu.vector_load %arg6[%get3A_430, %get3A_431, %get3A_432] {strides = array<i32>} : memref<2x128x64xf32, #tpu.memory_space<vmem>>, vector<1x1x16xf32>,
        %get3A_434 = vector.shape_cast %get3A_433 : vector<1x1x16xf32> to vector<16xf32>
        %mul3A_435 = arith.mulf %get3A_416, %get3A_416 : vector<16xf32>
        %mul3A_436 = arith.mulf %get3A_422, %get3A_422 : vector<16xf32>
        %add3A_437 = arith.addf %mul3A_435, %mul3A_436 : vector<16xf32>
        %mul3A_438 = arith.mulf %get3A_428, %get3A_428 : vector<16xf32>
        %add3A_439 = arith.addf %add3A_437, %mul3A_438 : vector<16xf32>
        %mul3A_440 = arith.mulf %get3A_434, %get3A_434 : vector<16xf32>
        %add3A_441 = arith.addf %add3A_439, %mul3A_440 : vector<16xf32>
        %iota3A_442 = tpu.iota {dimensions = array<i32: 0>} : vector<16xi32>
        %xor3A_443 = arith.constant 8 : i32
        %xor3A_444 = vector.broadcast %xor3A_443 : i32 to vector<16xi32>
        %xor3A_445 = arith.xori %iota3A_442, %xor3A_444 : vector<16xi32>
        %broadcast_in_dim3A_446 = vector.shape_cast %xor3A_445 : vector<16xi32> to vector<16x1xi32>
        %gather3A_447 = vector.shape_cast %broadcast_in_dim3A_446 : vector<16x1xi32> to vector<16xi32>
        %gather3A_448 = tpu.dynamic_gather %add3A_441[%gather3A_447] in [0] : vector<16xf32>, vector<16xi32> -> vector<16xf32>
        %add3A_449 = arith.addf %add3A_441, %gather3A_448 : vector<16xf32>
        %xor3A_450 = arith.constant 4 : i32
        %xor3A_451 = vector.broadcast %xor3A_450 : i32 to vector<16xi32>
        %xor3A_452 = arith.xori %iota3A_442, %xor3A_451 : vector<16xi32>
        %broadcast_in_dim3A_453 = vector.shape_cast %xor3A_452 : vector<16xi32> to vector<16x1xi32>
        %gather3A_454 = vector.shape_cast %broadcast_in_dim3A_453 : vector<16x1xi32> to vector<16xi32>
        %gather3A_455 = tpu.dynamic_gather %add3A_449[%gather3A_454] in [0] : vector<16xf32>, vector<16xi32> -> vector<16xf32>
        %add3A_456 = arith.addf %add3A_449, %gather3A_455 : vector<16xf32>
        %xor3A_457 = arith.constant 2 : i32
        %xor3A_458 = vector.broadcast %xor3A_457 : i32 to vector<16xi32>
        %xor3A_459 = arith.xori %iota3A_442, %xor3A_458 : vector<16xi32>
        %broadcast_in_dim3A_460 = vector.shape_cast %xor3A_459 : vector<16xi32> to vector<16x1xi32>
        %gather3A_461 = vector.shape_cast %broadcast_in_dim3A_460 : vector<16x1xi32> to vector<16xi32>
        %gather3A_462 = tpu.dynamic_gather %add3A_456[%gather3A_461] in [0] : vector<16xf32>, vector<16xi32> -> vector<16xf32>
        %add3A_463 = arith.addf %add3A_456, %gather3A_462 : vector<16xf32>
        %xor3A_464 = arith.constant 1 : i32
        %xor3A_465 = vector.broadcast %xor3A_464 : i32 to vector<16xi32>
        %xor3A_466 = arith.xori %iota3A_442, %xor3A_465 : vector<16xi32>
        %broadcast_in_dim3A_467 = vector.shape_cast %xor3A_466 : vector<16xi32> to vector<16x1xi32>
        %gather3A_468 = vector.shape_cast %broadcast_in_dim3A_467 : vector<16x1xi32> to vector<16xi32>
        %gather3A_469 = tpu.dynamic_gather %add3A_463[%gather3A_468] in [0] : vector<16xf32>, vector<16xi32> -> vector<16xf32>
        %add3A_470 = arith.addf %add3A_463, %gather3A_469 : vector<16xf32>
        %bitcast_convert_type3A_471 = tpu.bitcast %add3A_470 : vector<16xf32> -> vector<16xi32>
        %shift_right_arithmetic3A_472 = arith.constant 1 : i32
        %shift_right_arithmetic3A_473 = vector.broadcast %shift_right_arithmetic3A_472 : i32 to vector<16xi32>
        %shift_right_arithmetic3A_474 = arith.shrsi %bitcast_convert_type3A_471, %shift_right_arithmetic3A_473 : vector<16xi32>
        %sub3A_475 = arith.constant 1597463007 : i32
        %sub3A_476 = vector.broadcast %sub3A_475 : i32 to vector<16xi32>
        %sub3A_477 = arith.subi %sub3A_476, %shift_right_arithmetic3A_474 : vector<16xi32>
        %bitcast_convert_type3A_478 = tpu.bitcast %sub3A_477 : vector<16xi32> -> vector<16xf32>
        %mul3A_479 = arith.constant 5.000000e-01 : f32
        %mul3A_480 = vector.broadcast %mul3A_479 : f32 to vector<16xf32>
        %mul3A_481 = arith.mulf %mul3A_480, %add3A_470 : vector<16xf32>
        %mul3A_482 = arith.mulf %mul3A_481, %bitcast_convert_type3A_478 : vector<16xf32>
        %mul3A_483 = arith.mulf %mul3A_482, %bitcast_convert_type3A_478 : vector<16xf32>
        %sub3A_484 = arith.constant 1.500000e+00 : f32
        %sub3A_485 = vector.broadcast %sub3A_484 : f32 to vector<16xf32>
        %sub3A_486 = arith.subf %sub3A_485, %mul3A_483 : vector<16xf32>
        %mul3A_487 = arith.mulf %bitcast_convert_type3A_478, %sub3A_486 : vector<16xf32>
        %mul3A_488 = arith.constant 5.000000e-01 : f32
        %mul3A_489 = vector.broadcast %mul3A_488 : f32 to vector<16xf32>
        %mul3A_490 = arith.mulf %mul3A_489, %add3A_470 : vector<16xf32>
        %mul3A_491 = arith.mulf %mul3A_490, %mul3A_487 : vector<16xf32>
        %mul3A_492 = arith.mulf %mul3A_491, %mul3A_487 : vector<16xf32>
        %sub3A_493 = arith.constant 1.500000e+00 : f32
        %sub3A_494 = vector.broadcast %sub3A_493 : f32 to vector<16xf32>
        %sub3A_495 = arith.subf %sub3A_494, %mul3A_492 : vector<16xf32>
        %mul3A_496 = arith.mulf %mul3A_487, %sub3A_495 : vector<16xf32>
        %mul3A_497 = arith.mulf %get3A_416, %mul3A_496 : vector<16xf32>
        %swap3A_498 = arith.constant 0 : i32
        %swap3A_499 = arith.index_cast %swap3A_498 : i32 to index
        %swap3A_500 = arith.index_cast %add3A_410 : i32 to index
        %swap3A_501 = arith.constant 0 : index
        %swap3A_502 = tpu.vector_load %arg7[%swap3A_499, %swap3A_500, %swap3A_501] {strides = array<i32>} : memref<2x128x64xf32, #tpu.memory_space<vmem>>, vector<1x1x16xf32>,
        %swap3A_503 = vector.shape_cast %swap3A_502 : vector<1x1x16xf32> to vector<16xf32>
        %swap3A_504 = vector.shape_cast %mul3A_497 : vector<16xf32> to vector<1x1x16xf32>
        tpu.vector_store %arg7[%swap3A_499, %swap3A_500, %swap3A_501], %swap3A_504 {strides = array<i32>} : memref<2x128x64xf32, #tpu.memory_space<vmem>>, vector<1x1x16xf32>,
        %mul3A_505 = arith.mulf %get3A_422, %mul3A_496 : vector<16xf32>
        %swap3A_506 = arith.constant 0 : i32
        %swap3A_507 = arith.index_cast %swap3A_506 : i32 to index
        %swap3A_508 = arith.index_cast %add3A_410 : i32 to index
        %swap3A_509 = arith.constant 16 : index
        %swap3A_510 = tpu.vector_load %arg7[%swap3A_507, %swap3A_508, %swap3A_509] {strides = array<i32>} : memref<2x128x64xf32, #tpu.memory_space<vmem>>, vector<1x1x16xf32>,
        %swap3A_511 = vector.shape_cast %swap3A_510 : vector<1x1x16xf32> to vector<16xf32>
        %swap3A_512 = vector.shape_cast %mul3A_505 : vector<16xf32> to vector<1x1x16xf32>
        tpu.vector_store %arg7[%swap3A_507, %swap3A_508, %swap3A_509], %swap3A_512 {strides = array<i32>} : memref<2x128x64xf32, #tpu.memory_space<vmem>>, vector<1x1x16xf32>,
        %mul3A_513 = arith.mulf %get3A_428, %mul3A_496 : vector<16xf32>
        %swap3A_514 = arith.constant 0 : i32
        %swap3A_515 = arith.index_cast %swap3A_514 : i32 to index
        %swap3A_516 = arith.index_cast %add3A_410 : i32 to index
        %swap3A_517 = arith.constant 32 : index
        %swap3A_518 = tpu.vector_load %arg7[%swap3A_515, %swap3A_516, %swap3A_517] {strides = array<i32>} : memref<2x128x64xf32, #tpu.memory_space<vmem>>, vector<1x1x16xf32>,
        %swap3A_519 = vector.shape_cast %swap3A_518 : vector<1x1x16xf32> to vector<16xf32>
        %swap3A_520 = vector.shape_cast %mul3A_513 : vector<16xf32> to vector<1x1x16xf32>
        tpu.vector_store %arg7[%swap3A_515, %swap3A_516, %swap3A_517], %swap3A_520 {strides = array<i32>} : memref<2x128x64xf32, #tpu.memory_space<vmem>>, vector<1x1x16xf32>,
        %mul3A_521 = arith.mulf %get3A_434, %mul3A_496 : vector<16xf32>
        %swap3A_522 = arith.constant 0 : i32
        %swap3A_523 = arith.index_cast %swap3A_522 : i32 to index
        %swap3A_524 = arith.index_cast %add3A_410 : i32 to index
        %swap3A_525 = arith.constant 48 : index
        %swap3A_526 = tpu.vector_load %arg7[%swap3A_523, %swap3A_524, %swap3A_525] {strides = array<i32>} : memref<2x128x64xf32, #tpu.memory_space<vmem>>, vector<1x1x16xf32>,
        %swap3A_527 = vector.shape_cast %swap3A_526 : vector<1x1x16xf32> to vector<16xf32>
        %swap3A_528 = vector.shape_cast %mul3A_521 : vector<16xf32> to vector<1x1x16xf32>
        tpu.vector_store %arg7[%swap3A_523, %swap3A_524, %swap3A_525], %swap3A_528 {strides = array<i32>} : memref<2x128x64xf32, #tpu.memory_space<vmem>>, vector<1x1x16xf32>,
        %add3A_529 = arith.constant 3 : i32
        %add3A_530 = arith.addi %mul3A_177, %add3A_529 : i32
        %get3A_531 = arith.constant 0 : i32
        %get3A_532 = arith.index_cast %get3A_531 : i32 to index
        %get3A_533 = arith.index_cast %add3A_530 : i32 to index
        %get3A_534 = arith.constant 0 : index
        %get3A_535 = tpu.vector_load %arg6[%get3A_532, %get3A_533, %get3A_534] {strides = array<i32>} : memref<2x128x64xf32, #tpu.memory_space<vmem>>, vector<1x1x16xf32>,
        %get3A_536 = vector.shape_cast %get3A_535 : vector<1x1x16xf32> to vector<16xf32>
        %get3A_537 = arith.constant 0 : i32
        %get3A_538 = arith.index_cast %get3A_537 : i32 to index
        %get3A_539 = arith.index_cast %add3A_530 : i32 to index
        %get3A_540 = arith.constant 16 : index
        %get3A_541 = tpu.vector_load %arg6[%get3A_538, %get3A_539, %get3A_540] {strides = array<i32>} : memref<2x128x64xf32, #tpu.memory_space<vmem>>, vector<1x1x16xf32>,
        %get3A_542 = vector.shape_cast %get3A_541 : vector<1x1x16xf32> to vector<16xf32>
        %get3A_543 = arith.constant 0 : i32
        %get3A_544 = arith.index_cast %get3A_543 : i32 to index
        %get3A_545 = arith.index_cast %add3A_530 : i32 to index
        %get3A_546 = arith.constant 32 : index
        %get3A_547 = tpu.vector_load %arg6[%get3A_544, %get3A_545, %get3A_546] {strides = array<i32>} : memref<2x128x64xf32, #tpu.memory_space<vmem>>, vector<1x1x16xf32>,
        %get3A_548 = vector.shape_cast %get3A_547 : vector<1x1x16xf32> to vector<16xf32>
        %get3A_549 = arith.constant 0 : i32
        %get3A_550 = arith.index_cast %get3A_549 : i32 to index
        %get3A_551 = arith.index_cast %add3A_530 : i32 to index
        %get3A_552 = arith.constant 48 : index
        %get3A_553 = tpu.vector_load %arg6[%get3A_550, %get3A_551, %get3A_552] {strides = array<i32>} : memref<2x128x64xf32, #tpu.memory_space<vmem>>, vector<1x1x16xf32>,
        %get3A_554 = vector.shape_cast %get3A_553 : vector<1x1x16xf32> to vector<16xf32>
        %mul3A_555 = arith.mulf %get3A_536, %get3A_536 : vector<16xf32>
        %mul3A_556 = arith.mulf %get3A_542, %get3A_542 : vector<16xf32>
        %add3A_557 = arith.addf %mul3A_555, %mul3A_556 : vector<16xf32>
        %mul3A_558 = arith.mulf %get3A_548, %get3A_548 : vector<16xf32>
        %add3A_559 = arith.addf %add3A_557, %mul3A_558 : vector<16xf32>
        %mul3A_560 = arith.mulf %get3A_554, %get3A_554 : vector<16xf32>
        %add3A_561 = arith.addf %add3A_559, %mul3A_560 : vector<16xf32>
        %iota3A_562 = tpu.iota {dimensions = array<i32: 0>} : vector<16xi32>
        %xor3A_563 = arith.constant 8 : i32
        %xor3A_564 = vector.broadcast %xor3A_563 : i32 to vector<16xi32>
        %xor3A_565 = arith.xori %iota3A_562, %xor3A_564 : vector<16xi32>
        %broadcast_in_dim3A_566 = vector.shape_cast %xor3A_565 : vector<16xi32> to vector<16x1xi32>
        %gather3A_567 = vector.shape_cast %broadcast_in_dim3A_566 : vector<16x1xi32> to vector<16xi32>
        %gather3A_568 = tpu.dynamic_gather %add3A_561[%gather3A_567] in [0] : vector<16xf32>, vector<16xi32> -> vector<16xf32>
        %add3A_569 = arith.addf %add3A_561, %gather3A_568 : vector<16xf32>
        %xor3A_570 = arith.constant 4 : i32
        %xor3A_571 = vector.broadcast %xor3A_570 : i32 to vector<16xi32>
        %xor3A_572 = arith.xori %iota3A_562, %xor3A_571 : vector<16xi32>
        %broadcast_in_dim3A_573 = vector.shape_cast %xor3A_572 : vector<16xi32> to vector<16x1xi32>
        %gather3A_574 = vector.shape_cast %broadcast_in_dim3A_573 : vector<16x1xi32> to vector<16xi32>
        %gather3A_575 = tpu.dynamic_gather %add3A_569[%gather3A_574] in [0] : vector<16xf32>, vector<16xi32> -> vector<16xf32>
        %add3A_576 = arith.addf %add3A_569, %gather3A_575 : vector<16xf32>
        %xor3A_577 = arith.constant 2 : i32
        %xor3A_578 = vector.broadcast %xor3A_577 : i32 to vector<16xi32>
        %xor3A_579 = arith.xori %iota3A_562, %xor3A_578 : vector<16xi32>
        %broadcast_in_dim3A_580 = vector.shape_cast %xor3A_579 : vector<16xi32> to vector<16x1xi32>
        %gather3A_581 = vector.shape_cast %broadcast_in_dim3A_580 : vector<16x1xi32> to vector<16xi32>
        %gather3A_582 = tpu.dynamic_gather %add3A_576[%gather3A_581] in [0] : vector<16xf32>, vector<16xi32> -> vector<16xf32>
        %add3A_583 = arith.addf %add3A_576, %gather3A_582 : vector<16xf32>
        %xor3A_584 = arith.constant 1 : i32
        %xor3A_585 = vector.broadcast %xor3A_584 : i32 to vector<16xi32>
        %xor3A_586 = arith.xori %iota3A_562, %xor3A_585 : vector<16xi32>
        %broadcast_in_dim3A_587 = vector.shape_cast %xor3A_586 : vector<16xi32> to vector<16x1xi32>
        %gather3A_588 = vector.shape_cast %broadcast_in_dim3A_587 : vector<16x1xi32> to vector<16xi32>
        %gather3A_589 = tpu.dynamic_gather %add3A_583[%gather3A_588] in [0] : vector<16xf32>, vector<16xi32> -> vector<16xf32>
        %add3A_590 = arith.addf %add3A_583, %gather3A_589 : vector<16xf32>
        %bitcast_convert_type3A_591 = tpu.bitcast %add3A_590 : vector<16xf32> -> vector<16xi32>
        %shift_right_arithmetic3A_592 = arith.constant 1 : i32
        %shift_right_arithmetic3A_593 = vector.broadcast %shift_right_arithmetic3A_592 : i32 to vector<16xi32>
        %shift_right_arithmetic3A_594 = arith.shrsi %bitcast_convert_type3A_591, %shift_right_arithmetic3A_593 : vector<16xi32>
        %sub3A_595 = arith.constant 1597463007 : i32
        %sub3A_596 = vector.broadcast %sub3A_595 : i32 to vector<16xi32>
        %sub3A_597 = arith.subi %sub3A_596, %shift_right_arithmetic3A_594 : vector<16xi32>
        %bitcast_convert_type3A_598 = tpu.bitcast %sub3A_597 : vector<16xi32> -> vector<16xf32>
        %mul3A_599 = arith.constant 5.000000e-01 : f32
        %mul3A_600 = vector.broadcast %mul3A_599 : f32 to vector<16xf32>
        %mul3A_601 = arith.mulf %mul3A_600, %add3A_590 : vector<16xf32>
        %mul3A_602 = arith.mulf %mul3A_601, %bitcast_convert_type3A_598 : vector<16xf32>
        %mul3A_603 = arith.mulf %mul3A_602, %bitcast_convert_type3A_598 : vector<16xf32>
        %sub3A_604 = arith.constant 1.500000e+00 : f32
        %sub3A_605 = vector.broadcast %sub3A_604 : f32 to vector<16xf32>
        %sub3A_606 = arith.subf %sub3A_605, %mul3A_603 : vector<16xf32>
        %mul3A_607 = arith.mulf %bitcast_convert_type3A_598, %sub3A_606 : vector<16xf32>
        %mul3A_608 = arith.constant 5.000000e-01 : f32
        %mul3A_609 = vector.broadcast %mul3A_608 : f32 to vector<16xf32>
        %mul3A_610 = arith.mulf %mul3A_609, %add3A_590 : vector<16xf32>
        %mul3A_611 = arith.mulf %mul3A_610, %mul3A_607 : vector<16xf32>
        %mul3A_612 = arith.mulf %mul3A_611, %mul3A_607 : vector<16xf32>
        %sub3A_613 = arith.constant 1.500000e+00 : f32
        %sub3A_614 = vector.broadcast %sub3A_613 : f32 to vector<16xf32>
        %sub3A_615 = arith.subf %sub3A_614, %mul3A_612 : vector<16xf32>
        %mul3A_616 = arith.mulf %mul3A_607, %sub3A_615 : vector<16xf32>
        %mul3A_617 = arith.mulf %get3A_536, %mul3A_616 : vector<16xf32>
        %swap3A_618 = arith.constant 0 : i32
        %swap3A_619 = arith.index_cast %swap3A_618 : i32 to index
        %swap3A_620 = arith.index_cast %add3A_530 : i32 to index
        %swap3A_621 = arith.constant 0 : index
        %swap3A_622 = tpu.vector_load %arg7[%swap3A_619, %swap3A_620, %swap3A_621] {strides = array<i32>} : memref<2x128x64xf32, #tpu.memory_space<vmem>>, vector<1x1x16xf32>,
        %swap3A_623 = vector.shape_cast %swap3A_622 : vector<1x1x16xf32> to vector<16xf32>
        %swap3A_624 = vector.shape_cast %mul3A_617 : vector<16xf32> to vector<1x1x16xf32>
        tpu.vector_store %arg7[%swap3A_619, %swap3A_620, %swap3A_621], %swap3A_624 {strides = array<i32>} : memref<2x128x64xf32, #tpu.memory_space<vmem>>, vector<1x1x16xf32>,
        %mul3A_625 = arith.mulf %get3A_542, %mul3A_616 : vector<16xf32>
        %swap3A_626 = arith.constant 0 : i32
        %swap3A_627 = arith.index_cast %swap3A_626 : i32 to index
        %swap3A_628 = arith.index_cast %add3A_530 : i32 to index
        %swap3A_629 = arith.constant 16 : index
        %swap3A_630 = tpu.vector_load %arg7[%swap3A_627, %swap3A_628, %swap3A_629] {strides = array<i32>} : memref<2x128x64xf32, #tpu.memory_space<vmem>>, vector<1x1x16xf32>,
        %swap3A_631 = vector.shape_cast %swap3A_630 : vector<1x1x16xf32> to vector<16xf32>
        %swap3A_632 = vector.shape_cast %mul3A_625 : vector<16xf32> to vector<1x1x16xf32>
        tpu.vector_store %arg7[%swap3A_627, %swap3A_628, %swap3A_629], %swap3A_632 {strides = array<i32>} : memref<2x128x64xf32, #tpu.memory_space<vmem>>, vector<1x1x16xf32>,
        %mul3A_633 = arith.mulf %get3A_548, %mul3A_616 : vector<16xf32>
        %swap3A_634 = arith.constant 0 : i32
        %swap3A_635 = arith.index_cast %swap3A_634 : i32 to index
        %swap3A_636 = arith.index_cast %add3A_530 : i32 to index
        %swap3A_637 = arith.constant 32 : index
        %swap3A_638 = tpu.vector_load %arg7[%swap3A_635, %swap3A_636, %swap3A_637] {strides = array<i32>} : memref<2x128x64xf32, #tpu.memory_space<vmem>>, vector<1x1x16xf32>,
        %swap3A_639 = vector.shape_cast %swap3A_638 : vector<1x1x16xf32> to vector<16xf32>
        %swap3A_640 = vector.shape_cast %mul3A_633 : vector<16xf32> to vector<1x1x16xf32>
        tpu.vector_store %arg7[%swap3A_635, %swap3A_636, %swap3A_637], %swap3A_640 {strides = array<i32>} : memref<2x128x64xf32, #tpu.memory_space<vmem>>, vector<1x1x16xf32>,
        %mul3A_641 = arith.mulf %get3A_554, %mul3A_616 : vector<16xf32>
        %swap3A_642 = arith.constant 0 : i32
        %swap3A_643 = arith.index_cast %swap3A_642 : i32 to index
        %swap3A_644 = arith.index_cast %add3A_530 : i32 to index
        %swap3A_645 = arith.constant 48 : index
        %swap3A_646 = tpu.vector_load %arg7[%swap3A_643, %swap3A_644, %swap3A_645] {strides = array<i32>} : memref<2x128x64xf32, #tpu.memory_space<vmem>>, vector<1x1x16xf32>,
        %swap3A_647 = vector.shape_cast %swap3A_646 : vector<1x1x16xf32> to vector<16xf32>
        %swap3A_648 = vector.shape_cast %mul3A_641 : vector<16xf32> to vector<1x1x16xf32>
        tpu.vector_store %arg7[%swap3A_643, %swap3A_644, %swap3A_645], %swap3A_648 {strides = array<i32>} : memref<2x128x64xf32, #tpu.memory_space<vmem>>, vector<1x1x16xf32>,
        %add3A_649 = arith.constant 4 : i32
        %add3A_650 = arith.addi %mul3A_177, %add3A_649 : i32
        %get3A_651 = arith.constant 0 : i32
        %get3A_652 = arith.index_cast %get3A_651 : i32 to index
        %get3A_653 = arith.index_cast %add3A_650 : i32 to index
        %get3A_654 = arith.constant 0 : index
        %get3A_655 = tpu.vector_load %arg6[%get3A_652, %get3A_653, %get3A_654] {strides = array<i32>} : memref<2x128x64xf32, #tpu.memory_space<vmem>>, vector<1x1x16xf32>,
        %get3A_656 = vector.shape_cast %get3A_655 : vector<1x1x16xf32> to vector<16xf32>
        %get3A_657 = arith.constant 0 : i32
        %get3A_658 = arith.index_cast %get3A_657 : i32 to index
        %get3A_659 = arith.index_cast %add3A_650 : i32 to index
        %get3A_660 = arith.constant 16 : index
        %get3A_661 = tpu.vector_load %arg6[%get3A_658, %get3A_659, %get3A_660] {strides = array<i32>} : memref<2x128x64xf32, #tpu.memory_space<vmem>>, vector<1x1x16xf32>,
        %get3A_662 = vector.shape_cast %get3A_661 : vector<1x1x16xf32> to vector<16xf32>
        %get3A_663 = arith.constant 0 : i32
        %get3A_664 = arith.index_cast %get3A_663 : i32 to index
        %get3A_665 = arith.index_cast %add3A_650 : i32 to index
        %get3A_666 = arith.constant 32 : index
        %get3A_667 = tpu.vector_load %arg6[%get3A_664, %get3A_665, %get3A_666] {strides = array<i32>} : memref<2x128x64xf32, #tpu.memory_space<vmem>>, vector<1x1x16xf32>,
        %get3A_668 = vector.shape_cast %get3A_667 : vector<1x1x16xf32> to vector<16xf32>
        %get3A_669 = arith.constant 0 : i32
        %get3A_670 = arith.index_cast %get3A_669 : i32 to index
        %get3A_671 = arith.index_cast %add3A_650 : i32 to index
        %get3A_672 = arith.constant 48 : index
        %get3A_673 = tpu.vector_load %arg6[%get3A_670, %get3A_671, %get3A_672] {strides = array<i32>} : memref<2x128x64xf32, #tpu.memory_space<vmem>>, vector<1x1x16xf32>,
        %get3A_674 = vector.shape_cast %get3A_673 : vector<1x1x16xf32> to vector<16xf32>
        %mul3A_675 = arith.mulf %get3A_656, %get3A_656 : vector<16xf32>
        %mul3A_676 = arith.mulf %get3A_662, %get3A_662 : vector<16xf32>
        %add3A_677 = arith.addf %mul3A_675, %mul3A_676 : vector<16xf32>
        %mul3A_678 = arith.mulf %get3A_668, %get3A_668 : vector<16xf32>
        %add3A_679 = arith.addf %add3A_677, %mul3A_678 : vector<16xf32>
        %mul3A_680 = arith.mulf %get3A_674, %get3A_674 : vector<16xf32>
        %add3A_681 = arith.addf %add3A_679, %mul3A_680 : vector<16xf32>
        %iota3A_682 = tpu.iota {dimensions = array<i32: 0>} : vector<16xi32>
        %xor3A_683 = arith.constant 8 : i32
        %xor3A_684 = vector.broadcast %xor3A_683 : i32 to vector<16xi32>
        %xor3A_685 = arith.xori %iota3A_682, %xor3A_684 : vector<16xi32>
        %broadcast_in_dim3A_686 = vector.shape_cast %xor3A_685 : vector<16xi32> to vector<16x1xi32>
        %gather3A_687 = vector.shape_cast %broadcast_in_dim3A_686 : vector<16x1xi32> to vector<16xi32>
        %gather3A_688 = tpu.dynamic_gather %add3A_681[%gather3A_687] in [0] : vector<16xf32>, vector<16xi32> -> vector<16xf32>
        %add3A_689 = arith.addf %add3A_681, %gather3A_688 : vector<16xf32>
        %xor3A_690 = arith.constant 4 : i32
        %xor3A_691 = vector.broadcast %xor3A_690 : i32 to vector<16xi32>
        %xor3A_692 = arith.xori %iota3A_682, %xor3A_691 : vector<16xi32>
        %broadcast_in_dim3A_693 = vector.shape_cast %xor3A_692 : vector<16xi32> to vector<16x1xi32>
        %gather3A_694 = vector.shape_cast %broadcast_in_dim3A_693 : vector<16x1xi32> to vector<16xi32>
        %gather3A_695 = tpu.dynamic_gather %add3A_689[%gather3A_694] in [0] : vector<16xf32>, vector<16xi32> -> vector<16xf32>
        %add3A_696 = arith.addf %add3A_689, %gather3A_695 : vector<16xf32>
        %xor3A_697 = arith.constant 2 : i32
        %xor3A_698 = vector.broadcast %xor3A_697 : i32 to vector<16xi32>
        %xor3A_699 = arith.xori %iota3A_682, %xor3A_698 : vector<16xi32>
        %broadcast_in_dim3A_700 = vector.shape_cast %xor3A_699 : vector<16xi32> to vector<16x1xi32>
        %gather3A_701 = vector.shape_cast %broadcast_in_dim3A_700 : vector<16x1xi32> to vector<16xi32>
        %gather3A_702 = tpu.dynamic_gather %add3A_696[%gather3A_701] in [0] : vector<16xf32>, vector<16xi32> -> vector<16xf32>
        %add3A_703 = arith.addf %add3A_696, %gather3A_702 : vector<16xf32>
        %xor3A_704 = arith.constant 1 : i32
        %xor3A_705 = vector.broadcast %xor3A_704 : i32 to vector<16xi32>
        %xor3A_706 = arith.xori %iota3A_682, %xor3A_705 : vector<16xi32>
        %broadcast_in_dim3A_707 = vector.shape_cast %xor3A_706 : vector<16xi32> to vector<16x1xi32>
        %gather3A_708 = vector.shape_cast %broadcast_in_dim3A_707 : vector<16x1xi32> to vector<16xi32>
        %gather3A_709 = tpu.dynamic_gather %add3A_703[%gather3A_708] in [0] : vector<16xf32>, vector<16xi32> -> vector<16xf32>
        %add3A_710 = arith.addf %add3A_703, %gather3A_709 : vector<16xf32>
        %bitcast_convert_type3A_711 = tpu.bitcast %add3A_710 : vector<16xf32> -> vector<16xi32>
        %shift_right_arithmetic3A_712 = arith.constant 1 : i32
        %shift_right_arithmetic3A_713 = vector.broadcast %shift_right_arithmetic3A_712 : i32 to vector<16xi32>
        %shift_right_arithmetic3A_714 = arith.shrsi %bitcast_convert_type3A_711, %shift_right_arithmetic3A_713 : vector<16xi32>
        %sub3A_715 = arith.constant 1597463007 : i32
        %sub3A_716 = vector.broadcast %sub3A_715 : i32 to vector<16xi32>
        %sub3A_717 = arith.subi %sub3A_716, %shift_right_arithmetic3A_714 : vector<16xi32>
        %bitcast_convert_type3A_718 = tpu.bitcast %sub3A_717 : vector<16xi32> -> vector<16xf32>
        %mul3A_719 = arith.constant 5.000000e-01 : f32
        %mul3A_720 = vector.broadcast %mul3A_719 : f32 to vector<16xf32>
        %mul3A_721 = arith.mulf %mul3A_720, %add3A_710 : vector<16xf32>
        %mul3A_722 = arith.mulf %mul3A_721, %bitcast_convert_type3A_718 : vector<16xf32>
        %mul3A_723 = arith.mulf %mul3A_722, %bitcast_convert_type3A_718 : vector<16xf32>
        %sub3A_724 = arith.constant 1.500000e+00 : f32
        %sub3A_725 = vector.broadcast %sub3A_724 : f32 to vector<16xf32>
        %sub3A_726 = arith.subf %sub3A_725, %mul3A_723 : vector<16xf32>
        %mul3A_727 = arith.mulf %bitcast_convert_type3A_718, %sub3A_726 : vector<16xf32>
        %mul3A_728 = arith.constant 5.000000e-01 : f32
        %mul3A_729 = vector.broadcast %mul3A_728 : f32 to vector<16xf32>
        %mul3A_730 = arith.mulf %mul3A_729, %add3A_710 : vector<16xf32>
        %mul3A_731 = arith.mulf %mul3A_730, %mul3A_727 : vector<16xf32>
        %mul3A_732 = arith.mulf %mul3A_731, %mul3A_727 : vector<16xf32>
        %sub3A_733 = arith.constant 1.500000e+00 : f32
        %sub3A_734 = vector.broadcast %sub3A_733 : f32 to vector<16xf32>
        %sub3A_735 = arith.subf %sub3A_734, %mul3A_732 : vector<16xf32>
        %mul3A_736 = arith.mulf %mul3A_727, %sub3A_735 : vector<16xf32>
        %mul3A_737 = arith.mulf %get3A_656, %mul3A_736 : vector<16xf32>
        %swap3A_738 = arith.constant 0 : i32
        %swap3A_739 = arith.index_cast %swap3A_738 : i32 to index
        %swap3A_740 = arith.index_cast %add3A_650 : i32 to index
        %swap3A_741 = arith.constant 0 : index
        %swap3A_742 = tpu.vector_load %arg7[%swap3A_739, %swap3A_740, %swap3A_741] {strides = array<i32>} : memref<2x128x64xf32, #tpu.memory_space<vmem>>, vector<1x1x16xf32>,
        %swap3A_743 = vector.shape_cast %swap3A_742 : vector<1x1x16xf32> to vector<16xf32>
        %swap3A_744 = vector.shape_cast %mul3A_737 : vector<16xf32> to vector<1x1x16xf32>
        tpu.vector_store %arg7[%swap3A_739, %swap3A_740, %swap3A_741], %swap3A_744 {strides = array<i32>} : memref<2x128x64xf32, #tpu.memory_space<vmem>>, vector<1x1x16xf32>,
        %mul3A_745 = arith.mulf %get3A_662, %mul3A_736 : vector<16xf32>
        %swap3A_746 = arith.constant 0 : i32
        %swap3A_747 = arith.index_cast %swap3A_746 : i32 to index
        %swap3A_748 = arith.index_cast %add3A_650 : i32 to index
        %swap3A_749 = arith.constant 16 : index
        %swap3A_750 = tpu.vector_load %arg7[%swap3A_747, %swap3A_748, %swap3A_749] {strides = array<i32>} : memref<2x128x64xf32, #tpu.memory_space<vmem>>, vector<1x1x16xf32>,
        %swap3A_751 = vector.shape_cast %swap3A_750 : vector<1x1x16xf32> to vector<16xf32>
        %swap3A_752 = vector.shape_cast %mul3A_745 : vector<16xf32> to vector<1x1x16xf32>
        tpu.vector_store %arg7[%swap3A_747, %swap3A_748, %swap3A_749], %swap3A_752 {strides = array<i32>} : memref<2x128x64xf32, #tpu.memory_space<vmem>>, vector<1x1x16xf32>,
        %mul3A_753 = arith.mulf %get3A_668, %mul3A_736 : vector<16xf32>
        %swap3A_754 = arith.constant 0 : i32
        %swap3A_755 = arith.index_cast %swap3A_754 : i32 to index
        %swap3A_756 = arith.index_cast %add3A_650 : i32 to index
        %swap3A_757 = arith.constant 32 : index
        %swap3A_758 = tpu.vector_load %arg7[%swap3A_755, %swap3A_756, %swap3A_757] {strides = array<i32>} : memref<2x128x64xf32, #tpu.memory_space<vmem>>, vector<1x1x16xf32>,
        %swap3A_759 = vector.shape_cast %swap3A_758 : vector<1x1x16xf32> to vector<16xf32>
        %swap3A_760 = vector.shape_cast %mul3A_753 : vector<16xf32> to vector<1x1x16xf32>
        tpu.vector_store %arg7[%swap3A_755, %swap3A_756, %swap3A_757], %swap3A_760 {strides = array<i32>} : memref<2x128x64xf32, #tpu.memory_space<vmem>>, vector<1x1x16xf32>,
        %mul3A_761 = arith.mulf %get3A_674, %mul3A_736 : vector<16xf32>
        %swap3A_762 = arith.constant 0 : i32
        %swap3A_763 = arith.index_cast %swap3A_762 : i32 to index
        %swap3A_764 = arith.index_cast %add3A_650 : i32 to index
        %swap3A_765 = arith.constant 48 : index
        %swap3A_766 = tpu.vector_load %arg7[%swap3A_763, %swap3A_764, %swap3A_765] {strides = array<i32>} : memref<2x128x64xf32, #tpu.memory_space<vmem>>, vector<1x1x16xf32>,
        %swap3A_767 = vector.shape_cast %swap3A_766 : vector<1x1x16xf32> to vector<16xf32>
        %swap3A_768 = vector.shape_cast %mul3A_761 : vector<16xf32> to vector<1x1x16xf32>
        tpu.vector_store %arg7[%swap3A_763, %swap3A_764, %swap3A_765], %swap3A_768 {strides = array<i32>} : memref<2x128x64xf32, #tpu.memory_space<vmem>>, vector<1x1x16xf32>,
        %add3A_769 = arith.constant 5 : i32
        %add3A_770 = arith.addi %mul3A_177, %add3A_769 : i32
        %get3A_771 = arith.constant 0 : i32
        %get3A_772 = arith.index_cast %get3A_771 : i32 to index
        %get3A_773 = arith.index_cast %add3A_770 : i32 to index
        %get3A_774 = arith.constant 0 : index
        %get3A_775 = tpu.vector_load %arg6[%get3A_772, %get3A_773, %get3A_774] {strides = array<i32>} : memref<2x128x64xf32, #tpu.memory_space<vmem>>, vector<1x1x16xf32>,
        %get3A_776 = vector.shape_cast %get3A_775 : vector<1x1x16xf32> to vector<16xf32>
        %get3A_777 = arith.constant 0 : i32
        %get3A_778 = arith.index_cast %get3A_777 : i32 to index
        %get3A_779 = arith.index_cast %add3A_770 : i32 to index
        %get3A_780 = arith.constant 16 : index
        %get3A_781 = tpu.vector_load %arg6[%get3A_778, %get3A_779, %get3A_780] {strides = array<i32>} : memref<2x128x64xf32, #tpu.memory_space<vmem>>, vector<1x1x16xf32>,
        %get3A_782 = vector.shape_cast %get3A_781 : vector<1x1x16xf32> to vector<16xf32>
        %get3A_783 = arith.constant 0 : i32
        %get3A_784 = arith.index_cast %get3A_783 : i32 to index
        %get3A_785 = arith.index_cast %add3A_770 : i32 to index
        %get3A_786 = arith.constant 32 : index
        %get3A_787 = tpu.vector_load %arg6[%get3A_784, %get3A_785, %get3A_786] {strides = array<i32>} : memref<2x128x64xf32, #tpu.memory_space<vmem>>, vector<1x1x16xf32>,
        %get3A_788 = vector.shape_cast %get3A_787 : vector<1x1x16xf32> to vector<16xf32>
        %get3A_789 = arith.constant 0 : i32
        %get3A_790 = arith.index_cast %get3A_789 : i32 to index
        %get3A_791 = arith.index_cast %add3A_770 : i32 to index
        %get3A_792 = arith.constant 48 : index
        %get3A_793 = tpu.vector_load %arg6[%get3A_790, %get3A_791, %get3A_792] {strides = array<i32>} : memref<2x128x64xf32, #tpu.memory_space<vmem>>, vector<1x1x16xf32>,
        %get3A_794 = vector.shape_cast %get3A_793 : vector<1x1x16xf32> to vector<16xf32>
        %mul3A_795 = arith.mulf %get3A_776, %get3A_776 : vector<16xf32>
        %mul3A_796 = arith.mulf %get3A_782, %get3A_782 : vector<16xf32>
        %add3A_797 = arith.addf %mul3A_795, %mul3A_796 : vector<16xf32>
        %mul3A_798 = arith.mulf %get3A_788, %get3A_788 : vector<16xf32>
        %add3A_799 = arith.addf %add3A_797, %mul3A_798 : vector<16xf32>
        %mul3A_800 = arith.mulf %get3A_794, %get3A_794 : vector<16xf32>
        %add3A_801 = arith.addf %add3A_799, %mul3A_800 : vector<16xf32>
        %iota3A_802 = tpu.iota {dimensions = array<i32: 0>} : vector<16xi32>
        %xor3A_803 = arith.constant 8 : i32
        %xor3A_804 = vector.broadcast %xor3A_803 : i32 to vector<16xi32>
        %xor3A_805 = arith.xori %iota3A_802, %xor3A_804 : vector<16xi32>
        %broadcast_in_dim3A_806 = vector.shape_cast %xor3A_805 : vector<16xi32> to vector<16x1xi32>
        %gather3A_807 = vector.shape_cast %broadcast_in_dim3A_806 : vector<16x1xi32> to vector<16xi32>
        %gather3A_808 = tpu.dynamic_gather %add3A_801[%gather3A_807] in [0] : vector<16xf32>, vector<16xi32> -> vector<16xf32>
        %add3A_809 = arith.addf %add3A_801, %gather3A_808 : vector<16xf32>
        %xor3A_810 = arith.constant 4 : i32
        %xor3A_811 = vector.broadcast %xor3A_810 : i32 to vector<16xi32>
        %xor3A_812 = arith.xori %iota3A_802, %xor3A_811 : vector<16xi32>
        %broadcast_in_dim3A_813 = vector.shape_cast %xor3A_812 : vector<16xi32> to vector<16x1xi32>
        %gather3A_814 = vector.shape_cast %broadcast_in_dim3A_813 : vector<16x1xi32> to vector<16xi32>
        %gather3A_815 = tpu.dynamic_gather %add3A_809[%gather3A_814] in [0] : vector<16xf32>, vector<16xi32> -> vector<16xf32>
        %add3A_816 = arith.addf %add3A_809, %gather3A_815 : vector<16xf32>
        %xor3A_817 = arith.constant 2 : i32
        %xor3A_818 = vector.broadcast %xor3A_817 : i32 to vector<16xi32>
        %xor3A_819 = arith.xori %iota3A_802, %xor3A_818 : vector<16xi32>
        %broadcast_in_dim3A_820 = vector.shape_cast %xor3A_819 : vector<16xi32> to vector<16x1xi32>
        %gather3A_821 = vector.shape_cast %broadcast_in_dim3A_820 : vector<16x1xi32> to vector<16xi32>
        %gather3A_822 = tpu.dynamic_gather %add3A_816[%gather3A_821] in [0] : vector<16xf32>, vector<16xi32> -> vector<16xf32>
        %add3A_823 = arith.addf %add3A_816, %gather3A_822 : vector<16xf32>
        %xor3A_824 = arith.constant 1 : i32
        %xor3A_825 = vector.broadcast %xor3A_824 : i32 to vector<16xi32>
        %xor3A_826 = arith.xori %iota3A_802, %xor3A_825 : vector<16xi32>
        %broadcast_in_dim3A_827 = vector.shape_cast %xor3A_826 : vector<16xi32> to vector<16x1xi32>
        %gather3A_828 = vector.shape_cast %broadcast_in_dim3A_827 : vector<16x1xi32> to vector<16xi32>
        %gather3A_829 = tpu.dynamic_gather %add3A_823[%gather3A_828] in [0] : vector<16xf32>, vector<16xi32> -> vector<16xf32>
        %add3A_830 = arith.addf %add3A_823, %gather3A_829 : vector<16xf32>
        %bitcast_convert_type3A_831 = tpu.bitcast %add3A_830 : vector<16xf32> -> vector<16xi32>
        %shift_right_arithmetic3A_832 = arith.constant 1 : i32
        %shift_right_arithmetic3A_833 = vector.broadcast %shift_right_arithmetic3A_832 : i32 to vector<16xi32>
        %shift_right_arithmetic3A_834 = arith.shrsi %bitcast_convert_type3A_831, %shift_right_arithmetic3A_833 : vector<16xi32>
        %sub3A_835 = arith.constant 1597463007 : i32
        %sub3A_836 = vector.broadcast %sub3A_835 : i32 to vector<16xi32>
        %sub3A_837 = arith.subi %sub3A_836, %shift_right_arithmetic3A_834 : vector<16xi32>
        %bitcast_convert_type3A_838 = tpu.bitcast %sub3A_837 : vector<16xi32> -> vector<16xf32>
        %mul3A_839 = arith.constant 5.000000e-01 : f32
        %mul3A_840 = vector.broadcast %mul3A_839 : f32 to vector<16xf32>
        %mul3A_841 = arith.mulf %mul3A_840, %add3A_830 : vector<16xf32>
        %mul3A_842 = arith.mulf %mul3A_841, %bitcast_convert_type3A_838 : vector<16xf32>
        %mul3A_843 = arith.mulf %mul3A_842, %bitcast_convert_type3A_838 : vector<16xf32>
        %sub3A_844 = arith.constant 1.500000e+00 : f32
        %sub3A_845 = vector.broadcast %sub3A_844 : f32 to vector<16xf32>
        %sub3A_846 = arith.subf %sub3A_845, %mul3A_843 : vector<16xf32>
        %mul3A_847 = arith.mulf %bitcast_convert_type3A_838, %sub3A_846 : vector<16xf32>
        %mul3A_848 = arith.constant 5.000000e-01 : f32
        %mul3A_849 = vector.broadcast %mul3A_848 : f32 to vector<16xf32>
        %mul3A_850 = arith.mulf %mul3A_849, %add3A_830 : vector<16xf32>
        %mul3A_851 = arith.mulf %mul3A_850, %mul3A_847 : vector<16xf32>
        %mul3A_852 = arith.mulf %mul3A_851, %mul3A_847 : vector<16xf32>
        %sub3A_853 = arith.constant 1.500000e+00 : f32
        %sub3A_854 = vector.broadcast %sub3A_853 : f32 to vector<16xf32>
        %sub3A_855 = arith.subf %sub3A_854, %mul3A_852 : vector<16xf32>
        %mul3A_856 = arith.mulf %mul3A_847, %sub3A_855 : vector<16xf32>
        %mul3A_857 = arith.mulf %get3A_776, %mul3A_856 : vector<16xf32>
        %swap3A_858 = arith.constant 0 : i32
        %swap3A_859 = arith.index_cast %swap3A_858 : i32 to index
        %swap3A_860 = arith.index_cast %add3A_770 : i32 to index
        %swap3A_861 = arith.constant 0 : index
        %swap3A_862 = tpu.vector_load %arg7[%swap3A_859, %swap3A_860, %swap3A_861] {strides = array<i32>} : memref<2x128x64xf32, #tpu.memory_space<vmem>>, vector<1x1x16xf32>,
        %swap3A_863 = vector.shape_cast %swap3A_862 : vector<1x1x16xf32> to vector<16xf32>
        %swap3A_864 = vector.shape_cast %mul3A_857 : vector<16xf32> to vector<1x1x16xf32>
        tpu.vector_store %arg7[%swap3A_859, %swap3A_860, %swap3A_861], %swap3A_864 {strides = array<i32>} : memref<2x128x64xf32, #tpu.memory_space<vmem>>, vector<1x1x16xf32>,
        %mul3A_865 = arith.mulf %get3A_782, %mul3A_856 : vector<16xf32>
        %swap3A_866 = arith.constant 0 : i32
        %swap3A_867 = arith.index_cast %swap3A_866 : i32 to index
        %swap3A_868 = arith.index_cast %add3A_770 : i32 to index
        %swap3A_869 = arith.constant 16 : index
        %swap3A_870 = tpu.vector_load %arg7[%swap3A_867, %swap3A_868, %swap3A_869] {strides = array<i32>} : memref<2x128x64xf32, #tpu.memory_space<vmem>>, vector<1x1x16xf32>,
        %swap3A_871 = vector.shape_cast %swap3A_870 : vector<1x1x16xf32> to vector<16xf32>
        %swap3A_872 = vector.shape_cast %mul3A_865 : vector<16xf32> to vector<1x1x16xf32>
        tpu.vector_store %arg7[%swap3A_867, %swap3A_868, %swap3A_869], %swap3A_872 {strides = array<i32>} : memref<2x128x64xf32, #tpu.memory_space<vmem>>, vector<1x1x16xf32>,
        %mul3A_873 = arith.mulf %get3A_788, %mul3A_856 : vector<16xf32>
        %swap3A_874 = arith.constant 0 : i32
        %swap3A_875 = arith.index_cast %swap3A_874 : i32 to index
        %swap3A_876 = arith.index_cast %add3A_770 : i32 to index
        %swap3A_877 = arith.constant 32 : index
        %swap3A_878 = tpu.vector_load %arg7[%swap3A_875, %swap3A_876, %swap3A_877] {strides = array<i32>} : memref<2x128x64xf32, #tpu.memory_space<vmem>>, vector<1x1x16xf32>,
        %swap3A_879 = vector.shape_cast %swap3A_878 : vector<1x1x16xf32> to vector<16xf32>
        %swap3A_880 = vector.shape_cast %mul3A_873 : vector<16xf32> to vector<1x1x16xf32>
        tpu.vector_store %arg7[%swap3A_875, %swap3A_876, %swap3A_877], %swap3A_880 {strides = array<i32>} : memref<2x128x64xf32, #tpu.memory_space<vmem>>, vector<1x1x16xf32>,
        %mul3A_881 = arith.mulf %get3A_794, %mul3A_856 : vector<16xf32>
        %swap3A_882 = arith.constant 0 : i32
        %swap3A_883 = arith.index_cast %swap3A_882 : i32 to index
        %swap3A_884 = arith.index_cast %add3A_770 : i32 to index
        %swap3A_885 = arith.constant 48 : index
        %swap3A_886 = tpu.vector_load %arg7[%swap3A_883, %swap3A_884, %swap3A_885] {strides = array<i32>} : memref<2x128x64xf32, #tpu.memory_space<vmem>>, vector<1x1x16xf32>,
        %swap3A_887 = vector.shape_cast %swap3A_886 : vector<1x1x16xf32> to vector<16xf32>
        %swap3A_888 = vector.shape_cast %mul3A_881 : vector<16xf32> to vector<1x1x16xf32>
        tpu.vector_store %arg7[%swap3A_883, %swap3A_884, %swap3A_885], %swap3A_888 {strides = array<i32>} : memref<2x128x64xf32, #tpu.memory_space<vmem>>, vector<1x1x16xf32>,
        %add3A_889 = arith.constant 6 : i32
        %add3A_890 = arith.addi %mul3A_177, %add3A_889 : i32
        %get3A_891 = arith.constant 0 : i32
        %get3A_892 = arith.index_cast %get3A_891 : i32 to index
        %get3A_893 = arith.index_cast %add3A_890 : i32 to index
        %get3A_894 = arith.constant 0 : index
        %get3A_895 = tpu.vector_load %arg6[%get3A_892, %get3A_893, %get3A_894] {strides = array<i32>} : memref<2x128x64xf32, #tpu.memory_space<vmem>>, vector<1x1x16xf32>,
        %get3A_896 = vector.shape_cast %get3A_895 : vector<1x1x16xf32> to vector<16xf32>
        %get3A_897 = arith.constant 0 : i32
        %get3A_898 = arith.index_cast %get3A_897 : i32 to index
        %get3A_899 = arith.index_cast %add3A_890 : i32 to index
        %get3A_900 = arith.constant 16 : index
        %get3A_901 = tpu.vector_load %arg6[%get3A_898, %get3A_899, %get3A_900] {strides = array<i32>} : memref<2x128x64xf32, #tpu.memory_space<vmem>>, vector<1x1x16xf32>,
        %get3A_902 = vector.shape_cast %get3A_901 : vector<1x1x16xf32> to vector<16xf32>
        %get3A_903 = arith.constant 0 : i32
        %get3A_904 = arith.index_cast %get3A_903 : i32 to index
        %get3A_905 = arith.index_cast %add3A_890 : i32 to index
        %get3A_906 = arith.constant 32 : index
        %get3A_907 = tpu.vector_load %arg6[%get3A_904, %get3A_905, %get3A_906] {strides = array<i32>} : memref<2x128x64xf32, #tpu.memory_space<vmem>>, vector<1x1x16xf32>,
        %get3A_908 = vector.shape_cast %get3A_907 : vector<1x1x16xf32> to vector<16xf32>
        %get3A_909 = arith.constant 0 : i32
        %get3A_910 = arith.index_cast %get3A_909 : i32 to index
        %get3A_911 = arith.index_cast %add3A_890 : i32 to index
        %get3A_912 = arith.constant 48 : index
        %get3A_913 = tpu.vector_load %arg6[%get3A_910, %get3A_911, %get3A_912] {strides = array<i32>} : memref<2x128x64xf32, #tpu.memory_space<vmem>>, vector<1x1x16xf32>,
        %get3A_914 = vector.shape_cast %get3A_913 : vector<1x1x16xf32> to vector<16xf32>
        %mul3A_915 = arith.mulf %get3A_896, %get3A_896 : vector<16xf32>
        %mul3A_916 = arith.mulf %get3A_902, %get3A_902 : vector<16xf32>
        %add3A_917 = arith.addf %mul3A_915, %mul3A_916 : vector<16xf32>
        %mul3A_918 = arith.mulf %get3A_908, %get3A_908 : vector<16xf32>
        %add3A_919 = arith.addf %add3A_917, %mul3A_918 : vector<16xf32>
        %mul3A_920 = arith.mulf %get3A_914, %get3A_914 : vector<16xf32>
        %add3A_921 = arith.addf %add3A_919, %mul3A_920 : vector<16xf32>
        %iota3A_922 = tpu.iota {dimensions = array<i32: 0>} : vector<16xi32>
        %xor3A_923 = arith.constant 8 : i32
        %xor3A_924 = vector.broadcast %xor3A_923 : i32 to vector<16xi32>
        %xor3A_925 = arith.xori %iota3A_922, %xor3A_924 : vector<16xi32>
        %broadcast_in_dim3A_926 = vector.shape_cast %xor3A_925 : vector<16xi32> to vector<16x1xi32>
        %gather3A_927 = vector.shape_cast %broadcast_in_dim3A_926 : vector<16x1xi32> to vector<16xi32>
        %gather3A_928 = tpu.dynamic_gather %add3A_921[%gather3A_927] in [0] : vector<16xf32>, vector<16xi32> -> vector<16xf32>
        %add3A_929 = arith.addf %add3A_921, %gather3A_928 : vector<16xf32>
        %xor3A_930 = arith.constant 4 : i32
        %xor3A_931 = vector.broadcast %xor3A_930 : i32 to vector<16xi32>
        %xor3A_932 = arith.xori %iota3A_922, %xor3A_931 : vector<16xi32>
        %broadcast_in_dim3A_933 = vector.shape_cast %xor3A_932 : vector<16xi32> to vector<16x1xi32>
        %gather3A_934 = vector.shape_cast %broadcast_in_dim3A_933 : vector<16x1xi32> to vector<16xi32>
        %gather3A_935 = tpu.dynamic_gather %add3A_929[%gather3A_934] in [0] : vector<16xf32>, vector<16xi32> -> vector<16xf32>
        %add3A_936 = arith.addf %add3A_929, %gather3A_935 : vector<16xf32>
        %xor3A_937 = arith.constant 2 : i32
        %xor3A_938 = vector.broadcast %xor3A_937 : i32 to vector<16xi32>
        %xor3A_939 = arith.xori %iota3A_922, %xor3A_938 : vector<16xi32>
        %broadcast_in_dim3A_940 = vector.shape_cast %xor3A_939 : vector<16xi32> to vector<16x1xi32>
        %gather3A_941 = vector.shape_cast %broadcast_in_dim3A_940 : vector<16x1xi32> to vector<16xi32>
        %gather3A_942 = tpu.dynamic_gather %add3A_936[%gather3A_941] in [0] : vector<16xf32>, vector<16xi32> -> vector<16xf32>
        %add3A_943 = arith.addf %add3A_936, %gather3A_942 : vector<16xf32>
        %xor3A_944 = arith.constant 1 : i32
        %xor3A_945 = vector.broadcast %xor3A_944 : i32 to vector<16xi32>
        %xor3A_946 = arith.xori %iota3A_922, %xor3A_945 : vector<16xi32>
        %broadcast_in_dim3A_947 = vector.shape_cast %xor3A_946 : vector<16xi32> to vector<16x1xi32>
        %gather3A_948 = vector.shape_cast %broadcast_in_dim3A_947 : vector<16x1xi32> to vector<16xi32>
        %gather3A_949 = tpu.dynamic_gather %add3A_943[%gather3A_948] in [0] : vector<16xf32>, vector<16xi32> -> vector<16xf32>
        %add3A_950 = arith.addf %add3A_943, %gather3A_949 : vector<16xf32>
        %bitcast_convert_type3A_951 = tpu.bitcast %add3A_950 : vector<16xf32> -> vector<16xi32>
        %shift_right_arithmetic3A_952 = arith.constant 1 : i32
        %shift_right_arithmetic3A_953 = vector.broadcast %shift_right_arithmetic3A_952 : i32 to vector<16xi32>
        %shift_right_arithmetic3A_954 = arith.shrsi %bitcast_convert_type3A_951, %shift_right_arithmetic3A_953 : vector<16xi32>
        %sub3A_955 = arith.constant 1597463007 : i32
        %sub3A_956 = vector.broadcast %sub3A_955 : i32 to vector<16xi32>
        %sub3A_957 = arith.subi %sub3A_956, %shift_right_arithmetic3A_954 : vector<16xi32>
        %bitcast_convert_type3A_958 = tpu.bitcast %sub3A_957 : vector<16xi32> -> vector<16xf32>
        %mul3A_959 = arith.constant 5.000000e-01 : f32
        %mul3A_960 = vector.broadcast %mul3A_959 : f32 to vector<16xf32>
        %mul3A_961 = arith.mulf %mul3A_960, %add3A_950 : vector<16xf32>
        %mul3A_962 = arith.mulf %mul3A_961, %bitcast_convert_type3A_958 : vector<16xf32>
        %mul3A_963 = arith.mulf %mul3A_962, %bitcast_convert_type3A_958 : vector<16xf32>
        %sub3A_964 = arith.constant 1.500000e+00 : f32
        %sub3A_965 = vector.broadcast %sub3A_964 : f32 to vector<16xf32>
        %sub3A_966 = arith.subf %sub3A_965, %mul3A_963 : vector<16xf32>
        %mul3A_967 = arith.mulf %bitcast_convert_type3A_958, %sub3A_966 : vector<16xf32>
        %mul3A_968 = arith.constant 5.000000e-01 : f32
        %mul3A_969 = vector.broadcast %mul3A_968 : f32 to vector<16xf32>
        %mul3A_970 = arith.mulf %mul3A_969, %add3A_950 : vector<16xf32>
        %mul3A_971 = arith.mulf %mul3A_970, %mul3A_967 : vector<16xf32>
        %mul3A_972 = arith.mulf %mul3A_971, %mul3A_967 : vector<16xf32>
        %sub3A_973 = arith.constant 1.500000e+00 : f32
        %sub3A_974 = vector.broadcast %sub3A_973 : f32 to vector<16xf32>
        %sub3A_975 = arith.subf %sub3A_974, %mul3A_972 : vector<16xf32>
        %mul3A_976 = arith.mulf %mul3A_967, %sub3A_975 : vector<16xf32>
        %mul3A_977 = arith.mulf %get3A_896, %mul3A_976 : vector<16xf32>
        %swap3A_978 = arith.constant 0 : i32
        %swap3A_979 = arith.index_cast %swap3A_978 : i32 to index
        %swap3A_980 = arith.index_cast %add3A_890 : i32 to index
        %swap3A_981 = arith.constant 0 : index
        %swap3A_982 = tpu.vector_load %arg7[%swap3A_979, %swap3A_980, %swap3A_981] {strides = array<i32>} : memref<2x128x64xf32, #tpu.memory_space<vmem>>, vector<1x1x16xf32>,
        %swap3A_983 = vector.shape_cast %swap3A_982 : vector<1x1x16xf32> to vector<16xf32>
        %swap3A_984 = vector.shape_cast %mul3A_977 : vector<16xf32> to vector<1x1x16xf32>
        tpu.vector_store %arg7[%swap3A_979, %swap3A_980, %swap3A_981], %swap3A_984 {strides = array<i32>} : memref<2x128x64xf32, #tpu.memory_space<vmem>>, vector<1x1x16xf32>,
        %mul3A_985 = arith.mulf %get3A_902, %mul3A_976 : vector<16xf32>
        %swap3A_986 = arith.constant 0 : i32
        %swap3A_987 = arith.index_cast %swap3A_986 : i32 to index
        %swap3A_988 = arith.index_cast %add3A_890 : i32 to index
        %swap3A_989 = arith.constant 16 : index
        %swap3A_990 = tpu.vector_load %arg7[%swap3A_987, %swap3A_988, %swap3A_989] {strides = array<i32>} : memref<2x128x64xf32, #tpu.memory_space<vmem>>, vector<1x1x16xf32>,
        %swap3A_991 = vector.shape_cast %swap3A_990 : vector<1x1x16xf32> to vector<16xf32>
        %swap3A_992 = vector.shape_cast %mul3A_985 : vector<16xf32> to vector<1x1x16xf32>
        tpu.vector_store %arg7[%swap3A_987, %swap3A_988, %swap3A_989], %swap3A_992 {strides = array<i32>} : memref<2x128x64xf32, #tpu.memory_space<vmem>>, vector<1x1x16xf32>,
        %mul3A_993 = arith.mulf %get3A_908, %mul3A_976 : vector<16xf32>
        %swap3A_994 = arith.constant 0 : i32
        %swap3A_995 = arith.index_cast %swap3A_994 : i32 to index
        %swap3A_996 = arith.index_cast %add3A_890 : i32 to index
        %swap3A_997 = arith.constant 32 : index
        %swap3A_998 = tpu.vector_load %arg7[%swap3A_995, %swap3A_996, %swap3A_997] {strides = array<i32>} : memref<2x128x64xf32, #tpu.memory_space<vmem>>, vector<1x1x16xf32>,
        %swap3A_999 = vector.shape_cast %swap3A_998 : vector<1x1x16xf32> to vector<16xf32>
        %swap3A_1000 = vector.shape_cast %mul3A_993 : vector<16xf32> to vector<1x1x16xf32>
        tpu.vector_store %arg7[%swap3A_995, %swap3A_996, %swap3A_997], %swap3A_1000 {strides = array<i32>} : memref<2x128x64xf32, #tpu.memory_space<vmem>>, vector<1x1x16xf32>,
        %mul3A_1001 = arith.mulf %get3A_914, %mul3A_976 : vector<16xf32>
        %swap3A_1002 = arith.constant 0 : i32
        %swap3A_1003 = arith.index_cast %swap3A_1002 : i32 to index
        %swap3A_1004 = arith.index_cast %add3A_890 : i32 to index
        %swap3A_1005 = arith.constant 48 : index
        %swap3A_1006 = tpu.vector_load %arg7[%swap3A_1003, %swap3A_1004, %swap3A_1005] {strides = array<i32>} : memref<2x128x64xf32, #tpu.memory_space<vmem>>, vector<1x1x16xf32>,
        %swap3A_1007 = vector.shape_cast %swap3A_1006 : vector<1x1x16xf32> to vector<16xf32>
        %swap3A_1008 = vector.shape_cast %mul3A_1001 : vector<16xf32> to vector<1x1x16xf32>
        tpu.vector_store %arg7[%swap3A_1003, %swap3A_1004, %swap3A_1005], %swap3A_1008 {strides = array<i32>} : memref<2x128x64xf32, #tpu.memory_space<vmem>>, vector<1x1x16xf32>,
        %add3A_1009 = arith.constant 7 : i32
        %add3A_1010 = arith.addi %mul3A_177, %add3A_1009 : i32
        %get3A_1011 = arith.constant 0 : i32
        %get3A_1012 = arith.index_cast %get3A_1011 : i32 to index
        %get3A_1013 = arith.index_cast %add3A_1010 : i32 to index
        %get3A_1014 = arith.constant 0 : index
        %get3A_1015 = tpu.vector_load %arg6[%get3A_1012, %get3A_1013, %get3A_1014] {strides = array<i32>} : memref<2x128x64xf32, #tpu.memory_space<vmem>>, vector<1x1x16xf32>,
        %get3A_1016 = vector.shape_cast %get3A_1015 : vector<1x1x16xf32> to vector<16xf32>
        %get3A_1017 = arith.constant 0 : i32
        %get3A_1018 = arith.index_cast %get3A_1017 : i32 to index
        %get3A_1019 = arith.index_cast %add3A_1010 : i32 to index
        %get3A_1020 = arith.constant 16 : index
        %get3A_1021 = tpu.vector_load %arg6[%get3A_1018, %get3A_1019, %get3A_1020] {strides = array<i32>} : memref<2x128x64xf32, #tpu.memory_space<vmem>>, vector<1x1x16xf32>,
        %get3A_1022 = vector.shape_cast %get3A_1021 : vector<1x1x16xf32> to vector<16xf32>
        %get3A_1023 = arith.constant 0 : i32
        %get3A_1024 = arith.index_cast %get3A_1023 : i32 to index
        %get3A_1025 = arith.index_cast %add3A_1010 : i32 to index
        %get3A_1026 = arith.constant 32 : index
        %get3A_1027 = tpu.vector_load %arg6[%get3A_1024, %get3A_1025, %get3A_1026] {strides = array<i32>} : memref<2x128x64xf32, #tpu.memory_space<vmem>>, vector<1x1x16xf32>,
        %get3A_1028 = vector.shape_cast %get3A_1027 : vector<1x1x16xf32> to vector<16xf32>
        %get3A_1029 = arith.constant 0 : i32
        %get3A_1030 = arith.index_cast %get3A_1029 : i32 to index
        %get3A_1031 = arith.index_cast %add3A_1010 : i32 to index
        %get3A_1032 = arith.constant 48 : index
        %get3A_1033 = tpu.vector_load %arg6[%get3A_1030, %get3A_1031, %get3A_1032] {strides = array<i32>} : memref<2x128x64xf32, #tpu.memory_space<vmem>>, vector<1x1x16xf32>,
        %get3A_1034 = vector.shape_cast %get3A_1033 : vector<1x1x16xf32> to vector<16xf32>
        %mul3A_1035 = arith.mulf %get3A_1016, %get3A_1016 : vector<16xf32>
        %mul3A_1036 = arith.mulf %get3A_1022, %get3A_1022 : vector<16xf32>
        %add3A_1037 = arith.addf %mul3A_1035, %mul3A_1036 : vector<16xf32>
        %mul3A_1038 = arith.mulf %get3A_1028, %get3A_1028 : vector<16xf32>
        %add3A_1039 = arith.addf %add3A_1037, %mul3A_1038 : vector<16xf32>
        %mul3A_1040 = arith.mulf %get3A_1034, %get3A_1034 : vector<16xf32>
        %add3A_1041 = arith.addf %add3A_1039, %mul3A_1040 : vector<16xf32>
        %iota3A_1042 = tpu.iota {dimensions = array<i32: 0>} : vector<16xi32>
        %xor3A_1043 = arith.constant 8 : i32
        %xor3A_1044 = vector.broadcast %xor3A_1043 : i32 to vector<16xi32>
        %xor3A_1045 = arith.xori %iota3A_1042, %xor3A_1044 : vector<16xi32>
        %broadcast_in_dim3A_1046 = vector.shape_cast %xor3A_1045 : vector<16xi32> to vector<16x1xi32>
        %gather3A_1047 = vector.shape_cast %broadcast_in_dim3A_1046 : vector<16x1xi32> to vector<16xi32>
        %gather3A_1048 = tpu.dynamic_gather %add3A_1041[%gather3A_1047] in [0] : vector<16xf32>, vector<16xi32> -> vector<16xf32>
        %add3A_1049 = arith.addf %add3A_1041, %gather3A_1048 : vector<16xf32>
        %xor3A_1050 = arith.constant 4 : i32
        %xor3A_1051 = vector.broadcast %xor3A_1050 : i32 to vector<16xi32>
        %xor3A_1052 = arith.xori %iota3A_1042, %xor3A_1051 : vector<16xi32>
        %broadcast_in_dim3A_1053 = vector.shape_cast %xor3A_1052 : vector<16xi32> to vector<16x1xi32>
        %gather3A_1054 = vector.shape_cast %broadcast_in_dim3A_1053 : vector<16x1xi32> to vector<16xi32>
        %gather3A_1055 = tpu.dynamic_gather %add3A_1049[%gather3A_1054] in [0] : vector<16xf32>, vector<16xi32> -> vector<16xf32>
        %add3A_1056 = arith.addf %add3A_1049, %gather3A_1055 : vector<16xf32>
        %xor3A_1057 = arith.constant 2 : i32
        %xor3A_1058 = vector.broadcast %xor3A_1057 : i32 to vector<16xi32>
        %xor3A_1059 = arith.xori %iota3A_1042, %xor3A_1058 : vector<16xi32>
        %broadcast_in_dim3A_1060 = vector.shape_cast %xor3A_1059 : vector<16xi32> to vector<16x1xi32>
        %gather3A_1061 = vector.shape_cast %broadcast_in_dim3A_1060 : vector<16x1xi32> to vector<16xi32>
        %gather3A_1062 = tpu.dynamic_gather %add3A_1056[%gather3A_1061] in [0] : vector<16xf32>, vector<16xi32> -> vector<16xf32>
        %add3A_1063 = arith.addf %add3A_1056, %gather3A_1062 : vector<16xf32>
        %xor3A_1064 = arith.constant 1 : i32
        %xor3A_1065 = vector.broadcast %xor3A_1064 : i32 to vector<16xi32>
        %xor3A_1066 = arith.xori %iota3A_1042, %xor3A_1065 : vector<16xi32>
        %broadcast_in_dim3A_1067 = vector.shape_cast %xor3A_1066 : vector<16xi32> to vector<16x1xi32>
        %gather3A_1068 = vector.shape_cast %broadcast_in_dim3A_1067 : vector<16x1xi32> to vector<16xi32>
        %gather3A_1069 = tpu.dynamic_gather %add3A_1063[%gather3A_1068] in [0] : vector<16xf32>, vector<16xi32> -> vector<16xf32>
        %add3A_1070 = arith.addf %add3A_1063, %gather3A_1069 : vector<16xf32>
        %bitcast_convert_type3A_1071 = tpu.bitcast %add3A_1070 : vector<16xf32> -> vector<16xi32>
        %shift_right_arithmetic3A_1072 = arith.constant 1 : i32
        %shift_right_arithmetic3A_1073 = vector.broadcast %shift_right_arithmetic3A_1072 : i32 to vector<16xi32>
        %shift_right_arithmetic3A_1074 = arith.shrsi %bitcast_convert_type3A_1071, %shift_right_arithmetic3A_1073 : vector<16xi32>
        %sub3A_1075 = arith.constant 1597463007 : i32
        %sub3A_1076 = vector.broadcast %sub3A_1075 : i32 to vector<16xi32>
        %sub3A_1077 = arith.subi %sub3A_1076, %shift_right_arithmetic3A_1074 : vector<16xi32>
        %bitcast_convert_type3A_1078 = tpu.bitcast %sub3A_1077 : vector<16xi32> -> vector<16xf32>
        %mul3A_1079 = arith.constant 5.000000e-01 : f32
        %mul3A_1080 = vector.broadcast %mul3A_1079 : f32 to vector<16xf32>
        %mul3A_1081 = arith.mulf %mul3A_1080, %add3A_1070 : vector<16xf32>
        %mul3A_1082 = arith.mulf %mul3A_1081, %bitcast_convert_type3A_1078 : vector<16xf32>
        %mul3A_1083 = arith.mulf %mul3A_1082, %bitcast_convert_type3A_1078 : vector<16xf32>
        %sub3A_1084 = arith.constant 1.500000e+00 : f32
        %sub3A_1085 = vector.broadcast %sub3A_1084 : f32 to vector<16xf32>
        %sub3A_1086 = arith.subf %sub3A_1085, %mul3A_1083 : vector<16xf32>
        %mul3A_1087 = arith.mulf %bitcast_convert_type3A_1078, %sub3A_1086 : vector<16xf32>
        %mul3A_1088 = arith.constant 5.000000e-01 : f32
        %mul3A_1089 = vector.broadcast %mul3A_1088 : f32 to vector<16xf32>
        %mul3A_1090 = arith.mulf %mul3A_1089, %add3A_1070 : vector<16xf32>
        %mul3A_1091 = arith.mulf %mul3A_1090, %mul3A_1087 : vector<16xf32>
        %mul3A_1092 = arith.mulf %mul3A_1091, %mul3A_1087 : vector<16xf32>
        %sub3A_1093 = arith.constant 1.500000e+00 : f32
        %sub3A_1094 = vector.broadcast %sub3A_1093 : f32 to vector<16xf32>
        %sub3A_1095 = arith.subf %sub3A_1094, %mul3A_1092 : vector<16xf32>
        %mul3A_1096 = arith.mulf %mul3A_1087, %sub3A_1095 : vector<16xf32>
        %mul3A_1097 = arith.mulf %get3A_1016, %mul3A_1096 : vector<16xf32>
        %swap3A_1098 = arith.constant 0 : i32
        %swap3A_1099 = arith.index_cast %swap3A_1098 : i32 to index
        %swap3A_1100 = arith.index_cast %add3A_1010 : i32 to index
        %swap3A_1101 = arith.constant 0 : index
        %swap3A_1102 = tpu.vector_load %arg7[%swap3A_1099, %swap3A_1100, %swap3A_1101] {strides = array<i32>} : memref<2x128x64xf32, #tpu.memory_space<vmem>>, vector<1x1x16xf32>,
        %swap3A_1103 = vector.shape_cast %swap3A_1102 : vector<1x1x16xf32> to vector<16xf32>
        %swap3A_1104 = vector.shape_cast %mul3A_1097 : vector<16xf32> to vector<1x1x16xf32>
        tpu.vector_store %arg7[%swap3A_1099, %swap3A_1100, %swap3A_1101], %swap3A_1104 {strides = array<i32>} : memref<2x128x64xf32, #tpu.memory_space<vmem>>, vector<1x1x16xf32>,
        %mul3A_1105 = arith.mulf %get3A_1022, %mul3A_1096 : vector<16xf32>
        %swap3A_1106 = arith.constant 0 : i32
        %swap3A_1107 = arith.index_cast %swap3A_1106 : i32 to index
        %swap3A_1108 = arith.index_cast %add3A_1010 : i32 to index
        %swap3A_1109 = arith.constant 16 : index
        %swap3A_1110 = tpu.vector_load %arg7[%swap3A_1107, %swap3A_1108, %swap3A_1109] {strides = array<i32>} : memref<2x128x64xf32, #tpu.memory_space<vmem>>, vector<1x1x16xf32>,
        %swap3A_1111 = vector.shape_cast %swap3A_1110 : vector<1x1x16xf32> to vector<16xf32>
        %swap3A_1112 = vector.shape_cast %mul3A_1105 : vector<16xf32> to vector<1x1x16xf32>
        tpu.vector_store %arg7[%swap3A_1107, %swap3A_1108, %swap3A_1109], %swap3A_1112 {strides = array<i32>} : memref<2x128x64xf32, #tpu.memory_space<vmem>>, vector<1x1x16xf32>,
        %mul3A_1113 = arith.mulf %get3A_1028, %mul3A_1096 : vector<16xf32>
        %swap3A_1114 = arith.constant 0 : i32
        %swap3A_1115 = arith.index_cast %swap3A_1114 : i32 to index
        %swap3A_1116 = arith.index_cast %add3A_1010 : i32 to index
        %swap3A_1117 = arith.constant 32 : index
        %swap3A_1118 = tpu.vector_load %arg7[%swap3A_1115, %swap3A_1116, %swap3A_1117] {strides = array<i32>} : memref<2x128x64xf32, #tpu.memory_space<vmem>>, vector<1x1x16xf32>,
        %swap3A_1119 = vector.shape_cast %swap3A_1118 : vector<1x1x16xf32> to vector<16xf32>
        %swap3A_1120 = vector.shape_cast %mul3A_1113 : vector<16xf32> to vector<1x1x16xf32>
        tpu.vector_store %arg7[%swap3A_1115, %swap3A_1116, %swap3A_1117], %swap3A_1120 {strides = array<i32>} : memref<2x128x64xf32, #tpu.memory_space<vmem>>, vector<1x1x16xf32>,
        %mul3A_1121 = arith.mulf %get3A_1034, %mul3A_1096 : vector<16xf32>
        %swap3A_1122 = arith.constant 0 : i32
        %swap3A_1123 = arith.index_cast %swap3A_1122 : i32 to index
        %swap3A_1124 = arith.index_cast %add3A_1010 : i32 to index
        %swap3A_1125 = arith.constant 48 : index
        %swap3A_1126 = tpu.vector_load %arg7[%swap3A_1123, %swap3A_1124, %swap3A_1125] {strides = array<i32>} : memref<2x128x64xf32, #tpu.memory_space<vmem>>, vector<1x1x16xf32>,
        %swap3A_1127 = vector.shape_cast %swap3A_1126 : vector<1x1x16xf32> to vector<16xf32>
        %swap3A_1128 = vector.shape_cast %mul3A_1121 : vector<16xf32> to vector<1x1x16xf32>
        tpu.vector_store %arg7[%swap3A_1123, %swap3A_1124, %swap3A_1125], %swap3A_1128 {strides = array<i32>} : memref<2x128x64xf32, #tpu.memory_space<vmem>>, vector<1x1x16xf32>,
      }
      %scan3A_94 = arith.constant 16 : i32
      %mul3A_95 = arith.constant 128 : i32
      %mul3A_96 = arith.muli %add3A_72, %mul3A_95 : i32
      %add3A_97 = arith.addi %mul3A_2, %mul3A_96 : i32
      %dma_start3A_98 = arith.constant 0 : i32
      %dma_start3A_99 = arith.constant 0 : i32
      %dma_start3A_100 = arith.constant 0 : i32
      %dma_start3A_101 = arith.constant 0 : i32
      %dma_start3A_102 = tpu.memref_slice %arg7[%dma_start3A_98, %dma_start3A_100, %dma_start3A_101] : memref<2x128x64xf32, #tpu.memory_space<vmem>> -> memref<1x128x64xf32, #tpu.memory_space<vmem>>
      %dma_start3A_103 = tpu.memref_squeeze %dma_start3A_102 : memref<1x128x64xf32, #tpu.memory_space<vmem>> -> memref<128x64xf32, #tpu.memory_space<vmem>>
      %dma_start3A_104 = arith.constant 0 : i32
      %dma_start3A_105 = tpu.memref_slice %arg4[%add3A_97, %dma_start3A_104] : memref<819200x64xf32, #tpu.memory_space<hbm>> -> memref<128x64xf32, #tpu.memory_space<hbm>>
      %dma_start3A_106 = tpu.memref_slice %arg9[%dma_start3A_99] : memref<2x!tpu.dma_semaphore, #tpu.memory_space<semaphore_mem>> -> memref<1x!tpu.dma_semaphore, #tpu.memory_space<semaphore_mem>>
      %dma_start3A_107 = tpu.memref_squeeze %dma_start3A_106 : memref<1x!tpu.dma_semaphore, #tpu.memory_space<semaphore_mem>> -> memref<!tpu.dma_semaphore, #tpu.memory_space<semaphore_mem>>
      %dma_start3A_108 = arith.constant 0 : i32
      %dma_start3A_109 = tpu.memref_slice %arg4[%add3A_97, %dma_start3A_108] : memref<819200x64xf32, #tpu.memory_space<hbm>> -> memref<128x64xf32, #tpu.memory_space<hbm>>
      %dma_start3A_110 = arith.constant 0 : i32
      %dma_start3A_111 = arith.constant 0 : i32
      %dma_start3A_112 = tpu.memref_slice %arg7[%dma_start3A_98, %dma_start3A_110, %dma_start3A_111] : memref<2x128x64xf32, #tpu.memory_space<vmem>> -> memref<1x128x64xf32, #tpu.memory_space<vmem>>
      %dma_start3A_113 = tpu.memref_squeeze %dma_start3A_112 : memref<1x128x64xf32, #tpu.memory_space<vmem>> -> memref<128x64xf32, #tpu.memory_space<vmem>>
      tpu.enqueue_dma source(%dma_start3A_113 : memref<128x64xf32, #tpu.memory_space<vmem>>) target(%dma_start3A_109 : memref<128x64xf32, #tpu.memory_space<hbm>>) target_semaphore(%dma_start3A_107 : memref<!tpu.dma_semaphore, #tpu.memory_space<semaphore_mem>>)
      %add3A_114 = arith.constant 2 : i32
      %add3A_115 = arith.addi %add3A_72, %add3A_114 : i32
      %lt3A = arith.constant 200 : i32
      %lt3A_116 = arith.cmpi slt, %add3A_115, %lt3A : i32
      %convert_element_type3A_117 = arith.extui %lt3A_116 : i1 to i32
      %cond3A_118 = arith.constant 0 : i32
      %cond3A_119 = arith.cmpi ne, %convert_element_type3A_117, %cond3A_118 : i32
      scf.if %cond3A_119 {
        %add3A_175 = arith.constant 2 : i32
        %add3A_176 = arith.addi %add3A_72, %add3A_175 : i32
        %mul3A_177 = arith.constant 128 : i32
        %mul3A_178 = arith.muli %add3A_176, %mul3A_177 : i32
        %dma_start3A_179 = arith.constant 0 : i32
        %dma_start3A_180 = arith.constant 0 : i32
        %dma_start3A_181 = arith.constant 0 : i32
        %dma_start3A_182 = arith.constant 0 : i32
        %dma_start3A_183 = tpu.memref_slice %arg6[%dma_start3A_179, %dma_start3A_181, %dma_start3A_182] : memref<2x128x64xf32, #tpu.memory_space<vmem>> -> memref<1x128x64xf32, #tpu.memory_space<vmem>>
        %dma_start3A_184 = tpu.memref_squeeze %dma_start3A_183 : memref<1x128x64xf32, #tpu.memory_space<vmem>> -> memref<128x64xf32, #tpu.memory_space<vmem>>
        %dma_start3A_185 = tpu.memref_slice %arg5[%mul3A_178] : memref<25600xi32, #tpu.memory_space<vmem>> -> memref<128xi32, #tpu.memory_space<vmem>>
        %dma_start3A_186 = arith.constant 0 : i32
        %dma_start3A_187 = arith.constant 0 : i32
        %dma_start3A_188 = tpu.memref_slice %arg3[%dma_start3A_186, %dma_start3A_187] : memref<1000000x64xf32, #tpu.memory_space<hbm>> -> memref<1000000x64xf32, #tpu.memory_space<hbm>>
        %dma_start3A_189 = tpu.memref_slice %arg8[%dma_start3A_180] : memref<2x!tpu.dma_semaphore, #tpu.memory_space<semaphore_mem>> -> memref<1x!tpu.dma_semaphore, #tpu.memory_space<semaphore_mem>>
        %dma_start3A_190 = tpu.memref_squeeze %dma_start3A_189 : memref<1x!tpu.dma_semaphore, #tpu.memory_space<semaphore_mem>> -> memref<!tpu.dma_semaphore, #tpu.memory_space<semaphore_mem>>
        tpu.enqueue_indirect_dma source(%dma_start3A_188 : memref<1000000x64xf32, #tpu.memory_space<hbm>>) target(%dma_start3A_184 : memref<128x64xf32, #tpu.memory_space<vmem>>) offsets(%dma_start3A_185 : memref<128xi32, #tpu.memory_space<vmem>>) semaphore(%dma_start3A_190 : memref<!tpu.dma_semaphore, #tpu.memory_space<semaphore_mem>>)
      } else {
      }
      %mul3A_120 = arith.constant 2 : i32
      %mul3A_121 = arith.muli %scan3A_68, %mul3A_120 : i32
      %add3A_122 = arith.constant 1 : i32
      %add3A_123 = arith.addi %mul3A_121, %add3A_122 : i32
      %mul3A_124 = arith.constant 128 : i32
      %mul3A_125 = arith.muli %add3A_123, %mul3A_124 : i32
      %dma_wait3A_126 = arith.constant 1 : i32
      %dma_wait3A_127 = arith.constant 1 : i32
      %dma_wait3A_128 = arith.constant 0 : i32
      %dma_wait3A_129 = arith.constant 0 : i32
      %dma_wait3A_130 = tpu.memref_slice %arg6[%dma_wait3A_126, %dma_wait3A_128, %dma_wait3A_129] : memref<2x128x64xf32, #tpu.memory_space<vmem>> -> memref<1x128x64xf32, #tpu.memory_space<vmem>>
      %dma_wait3A_131 = tpu.memref_squeeze %dma_wait3A_130 : memref<1x128x64xf32, #tpu.memory_space<vmem>> -> memref<128x64xf32, #tpu.memory_space<vmem>>
      %dma_wait3A_132 = tpu.memref_slice %arg5[%mul3A_125] : memref<25600xi32, #tpu.memory_space<vmem>> -> memref<128xi32, #tpu.memory_space<vmem>>
      %dma_wait3A_133 = arith.constant 0 : i32
      %dma_wait3A_134 = arith.constant 0 : i32
      %dma_wait3A_135 = tpu.memref_slice %arg3[%dma_wait3A_133, %dma_wait3A_134] : memref<1000000x64xf32, #tpu.memory_space<hbm>> -> memref<1000000x64xf32, #tpu.memory_space<hbm>>
      %dma_wait3A_136 = tpu.memref_slice %arg8[%dma_wait3A_127] : memref<2x!tpu.dma_semaphore, #tpu.memory_space<semaphore_mem>> -> memref<1x!tpu.dma_semaphore, #tpu.memory_space<semaphore_mem>>
      %dma_wait3A_137 = tpu.memref_squeeze %dma_wait3A_136 : memref<1x!tpu.dma_semaphore, #tpu.memory_space<semaphore_mem>> -> memref<!tpu.dma_semaphore, #tpu.memory_space<semaphore_mem>>
      tpu.wait_indirect_dma semaphore(%dma_wait3A_137 : memref<!tpu.dma_semaphore, #tpu.memory_space<semaphore_mem>>) src(%dma_wait3A_135 : memref<1000000x64xf32, #tpu.memory_space<hbm>>) dst(%dma_wait3A_131 : memref<128x64xf32, #tpu.memory_space<vmem>>)
      %ge3A_138 = arith.constant 2 : i32
      %ge3A_139 = arith.cmpi sge, %add3A_123, %ge3A_138 : i32
      %convert_element_type3A_140 = arith.extui %ge3A_139 : i1 to i32
      %cond3A_141 = arith.constant 0 : i32
      %cond3A_142 = arith.cmpi ne, %convert_element_type3A_140, %cond3A_141 : i32
      scf.if %cond3A_142 {
        %sub3A = arith.constant 2 : i32
        %sub3A_175 = arith.subi %add3A_123, %sub3A : i32
        %mul3A_176 = arith.constant 128 : i32
        %mul3A_177 = arith.muli %sub3A_175, %mul3A_176 : i32
        %add3A_178 = arith.addi %mul3A_2, %mul3A_177 : i32
        %dma_wait3A_179 = arith.constant 1 : i32
        %dma_wait3A_180 = arith.constant 1 : i32
        %dma_wait3A_181 = arith.constant 0 : i32
        %dma_wait3A_182 = arith.constant 0 : i32
        %dma_wait3A_183 = tpu.memref_slice %arg7[%dma_wait3A_179, %dma_wait3A_181, %dma_wait3A_182] : memref<2x128x64xf32, #tpu.memory_space<vmem>> -> memref<1x128x64xf32, #tpu.memory_space<vmem>>
        %dma_wait3A_184 = tpu.memref_squeeze %dma_wait3A_183 : memref<1x128x64xf32, #tpu.memory_space<vmem>> -> memref<128x64xf32, #tpu.memory_space<vmem>>
        %dma_wait3A_185 = arith.constant 0 : i32
        %dma_wait3A_186 = tpu.memref_slice %arg4[%add3A_178, %dma_wait3A_185] : memref<819200x64xf32, #tpu.memory_space<hbm>> -> memref<128x64xf32, #tpu.memory_space<hbm>>
        %dma_wait3A_187 = tpu.memref_slice %arg9[%dma_wait3A_180] : memref<2x!tpu.dma_semaphore, #tpu.memory_space<semaphore_mem>> -> memref<1x!tpu.dma_semaphore, #tpu.memory_space<semaphore_mem>>
        %dma_wait3A_188 = tpu.memref_squeeze %dma_wait3A_187 : memref<1x!tpu.dma_semaphore, #tpu.memory_space<semaphore_mem>> -> memref<!tpu.dma_semaphore, #tpu.memory_space<semaphore_mem>>
        %dma_wait3A_189 = arith.constant 0 : i32
        %dma_wait3A_190 = tpu.memref_slice %arg4[%add3A_178, %dma_wait3A_189] : memref<819200x64xf32, #tpu.memory_space<hbm>> -> memref<128x64xf32, #tpu.memory_space<hbm>>
        %dma_wait3A_191 = arith.constant 0 : i32
        %dma_wait3A_192 = arith.constant 0 : i32
        %dma_wait3A_193 = tpu.memref_slice %arg7[%dma_wait3A_179, %dma_wait3A_191, %dma_wait3A_192] : memref<2x128x64xf32, #tpu.memory_space<vmem>> -> memref<1x128x64xf32, #tpu.memory_space<vmem>>
        %dma_wait3A_194 = tpu.memref_squeeze %dma_wait3A_193 : memref<1x128x64xf32, #tpu.memory_space<vmem>> -> memref<128x64xf32, #tpu.memory_space<vmem>>
        tpu.wait_dma2 semaphore(%dma_wait3A_188 : memref<!tpu.dma_semaphore, #tpu.memory_space<semaphore_mem>>) src(%dma_wait3A_194 : memref<128x64xf32, #tpu.memory_space<vmem>>) dst(%dma_wait3A_190 : memref<128x64xf32, #tpu.memory_space<hbm>>)
      } else {
      }
      %scan3A_143 = arith.constant 0 : i32
      %scan3A_144 = arith.constant 0 : i32
      %scan3A_145 = arith.constant 16 : i32
      %scan3A_146 = arith.addi %scan3A_144, %scan3A_145 : i32
      %scan3A_147 = arith.constant 1 : i32
      scf.for %scan3A_175 = %scan3A_144 to %scan3A_146 step %scan3A_147  : i32 {
        %mul3A_176 = arith.constant 8 : i32
        %mul3A_177 = arith.muli %scan3A_175, %mul3A_176 : i32
        %add3A_178 = arith.constant 0 : i32
        %add3A_179 = arith.addi %mul3A_177, %add3A_178 : i32
        %get3A = arith.constant 1 : i32
        %get3A_180 = arith.index_cast %get3A : i32 to index
        %get3A_181 = arith.index_cast %add3A_179 : i32 to index
        %get3A_182 = arith.constant 0 : index
        %get3A_183 = tpu.vector_load %arg6[%get3A_180, %get3A_181, %get3A_182] {strides = array<i32>} : memref<2x128x64xf32, #tpu.memory_space<vmem>>, vector<1x1x16xf32>,
        %get3A_184 = vector.shape_cast %get3A_183 : vector<1x1x16xf32> to vector<16xf32>
        %get3A_185 = arith.constant 1 : i32
        %get3A_186 = arith.index_cast %get3A_185 : i32 to index
        %get3A_187 = arith.index_cast %add3A_179 : i32 to index
        %get3A_188 = arith.constant 16 : index
        %get3A_189 = tpu.vector_load %arg6[%get3A_186, %get3A_187, %get3A_188] {strides = array<i32>} : memref<2x128x64xf32, #tpu.memory_space<vmem>>, vector<1x1x16xf32>,
        %get3A_190 = vector.shape_cast %get3A_189 : vector<1x1x16xf32> to vector<16xf32>
        %get3A_191 = arith.constant 1 : i32
        %get3A_192 = arith.index_cast %get3A_191 : i32 to index
        %get3A_193 = arith.index_cast %add3A_179 : i32 to index
        %get3A_194 = arith.constant 32 : index
        %get3A_195 = tpu.vector_load %arg6[%get3A_192, %get3A_193, %get3A_194] {strides = array<i32>} : memref<2x128x64xf32, #tpu.memory_space<vmem>>, vector<1x1x16xf32>,
        %get3A_196 = vector.shape_cast %get3A_195 : vector<1x1x16xf32> to vector<16xf32>
        %get3A_197 = arith.constant 1 : i32
        %get3A_198 = arith.index_cast %get3A_197 : i32 to index
        %get3A_199 = arith.index_cast %add3A_179 : i32 to index
        %get3A_200 = arith.constant 48 : index
        %get3A_201 = tpu.vector_load %arg6[%get3A_198, %get3A_199, %get3A_200] {strides = array<i32>} : memref<2x128x64xf32, #tpu.memory_space<vmem>>, vector<1x1x16xf32>,
        %get3A_202 = vector.shape_cast %get3A_201 : vector<1x1x16xf32> to vector<16xf32>
        %mul3A_203 = arith.mulf %get3A_184, %get3A_184 : vector<16xf32>
        %mul3A_204 = arith.mulf %get3A_190, %get3A_190 : vector<16xf32>
        %add3A_205 = arith.addf %mul3A_203, %mul3A_204 : vector<16xf32>
        %mul3A_206 = arith.mulf %get3A_196, %get3A_196 : vector<16xf32>
        %add3A_207 = arith.addf %add3A_205, %mul3A_206 : vector<16xf32>
        %mul3A_208 = arith.mulf %get3A_202, %get3A_202 : vector<16xf32>
        %add3A_209 = arith.addf %add3A_207, %mul3A_208 : vector<16xf32>
        %iota3A = tpu.iota {dimensions = array<i32: 0>} : vector<16xi32>
        %xor3A = arith.constant 8 : i32
        %xor3A_210 = vector.broadcast %xor3A : i32 to vector<16xi32>
        %xor3A_211 = arith.xori %iota3A, %xor3A_210 : vector<16xi32>
        %broadcast_in_dim3A = vector.shape_cast %xor3A_211 : vector<16xi32> to vector<16x1xi32>
        %gather3A = vector.shape_cast %broadcast_in_dim3A : vector<16x1xi32> to vector<16xi32>
        %gather3A_212 = tpu.dynamic_gather %add3A_209[%gather3A] in [0] : vector<16xf32>, vector<16xi32> -> vector<16xf32>
        %add3A_213 = arith.addf %add3A_209, %gather3A_212 : vector<16xf32>
        %xor3A_214 = arith.constant 4 : i32
        %xor3A_215 = vector.broadcast %xor3A_214 : i32 to vector<16xi32>
        %xor3A_216 = arith.xori %iota3A, %xor3A_215 : vector<16xi32>
        %broadcast_in_dim3A_217 = vector.shape_cast %xor3A_216 : vector<16xi32> to vector<16x1xi32>
        %gather3A_218 = vector.shape_cast %broadcast_in_dim3A_217 : vector<16x1xi32> to vector<16xi32>
        %gather3A_219 = tpu.dynamic_gather %add3A_213[%gather3A_218] in [0] : vector<16xf32>, vector<16xi32> -> vector<16xf32>
        %add3A_220 = arith.addf %add3A_213, %gather3A_219 : vector<16xf32>
        %xor3A_221 = arith.constant 2 : i32
        %xor3A_222 = vector.broadcast %xor3A_221 : i32 to vector<16xi32>
        %xor3A_223 = arith.xori %iota3A, %xor3A_222 : vector<16xi32>
        %broadcast_in_dim3A_224 = vector.shape_cast %xor3A_223 : vector<16xi32> to vector<16x1xi32>
        %gather3A_225 = vector.shape_cast %broadcast_in_dim3A_224 : vector<16x1xi32> to vector<16xi32>
        %gather3A_226 = tpu.dynamic_gather %add3A_220[%gather3A_225] in [0] : vector<16xf32>, vector<16xi32> -> vector<16xf32>
        %add3A_227 = arith.addf %add3A_220, %gather3A_226 : vector<16xf32>
        %xor3A_228 = arith.constant 1 : i32
        %xor3A_229 = vector.broadcast %xor3A_228 : i32 to vector<16xi32>
        %xor3A_230 = arith.xori %iota3A, %xor3A_229 : vector<16xi32>
        %broadcast_in_dim3A_231 = vector.shape_cast %xor3A_230 : vector<16xi32> to vector<16x1xi32>
        %gather3A_232 = vector.shape_cast %broadcast_in_dim3A_231 : vector<16x1xi32> to vector<16xi32>
        %gather3A_233 = tpu.dynamic_gather %add3A_227[%gather3A_232] in [0] : vector<16xf32>, vector<16xi32> -> vector<16xf32>
        %add3A_234 = arith.addf %add3A_227, %gather3A_233 : vector<16xf32>
        %bitcast_convert_type3A = tpu.bitcast %add3A_234 : vector<16xf32> -> vector<16xi32>
        %shift_right_arithmetic3A = arith.constant 1 : i32
        %shift_right_arithmetic3A_235 = vector.broadcast %shift_right_arithmetic3A : i32 to vector<16xi32>
        %shift_right_arithmetic3A_236 = arith.shrsi %bitcast_convert_type3A, %shift_right_arithmetic3A_235 : vector<16xi32>
        %sub3A = arith.constant 1597463007 : i32
        %sub3A_237 = vector.broadcast %sub3A : i32 to vector<16xi32>
        %sub3A_238 = arith.subi %sub3A_237, %shift_right_arithmetic3A_236 : vector<16xi32>
        %bitcast_convert_type3A_239 = tpu.bitcast %sub3A_238 : vector<16xi32> -> vector<16xf32>
        %mul3A_240 = arith.constant 5.000000e-01 : f32
        %mul3A_241 = vector.broadcast %mul3A_240 : f32 to vector<16xf32>
        %mul3A_242 = arith.mulf %mul3A_241, %add3A_234 : vector<16xf32>
        %mul3A_243 = arith.mulf %mul3A_242, %bitcast_convert_type3A_239 : vector<16xf32>
        %mul3A_244 = arith.mulf %mul3A_243, %bitcast_convert_type3A_239 : vector<16xf32>
        %sub3A_245 = arith.constant 1.500000e+00 : f32
        %sub3A_246 = vector.broadcast %sub3A_245 : f32 to vector<16xf32>
        %sub3A_247 = arith.subf %sub3A_246, %mul3A_244 : vector<16xf32>
        %mul3A_248 = arith.mulf %bitcast_convert_type3A_239, %sub3A_247 : vector<16xf32>
        %mul3A_249 = arith.constant 5.000000e-01 : f32
        %mul3A_250 = vector.broadcast %mul3A_249 : f32 to vector<16xf32>
        %mul3A_251 = arith.mulf %mul3A_250, %add3A_234 : vector<16xf32>
        %mul3A_252 = arith.mulf %mul3A_251, %mul3A_248 : vector<16xf32>
        %mul3A_253 = arith.mulf %mul3A_252, %mul3A_248 : vector<16xf32>
        %sub3A_254 = arith.constant 1.500000e+00 : f32
        %sub3A_255 = vector.broadcast %sub3A_254 : f32 to vector<16xf32>
        %sub3A_256 = arith.subf %sub3A_255, %mul3A_253 : vector<16xf32>
        %mul3A_257 = arith.mulf %mul3A_248, %sub3A_256 : vector<16xf32>
        %mul3A_258 = arith.mulf %get3A_184, %mul3A_257 : vector<16xf32>
        %swap3A = arith.constant 1 : i32
        %swap3A_259 = arith.index_cast %swap3A : i32 to index
        %swap3A_260 = arith.index_cast %add3A_179 : i32 to index
        %swap3A_261 = arith.constant 0 : index
        %swap3A_262 = tpu.vector_load %arg7[%swap3A_259, %swap3A_260, %swap3A_261] {strides = array<i32>} : memref<2x128x64xf32, #tpu.memory_space<vmem>>, vector<1x1x16xf32>,
        %swap3A_263 = vector.shape_cast %swap3A_262 : vector<1x1x16xf32> to vector<16xf32>
        %swap3A_264 = vector.shape_cast %mul3A_258 : vector<16xf32> to vector<1x1x16xf32>
        tpu.vector_store %arg7[%swap3A_259, %swap3A_260, %swap3A_261], %swap3A_264 {strides = array<i32>} : memref<2x128x64xf32, #tpu.memory_space<vmem>>, vector<1x1x16xf32>,
        %mul3A_265 = arith.mulf %get3A_190, %mul3A_257 : vector<16xf32>
        %swap3A_266 = arith.constant 1 : i32
        %swap3A_267 = arith.index_cast %swap3A_266 : i32 to index
        %swap3A_268 = arith.index_cast %add3A_179 : i32 to index
        %swap3A_269 = arith.constant 16 : index
        %swap3A_270 = tpu.vector_load %arg7[%swap3A_267, %swap3A_268, %swap3A_269] {strides = array<i32>} : memref<2x128x64xf32, #tpu.memory_space<vmem>>, vector<1x1x16xf32>,
        %swap3A_271 = vector.shape_cast %swap3A_270 : vector<1x1x16xf32> to vector<16xf32>
        %swap3A_272 = vector.shape_cast %mul3A_265 : vector<16xf32> to vector<1x1x16xf32>
        tpu.vector_store %arg7[%swap3A_267, %swap3A_268, %swap3A_269], %swap3A_272 {strides = array<i32>} : memref<2x128x64xf32, #tpu.memory_space<vmem>>, vector<1x1x16xf32>,
        %mul3A_273 = arith.mulf %get3A_196, %mul3A_257 : vector<16xf32>
        %swap3A_274 = arith.constant 1 : i32
        %swap3A_275 = arith.index_cast %swap3A_274 : i32 to index
        %swap3A_276 = arith.index_cast %add3A_179 : i32 to index
        %swap3A_277 = arith.constant 32 : index
        %swap3A_278 = tpu.vector_load %arg7[%swap3A_275, %swap3A_276, %swap3A_277] {strides = array<i32>} : memref<2x128x64xf32, #tpu.memory_space<vmem>>, vector<1x1x16xf32>,
        %swap3A_279 = vector.shape_cast %swap3A_278 : vector<1x1x16xf32> to vector<16xf32>
        %swap3A_280 = vector.shape_cast %mul3A_273 : vector<16xf32> to vector<1x1x16xf32>
        tpu.vector_store %arg7[%swap3A_275, %swap3A_276, %swap3A_277], %swap3A_280 {strides = array<i32>} : memref<2x128x64xf32, #tpu.memory_space<vmem>>, vector<1x1x16xf32>,
        %mul3A_281 = arith.mulf %get3A_202, %mul3A_257 : vector<16xf32>
        %swap3A_282 = arith.constant 1 : i32
        %swap3A_283 = arith.index_cast %swap3A_282 : i32 to index
        %swap3A_284 = arith.index_cast %add3A_179 : i32 to index
        %swap3A_285 = arith.constant 48 : index
        %swap3A_286 = tpu.vector_load %arg7[%swap3A_283, %swap3A_284, %swap3A_285] {strides = array<i32>} : memref<2x128x64xf32, #tpu.memory_space<vmem>>, vector<1x1x16xf32>,
        %swap3A_287 = vector.shape_cast %swap3A_286 : vector<1x1x16xf32> to vector<16xf32>
        %swap3A_288 = vector.shape_cast %mul3A_281 : vector<16xf32> to vector<1x1x16xf32>
        tpu.vector_store %arg7[%swap3A_283, %swap3A_284, %swap3A_285], %swap3A_288 {strides = array<i32>} : memref<2x128x64xf32, #tpu.memory_space<vmem>>, vector<1x1x16xf32>,
        %add3A_289 = arith.constant 1 : i32
        %add3A_290 = arith.addi %mul3A_177, %add3A_289 : i32
        %get3A_291 = arith.constant 1 : i32
        %get3A_292 = arith.index_cast %get3A_291 : i32 to index
        %get3A_293 = arith.index_cast %add3A_290 : i32 to index
        %get3A_294 = arith.constant 0 : index
        %get3A_295 = tpu.vector_load %arg6[%get3A_292, %get3A_293, %get3A_294] {strides = array<i32>} : memref<2x128x64xf32, #tpu.memory_space<vmem>>, vector<1x1x16xf32>,
        %get3A_296 = vector.shape_cast %get3A_295 : vector<1x1x16xf32> to vector<16xf32>
        %get3A_297 = arith.constant 1 : i32
        %get3A_298 = arith.index_cast %get3A_297 : i32 to index
        %get3A_299 = arith.index_cast %add3A_290 : i32 to index
        %get3A_300 = arith.constant 16 : index
        %get3A_301 = tpu.vector_load %arg6[%get3A_298, %get3A_299, %get3A_300] {strides = array<i32>} : memref<2x128x64xf32, #tpu.memory_space<vmem>>, vector<1x1x16xf32>,
        %get3A_302 = vector.shape_cast %get3A_301 : vector<1x1x16xf32> to vector<16xf32>
        %get3A_303 = arith.constant 1 : i32
        %get3A_304 = arith.index_cast %get3A_303 : i32 to index
        %get3A_305 = arith.index_cast %add3A_290 : i32 to index
        %get3A_306 = arith.constant 32 : index
        %get3A_307 = tpu.vector_load %arg6[%get3A_304, %get3A_305, %get3A_306] {strides = array<i32>} : memref<2x128x64xf32, #tpu.memory_space<vmem>>, vector<1x1x16xf32>,
        %get3A_308 = vector.shape_cast %get3A_307 : vector<1x1x16xf32> to vector<16xf32>
        %get3A_309 = arith.constant 1 : i32
        %get3A_310 = arith.index_cast %get3A_309 : i32 to index
        %get3A_311 = arith.index_cast %add3A_290 : i32 to index
        %get3A_312 = arith.constant 48 : index
        %get3A_313 = tpu.vector_load %arg6[%get3A_310, %get3A_311, %get3A_312] {strides = array<i32>} : memref<2x128x64xf32, #tpu.memory_space<vmem>>, vector<1x1x16xf32>,
        %get3A_314 = vector.shape_cast %get3A_313 : vector<1x1x16xf32> to vector<16xf32>
        %mul3A_315 = arith.mulf %get3A_296, %get3A_296 : vector<16xf32>
        %mul3A_316 = arith.mulf %get3A_302, %get3A_302 : vector<16xf32>
        %add3A_317 = arith.addf %mul3A_315, %mul3A_316 : vector<16xf32>
        %mul3A_318 = arith.mulf %get3A_308, %get3A_308 : vector<16xf32>
        %add3A_319 = arith.addf %add3A_317, %mul3A_318 : vector<16xf32>
        %mul3A_320 = arith.mulf %get3A_314, %get3A_314 : vector<16xf32>
        %add3A_321 = arith.addf %add3A_319, %mul3A_320 : vector<16xf32>
        %iota3A_322 = tpu.iota {dimensions = array<i32: 0>} : vector<16xi32>
        %xor3A_323 = arith.constant 8 : i32
        %xor3A_324 = vector.broadcast %xor3A_323 : i32 to vector<16xi32>
        %xor3A_325 = arith.xori %iota3A_322, %xor3A_324 : vector<16xi32>
        %broadcast_in_dim3A_326 = vector.shape_cast %xor3A_325 : vector<16xi32> to vector<16x1xi32>
        %gather3A_327 = vector.shape_cast %broadcast_in_dim3A_326 : vector<16x1xi32> to vector<16xi32>
        %gather3A_328 = tpu.dynamic_gather %add3A_321[%gather3A_327] in [0] : vector<16xf32>, vector<16xi32> -> vector<16xf32>
        %add3A_329 = arith.addf %add3A_321, %gather3A_328 : vector<16xf32>
        %xor3A_330 = arith.constant 4 : i32
        %xor3A_331 = vector.broadcast %xor3A_330 : i32 to vector<16xi32>
        %xor3A_332 = arith.xori %iota3A_322, %xor3A_331 : vector<16xi32>
        %broadcast_in_dim3A_333 = vector.shape_cast %xor3A_332 : vector<16xi32> to vector<16x1xi32>
        %gather3A_334 = vector.shape_cast %broadcast_in_dim3A_333 : vector<16x1xi32> to vector<16xi32>
        %gather3A_335 = tpu.dynamic_gather %add3A_329[%gather3A_334] in [0] : vector<16xf32>, vector<16xi32> -> vector<16xf32>
        %add3A_336 = arith.addf %add3A_329, %gather3A_335 : vector<16xf32>
        %xor3A_337 = arith.constant 2 : i32
        %xor3A_338 = vector.broadcast %xor3A_337 : i32 to vector<16xi32>
        %xor3A_339 = arith.xori %iota3A_322, %xor3A_338 : vector<16xi32>
        %broadcast_in_dim3A_340 = vector.shape_cast %xor3A_339 : vector<16xi32> to vector<16x1xi32>
        %gather3A_341 = vector.shape_cast %broadcast_in_dim3A_340 : vector<16x1xi32> to vector<16xi32>
        %gather3A_342 = tpu.dynamic_gather %add3A_336[%gather3A_341] in [0] : vector<16xf32>, vector<16xi32> -> vector<16xf32>
        %add3A_343 = arith.addf %add3A_336, %gather3A_342 : vector<16xf32>
        %xor3A_344 = arith.constant 1 : i32
        %xor3A_345 = vector.broadcast %xor3A_344 : i32 to vector<16xi32>
        %xor3A_346 = arith.xori %iota3A_322, %xor3A_345 : vector<16xi32>
        %broadcast_in_dim3A_347 = vector.shape_cast %xor3A_346 : vector<16xi32> to vector<16x1xi32>
        %gather3A_348 = vector.shape_cast %broadcast_in_dim3A_347 : vector<16x1xi32> to vector<16xi32>
        %gather3A_349 = tpu.dynamic_gather %add3A_343[%gather3A_348] in [0] : vector<16xf32>, vector<16xi32> -> vector<16xf32>
        %add3A_350 = arith.addf %add3A_343, %gather3A_349 : vector<16xf32>
        %bitcast_convert_type3A_351 = tpu.bitcast %add3A_350 : vector<16xf32> -> vector<16xi32>
        %shift_right_arithmetic3A_352 = arith.constant 1 : i32
        %shift_right_arithmetic3A_353 = vector.broadcast %shift_right_arithmetic3A_352 : i32 to vector<16xi32>
        %shift_right_arithmetic3A_354 = arith.shrsi %bitcast_convert_type3A_351, %shift_right_arithmetic3A_353 : vector<16xi32>
        %sub3A_355 = arith.constant 1597463007 : i32
        %sub3A_356 = vector.broadcast %sub3A_355 : i32 to vector<16xi32>
        %sub3A_357 = arith.subi %sub3A_356, %shift_right_arithmetic3A_354 : vector<16xi32>
        %bitcast_convert_type3A_358 = tpu.bitcast %sub3A_357 : vector<16xi32> -> vector<16xf32>
        %mul3A_359 = arith.constant 5.000000e-01 : f32
        %mul3A_360 = vector.broadcast %mul3A_359 : f32 to vector<16xf32>
        %mul3A_361 = arith.mulf %mul3A_360, %add3A_350 : vector<16xf32>
        %mul3A_362 = arith.mulf %mul3A_361, %bitcast_convert_type3A_358 : vector<16xf32>
        %mul3A_363 = arith.mulf %mul3A_362, %bitcast_convert_type3A_358 : vector<16xf32>
        %sub3A_364 = arith.constant 1.500000e+00 : f32
        %sub3A_365 = vector.broadcast %sub3A_364 : f32 to vector<16xf32>
        %sub3A_366 = arith.subf %sub3A_365, %mul3A_363 : vector<16xf32>
        %mul3A_367 = arith.mulf %bitcast_convert_type3A_358, %sub3A_366 : vector<16xf32>
        %mul3A_368 = arith.constant 5.000000e-01 : f32
        %mul3A_369 = vector.broadcast %mul3A_368 : f32 to vector<16xf32>
        %mul3A_370 = arith.mulf %mul3A_369, %add3A_350 : vector<16xf32>
        %mul3A_371 = arith.mulf %mul3A_370, %mul3A_367 : vector<16xf32>
        %mul3A_372 = arith.mulf %mul3A_371, %mul3A_367 : vector<16xf32>
        %sub3A_373 = arith.constant 1.500000e+00 : f32
        %sub3A_374 = vector.broadcast %sub3A_373 : f32 to vector<16xf32>
        %sub3A_375 = arith.subf %sub3A_374, %mul3A_372 : vector<16xf32>
        %mul3A_376 = arith.mulf %mul3A_367, %sub3A_375 : vector<16xf32>
        %mul3A_377 = arith.mulf %get3A_296, %mul3A_376 : vector<16xf32>
        %swap3A_378 = arith.constant 1 : i32
        %swap3A_379 = arith.index_cast %swap3A_378 : i32 to index
        %swap3A_380 = arith.index_cast %add3A_290 : i32 to index
        %swap3A_381 = arith.constant 0 : index
        %swap3A_382 = tpu.vector_load %arg7[%swap3A_379, %swap3A_380, %swap3A_381] {strides = array<i32>} : memref<2x128x64xf32, #tpu.memory_space<vmem>>, vector<1x1x16xf32>,
        %swap3A_383 = vector.shape_cast %swap3A_382 : vector<1x1x16xf32> to vector<16xf32>
        %swap3A_384 = vector.shape_cast %mul3A_377 : vector<16xf32> to vector<1x1x16xf32>
        tpu.vector_store %arg7[%swap3A_379, %swap3A_380, %swap3A_381], %swap3A_384 {strides = array<i32>} : memref<2x128x64xf32, #tpu.memory_space<vmem>>, vector<1x1x16xf32>,
        %mul3A_385 = arith.mulf %get3A_302, %mul3A_376 : vector<16xf32>
        %swap3A_386 = arith.constant 1 : i32
        %swap3A_387 = arith.index_cast %swap3A_386 : i32 to index
        %swap3A_388 = arith.index_cast %add3A_290 : i32 to index
        %swap3A_389 = arith.constant 16 : index
        %swap3A_390 = tpu.vector_load %arg7[%swap3A_387, %swap3A_388, %swap3A_389] {strides = array<i32>} : memref<2x128x64xf32, #tpu.memory_space<vmem>>, vector<1x1x16xf32>,
        %swap3A_391 = vector.shape_cast %swap3A_390 : vector<1x1x16xf32> to vector<16xf32>
        %swap3A_392 = vector.shape_cast %mul3A_385 : vector<16xf32> to vector<1x1x16xf32>
        tpu.vector_store %arg7[%swap3A_387, %swap3A_388, %swap3A_389], %swap3A_392 {strides = array<i32>} : memref<2x128x64xf32, #tpu.memory_space<vmem>>, vector<1x1x16xf32>,
        %mul3A_393 = arith.mulf %get3A_308, %mul3A_376 : vector<16xf32>
        %swap3A_394 = arith.constant 1 : i32
        %swap3A_395 = arith.index_cast %swap3A_394 : i32 to index
        %swap3A_396 = arith.index_cast %add3A_290 : i32 to index
        %swap3A_397 = arith.constant 32 : index
        %swap3A_398 = tpu.vector_load %arg7[%swap3A_395, %swap3A_396, %swap3A_397] {strides = array<i32>} : memref<2x128x64xf32, #tpu.memory_space<vmem>>, vector<1x1x16xf32>,
        %swap3A_399 = vector.shape_cast %swap3A_398 : vector<1x1x16xf32> to vector<16xf32>
        %swap3A_400 = vector.shape_cast %mul3A_393 : vector<16xf32> to vector<1x1x16xf32>
        tpu.vector_store %arg7[%swap3A_395, %swap3A_396, %swap3A_397], %swap3A_400 {strides = array<i32>} : memref<2x128x64xf32, #tpu.memory_space<vmem>>, vector<1x1x16xf32>,
        %mul3A_401 = arith.mulf %get3A_314, %mul3A_376 : vector<16xf32>
        %swap3A_402 = arith.constant 1 : i32
        %swap3A_403 = arith.index_cast %swap3A_402 : i32 to index
        %swap3A_404 = arith.index_cast %add3A_290 : i32 to index
        %swap3A_405 = arith.constant 48 : index
        %swap3A_406 = tpu.vector_load %arg7[%swap3A_403, %swap3A_404, %swap3A_405] {strides = array<i32>} : memref<2x128x64xf32, #tpu.memory_space<vmem>>, vector<1x1x16xf32>,
        %swap3A_407 = vector.shape_cast %swap3A_406 : vector<1x1x16xf32> to vector<16xf32>
        %swap3A_408 = vector.shape_cast %mul3A_401 : vector<16xf32> to vector<1x1x16xf32>
        tpu.vector_store %arg7[%swap3A_403, %swap3A_404, %swap3A_405], %swap3A_408 {strides = array<i32>} : memref<2x128x64xf32, #tpu.memory_space<vmem>>, vector<1x1x16xf32>,
        %add3A_409 = arith.constant 2 : i32
        %add3A_410 = arith.addi %mul3A_177, %add3A_409 : i32
        %get3A_411 = arith.constant 1 : i32
        %get3A_412 = arith.index_cast %get3A_411 : i32 to index
        %get3A_413 = arith.index_cast %add3A_410 : i32 to index
        %get3A_414 = arith.constant 0 : index
        %get3A_415 = tpu.vector_load %arg6[%get3A_412, %get3A_413, %get3A_414] {strides = array<i32>} : memref<2x128x64xf32, #tpu.memory_space<vmem>>, vector<1x1x16xf32>,
        %get3A_416 = vector.shape_cast %get3A_415 : vector<1x1x16xf32> to vector<16xf32>
        %get3A_417 = arith.constant 1 : i32
        %get3A_418 = arith.index_cast %get3A_417 : i32 to index
        %get3A_419 = arith.index_cast %add3A_410 : i32 to index
        %get3A_420 = arith.constant 16 : index
        %get3A_421 = tpu.vector_load %arg6[%get3A_418, %get3A_419, %get3A_420] {strides = array<i32>} : memref<2x128x64xf32, #tpu.memory_space<vmem>>, vector<1x1x16xf32>,
        %get3A_422 = vector.shape_cast %get3A_421 : vector<1x1x16xf32> to vector<16xf32>
        %get3A_423 = arith.constant 1 : i32
        %get3A_424 = arith.index_cast %get3A_423 : i32 to index
        %get3A_425 = arith.index_cast %add3A_410 : i32 to index
        %get3A_426 = arith.constant 32 : index
        %get3A_427 = tpu.vector_load %arg6[%get3A_424, %get3A_425, %get3A_426] {strides = array<i32>} : memref<2x128x64xf32, #tpu.memory_space<vmem>>, vector<1x1x16xf32>,
        %get3A_428 = vector.shape_cast %get3A_427 : vector<1x1x16xf32> to vector<16xf32>
        %get3A_429 = arith.constant 1 : i32
        %get3A_430 = arith.index_cast %get3A_429 : i32 to index
        %get3A_431 = arith.index_cast %add3A_410 : i32 to index
        %get3A_432 = arith.constant 48 : index
        %get3A_433 = tpu.vector_load %arg6[%get3A_430, %get3A_431, %get3A_432] {strides = array<i32>} : memref<2x128x64xf32, #tpu.memory_space<vmem>>, vector<1x1x16xf32>,
        %get3A_434 = vector.shape_cast %get3A_433 : vector<1x1x16xf32> to vector<16xf32>
        %mul3A_435 = arith.mulf %get3A_416, %get3A_416 : vector<16xf32>
        %mul3A_436 = arith.mulf %get3A_422, %get3A_422 : vector<16xf32>
        %add3A_437 = arith.addf %mul3A_435, %mul3A_436 : vector<16xf32>
        %mul3A_438 = arith.mulf %get3A_428, %get3A_428 : vector<16xf32>
        %add3A_439 = arith.addf %add3A_437, %mul3A_438 : vector<16xf32>
        %mul3A_440 = arith.mulf %get3A_434, %get3A_434 : vector<16xf32>
        %add3A_441 = arith.addf %add3A_439, %mul3A_440 : vector<16xf32>
        %iota3A_442 = tpu.iota {dimensions = array<i32: 0>} : vector<16xi32>
        %xor3A_443 = arith.constant 8 : i32
        %xor3A_444 = vector.broadcast %xor3A_443 : i32 to vector<16xi32>
        %xor3A_445 = arith.xori %iota3A_442, %xor3A_444 : vector<16xi32>
        %broadcast_in_dim3A_446 = vector.shape_cast %xor3A_445 : vector<16xi32> to vector<16x1xi32>
        %gather3A_447 = vector.shape_cast %broadcast_in_dim3A_446 : vector<16x1xi32> to vector<16xi32>
        %gather3A_448 = tpu.dynamic_gather %add3A_441[%gather3A_447] in [0] : vector<16xf32>, vector<16xi32> -> vector<16xf32>
        %add3A_449 = arith.addf %add3A_441, %gather3A_448 : vector<16xf32>
        %xor3A_450 = arith.constant 4 : i32
        %xor3A_451 = vector.broadcast %xor3A_450 : i32 to vector<16xi32>
        %xor3A_452 = arith.xori %iota3A_442, %xor3A_451 : vector<16xi32>
        %broadcast_in_dim3A_453 = vector.shape_cast %xor3A_452 : vector<16xi32> to vector<16x1xi32>
        %gather3A_454 = vector.shape_cast %broadcast_in_dim3A_453 : vector<16x1xi32> to vector<16xi32>
        %gather3A_455 = tpu.dynamic_gather %add3A_449[%gather3A_454] in [0] : vector<16xf32>, vector<16xi32> -> vector<16xf32>
        %add3A_456 = arith.addf %add3A_449, %gather3A_455 : vector<16xf32>
        %xor3A_457 = arith.constant 2 : i32
        %xor3A_458 = vector.broadcast %xor3A_457 : i32 to vector<16xi32>
        %xor3A_459 = arith.xori %iota3A_442, %xor3A_458 : vector<16xi32>
        %broadcast_in_dim3A_460 = vector.shape_cast %xor3A_459 : vector<16xi32> to vector<16x1xi32>
        %gather3A_461 = vector.shape_cast %broadcast_in_dim3A_460 : vector<16x1xi32> to vector<16xi32>
        %gather3A_462 = tpu.dynamic_gather %add3A_456[%gather3A_461] in [0] : vector<16xf32>, vector<16xi32> -> vector<16xf32>
        %add3A_463 = arith.addf %add3A_456, %gather3A_462 : vector<16xf32>
        %xor3A_464 = arith.constant 1 : i32
        %xor3A_465 = vector.broadcast %xor3A_464 : i32 to vector<16xi32>
        %xor3A_466 = arith.xori %iota3A_442, %xor3A_465 : vector<16xi32>
        %broadcast_in_dim3A_467 = vector.shape_cast %xor3A_466 : vector<16xi32> to vector<16x1xi32>
        %gather3A_468 = vector.shape_cast %broadcast_in_dim3A_467 : vector<16x1xi32> to vector<16xi32>
        %gather3A_469 = tpu.dynamic_gather %add3A_463[%gather3A_468] in [0] : vector<16xf32>, vector<16xi32> -> vector<16xf32>
        %add3A_470 = arith.addf %add3A_463, %gather3A_469 : vector<16xf32>
        %bitcast_convert_type3A_471 = tpu.bitcast %add3A_470 : vector<16xf32> -> vector<16xi32>
        %shift_right_arithmetic3A_472 = arith.constant 1 : i32
        %shift_right_arithmetic3A_473 = vector.broadcast %shift_right_arithmetic3A_472 : i32 to vector<16xi32>
        %shift_right_arithmetic3A_474 = arith.shrsi %bitcast_convert_type3A_471, %shift_right_arithmetic3A_473 : vector<16xi32>
        %sub3A_475 = arith.constant 1597463007 : i32
        %sub3A_476 = vector.broadcast %sub3A_475 : i32 to vector<16xi32>
        %sub3A_477 = arith.subi %sub3A_476, %shift_right_arithmetic3A_474 : vector<16xi32>
        %bitcast_convert_type3A_478 = tpu.bitcast %sub3A_477 : vector<16xi32> -> vector<16xf32>
        %mul3A_479 = arith.constant 5.000000e-01 : f32
        %mul3A_480 = vector.broadcast %mul3A_479 : f32 to vector<16xf32>
        %mul3A_481 = arith.mulf %mul3A_480, %add3A_470 : vector<16xf32>
        %mul3A_482 = arith.mulf %mul3A_481, %bitcast_convert_type3A_478 : vector<16xf32>
        %mul3A_483 = arith.mulf %mul3A_482, %bitcast_convert_type3A_478 : vector<16xf32>
        %sub3A_484 = arith.constant 1.500000e+00 : f32
        %sub3A_485 = vector.broadcast %sub3A_484 : f32 to vector<16xf32>
        %sub3A_486 = arith.subf %sub3A_485, %mul3A_483 : vector<16xf32>
        %mul3A_487 = arith.mulf %bitcast_convert_type3A_478, %sub3A_486 : vector<16xf32>
        %mul3A_488 = arith.constant 5.000000e-01 : f32
        %mul3A_489 = vector.broadcast %mul3A_488 : f32 to vector<16xf32>
        %mul3A_490 = arith.mulf %mul3A_489, %add3A_470 : vector<16xf32>
        %mul3A_491 = arith.mulf %mul3A_490, %mul3A_487 : vector<16xf32>
        %mul3A_492 = arith.mulf %mul3A_491, %mul3A_487 : vector<16xf32>
        %sub3A_493 = arith.constant 1.500000e+00 : f32
        %sub3A_494 = vector.broadcast %sub3A_493 : f32 to vector<16xf32>
        %sub3A_495 = arith.subf %sub3A_494, %mul3A_492 : vector<16xf32>
        %mul3A_496 = arith.mulf %mul3A_487, %sub3A_495 : vector<16xf32>
        %mul3A_497 = arith.mulf %get3A_416, %mul3A_496 : vector<16xf32>
        %swap3A_498 = arith.constant 1 : i32
        %swap3A_499 = arith.index_cast %swap3A_498 : i32 to index
        %swap3A_500 = arith.index_cast %add3A_410 : i32 to index
        %swap3A_501 = arith.constant 0 : index
        %swap3A_502 = tpu.vector_load %arg7[%swap3A_499, %swap3A_500, %swap3A_501] {strides = array<i32>} : memref<2x128x64xf32, #tpu.memory_space<vmem>>, vector<1x1x16xf32>,
        %swap3A_503 = vector.shape_cast %swap3A_502 : vector<1x1x16xf32> to vector<16xf32>
        %swap3A_504 = vector.shape_cast %mul3A_497 : vector<16xf32> to vector<1x1x16xf32>
        tpu.vector_store %arg7[%swap3A_499, %swap3A_500, %swap3A_501], %swap3A_504 {strides = array<i32>} : memref<2x128x64xf32, #tpu.memory_space<vmem>>, vector<1x1x16xf32>,
        %mul3A_505 = arith.mulf %get3A_422, %mul3A_496 : vector<16xf32>
        %swap3A_506 = arith.constant 1 : i32
        %swap3A_507 = arith.index_cast %swap3A_506 : i32 to index
        %swap3A_508 = arith.index_cast %add3A_410 : i32 to index
        %swap3A_509 = arith.constant 16 : index
        %swap3A_510 = tpu.vector_load %arg7[%swap3A_507, %swap3A_508, %swap3A_509] {strides = array<i32>} : memref<2x128x64xf32, #tpu.memory_space<vmem>>, vector<1x1x16xf32>,
        %swap3A_511 = vector.shape_cast %swap3A_510 : vector<1x1x16xf32> to vector<16xf32>
        %swap3A_512 = vector.shape_cast %mul3A_505 : vector<16xf32> to vector<1x1x16xf32>
        tpu.vector_store %arg7[%swap3A_507, %swap3A_508, %swap3A_509], %swap3A_512 {strides = array<i32>} : memref<2x128x64xf32, #tpu.memory_space<vmem>>, vector<1x1x16xf32>,
        %mul3A_513 = arith.mulf %get3A_428, %mul3A_496 : vector<16xf32>
        %swap3A_514 = arith.constant 1 : i32
        %swap3A_515 = arith.index_cast %swap3A_514 : i32 to index
        %swap3A_516 = arith.index_cast %add3A_410 : i32 to index
        %swap3A_517 = arith.constant 32 : index
        %swap3A_518 = tpu.vector_load %arg7[%swap3A_515, %swap3A_516, %swap3A_517] {strides = array<i32>} : memref<2x128x64xf32, #tpu.memory_space<vmem>>, vector<1x1x16xf32>,
        %swap3A_519 = vector.shape_cast %swap3A_518 : vector<1x1x16xf32> to vector<16xf32>
        %swap3A_520 = vector.shape_cast %mul3A_513 : vector<16xf32> to vector<1x1x16xf32>
        tpu.vector_store %arg7[%swap3A_515, %swap3A_516, %swap3A_517], %swap3A_520 {strides = array<i32>} : memref<2x128x64xf32, #tpu.memory_space<vmem>>, vector<1x1x16xf32>,
        %mul3A_521 = arith.mulf %get3A_434, %mul3A_496 : vector<16xf32>
        %swap3A_522 = arith.constant 1 : i32
        %swap3A_523 = arith.index_cast %swap3A_522 : i32 to index
        %swap3A_524 = arith.index_cast %add3A_410 : i32 to index
        %swap3A_525 = arith.constant 48 : index
        %swap3A_526 = tpu.vector_load %arg7[%swap3A_523, %swap3A_524, %swap3A_525] {strides = array<i32>} : memref<2x128x64xf32, #tpu.memory_space<vmem>>, vector<1x1x16xf32>,
        %swap3A_527 = vector.shape_cast %swap3A_526 : vector<1x1x16xf32> to vector<16xf32>
        %swap3A_528 = vector.shape_cast %mul3A_521 : vector<16xf32> to vector<1x1x16xf32>
        tpu.vector_store %arg7[%swap3A_523, %swap3A_524, %swap3A_525], %swap3A_528 {strides = array<i32>} : memref<2x128x64xf32, #tpu.memory_space<vmem>>, vector<1x1x16xf32>,
        %add3A_529 = arith.constant 3 : i32
        %add3A_530 = arith.addi %mul3A_177, %add3A_529 : i32
        %get3A_531 = arith.constant 1 : i32
        %get3A_532 = arith.index_cast %get3A_531 : i32 to index
        %get3A_533 = arith.index_cast %add3A_530 : i32 to index
        %get3A_534 = arith.constant 0 : index
        %get3A_535 = tpu.vector_load %arg6[%get3A_532, %get3A_533, %get3A_534] {strides = array<i32>} : memref<2x128x64xf32, #tpu.memory_space<vmem>>, vector<1x1x16xf32>,
        %get3A_536 = vector.shape_cast %get3A_535 : vector<1x1x16xf32> to vector<16xf32>
        %get3A_537 = arith.constant 1 : i32
        %get3A_538 = arith.index_cast %get3A_537 : i32 to index
        %get3A_539 = arith.index_cast %add3A_530 : i32 to index
        %get3A_540 = arith.constant 16 : index
        %get3A_541 = tpu.vector_load %arg6[%get3A_538, %get3A_539, %get3A_540] {strides = array<i32>} : memref<2x128x64xf32, #tpu.memory_space<vmem>>, vector<1x1x16xf32>,
        %get3A_542 = vector.shape_cast %get3A_541 : vector<1x1x16xf32> to vector<16xf32>
        %get3A_543 = arith.constant 1 : i32
        %get3A_544 = arith.index_cast %get3A_543 : i32 to index
        %get3A_545 = arith.index_cast %add3A_530 : i32 to index
        %get3A_546 = arith.constant 32 : index
        %get3A_547 = tpu.vector_load %arg6[%get3A_544, %get3A_545, %get3A_546] {strides = array<i32>} : memref<2x128x64xf32, #tpu.memory_space<vmem>>, vector<1x1x16xf32>,
        %get3A_548 = vector.shape_cast %get3A_547 : vector<1x1x16xf32> to vector<16xf32>
        %get3A_549 = arith.constant 1 : i32
        %get3A_550 = arith.index_cast %get3A_549 : i32 to index
        %get3A_551 = arith.index_cast %add3A_530 : i32 to index
        %get3A_552 = arith.constant 48 : index
        %get3A_553 = tpu.vector_load %arg6[%get3A_550, %get3A_551, %get3A_552] {strides = array<i32>} : memref<2x128x64xf32, #tpu.memory_space<vmem>>, vector<1x1x16xf32>,
        %get3A_554 = vector.shape_cast %get3A_553 : vector<1x1x16xf32> to vector<16xf32>
        %mul3A_555 = arith.mulf %get3A_536, %get3A_536 : vector<16xf32>
        %mul3A_556 = arith.mulf %get3A_542, %get3A_542 : vector<16xf32>
        %add3A_557 = arith.addf %mul3A_555, %mul3A_556 : vector<16xf32>
        %mul3A_558 = arith.mulf %get3A_548, %get3A_548 : vector<16xf32>
        %add3A_559 = arith.addf %add3A_557, %mul3A_558 : vector<16xf32>
        %mul3A_560 = arith.mulf %get3A_554, %get3A_554 : vector<16xf32>
        %add3A_561 = arith.addf %add3A_559, %mul3A_560 : vector<16xf32>
        %iota3A_562 = tpu.iota {dimensions = array<i32: 0>} : vector<16xi32>
        %xor3A_563 = arith.constant 8 : i32
        %xor3A_564 = vector.broadcast %xor3A_563 : i32 to vector<16xi32>
        %xor3A_565 = arith.xori %iota3A_562, %xor3A_564 : vector<16xi32>
        %broadcast_in_dim3A_566 = vector.shape_cast %xor3A_565 : vector<16xi32> to vector<16x1xi32>
        %gather3A_567 = vector.shape_cast %broadcast_in_dim3A_566 : vector<16x1xi32> to vector<16xi32>
        %gather3A_568 = tpu.dynamic_gather %add3A_561[%gather3A_567] in [0] : vector<16xf32>, vector<16xi32> -> vector<16xf32>
        %add3A_569 = arith.addf %add3A_561, %gather3A_568 : vector<16xf32>
        %xor3A_570 = arith.constant 4 : i32
        %xor3A_571 = vector.broadcast %xor3A_570 : i32 to vector<16xi32>
        %xor3A_572 = arith.xori %iota3A_562, %xor3A_571 : vector<16xi32>
        %broadcast_in_dim3A_573 = vector.shape_cast %xor3A_572 : vector<16xi32> to vector<16x1xi32>
        %gather3A_574 = vector.shape_cast %broadcast_in_dim3A_573 : vector<16x1xi32> to vector<16xi32>
        %gather3A_575 = tpu.dynamic_gather %add3A_569[%gather3A_574] in [0] : vector<16xf32>, vector<16xi32> -> vector<16xf32>
        %add3A_576 = arith.addf %add3A_569, %gather3A_575 : vector<16xf32>
        %xor3A_577 = arith.constant 2 : i32
        %xor3A_578 = vector.broadcast %xor3A_577 : i32 to vector<16xi32>
        %xor3A_579 = arith.xori %iota3A_562, %xor3A_578 : vector<16xi32>
        %broadcast_in_dim3A_580 = vector.shape_cast %xor3A_579 : vector<16xi32> to vector<16x1xi32>
        %gather3A_581 = vector.shape_cast %broadcast_in_dim3A_580 : vector<16x1xi32> to vector<16xi32>
        %gather3A_582 = tpu.dynamic_gather %add3A_576[%gather3A_581] in [0] : vector<16xf32>, vector<16xi32> -> vector<16xf32>
        %add3A_583 = arith.addf %add3A_576, %gather3A_582 : vector<16xf32>
        %xor3A_584 = arith.constant 1 : i32
        %xor3A_585 = vector.broadcast %xor3A_584 : i32 to vector<16xi32>
        %xor3A_586 = arith.xori %iota3A_562, %xor3A_585 : vector<16xi32>
        %broadcast_in_dim3A_587 = vector.shape_cast %xor3A_586 : vector<16xi32> to vector<16x1xi32>
        %gather3A_588 = vector.shape_cast %broadcast_in_dim3A_587 : vector<16x1xi32> to vector<16xi32>
        %gather3A_589 = tpu.dynamic_gather %add3A_583[%gather3A_588] in [0] : vector<16xf32>, vector<16xi32> -> vector<16xf32>
        %add3A_590 = arith.addf %add3A_583, %gather3A_589 : vector<16xf32>
        %bitcast_convert_type3A_591 = tpu.bitcast %add3A_590 : vector<16xf32> -> vector<16xi32>
        %shift_right_arithmetic3A_592 = arith.constant 1 : i32
        %shift_right_arithmetic3A_593 = vector.broadcast %shift_right_arithmetic3A_592 : i32 to vector<16xi32>
        %shift_right_arithmetic3A_594 = arith.shrsi %bitcast_convert_type3A_591, %shift_right_arithmetic3A_593 : vector<16xi32>
        %sub3A_595 = arith.constant 1597463007 : i32
        %sub3A_596 = vector.broadcast %sub3A_595 : i32 to vector<16xi32>
        %sub3A_597 = arith.subi %sub3A_596, %shift_right_arithmetic3A_594 : vector<16xi32>
        %bitcast_convert_type3A_598 = tpu.bitcast %sub3A_597 : vector<16xi32> -> vector<16xf32>
        %mul3A_599 = arith.constant 5.000000e-01 : f32
        %mul3A_600 = vector.broadcast %mul3A_599 : f32 to vector<16xf32>
        %mul3A_601 = arith.mulf %mul3A_600, %add3A_590 : vector<16xf32>
        %mul3A_602 = arith.mulf %mul3A_601, %bitcast_convert_type3A_598 : vector<16xf32>
        %mul3A_603 = arith.mulf %mul3A_602, %bitcast_convert_type3A_598 : vector<16xf32>
        %sub3A_604 = arith.constant 1.500000e+00 : f32
        %sub3A_605 = vector.broadcast %sub3A_604 : f32 to vector<16xf32>
        %sub3A_606 = arith.subf %sub3A_605, %mul3A_603 : vector<16xf32>
        %mul3A_607 = arith.mulf %bitcast_convert_type3A_598, %sub3A_606 : vector<16xf32>
        %mul3A_608 = arith.constant 5.000000e-01 : f32
        %mul3A_609 = vector.broadcast %mul3A_608 : f32 to vector<16xf32>
        %mul3A_610 = arith.mulf %mul3A_609, %add3A_590 : vector<16xf32>
        %mul3A_611 = arith.mulf %mul3A_610, %mul3A_607 : vector<16xf32>
        %mul3A_612 = arith.mulf %mul3A_611, %mul3A_607 : vector<16xf32>
        %sub3A_613 = arith.constant 1.500000e+00 : f32
        %sub3A_614 = vector.broadcast %sub3A_613 : f32 to vector<16xf32>
        %sub3A_615 = arith.subf %sub3A_614, %mul3A_612 : vector<16xf32>
        %mul3A_616 = arith.mulf %mul3A_607, %sub3A_615 : vector<16xf32>
        %mul3A_617 = arith.mulf %get3A_536, %mul3A_616 : vector<16xf32>
        %swap3A_618 = arith.constant 1 : i32
        %swap3A_619 = arith.index_cast %swap3A_618 : i32 to index
        %swap3A_620 = arith.index_cast %add3A_530 : i32 to index
        %swap3A_621 = arith.constant 0 : index
        %swap3A_622 = tpu.vector_load %arg7[%swap3A_619, %swap3A_620, %swap3A_621] {strides = array<i32>} : memref<2x128x64xf32, #tpu.memory_space<vmem>>, vector<1x1x16xf32>,
        %swap3A_623 = vector.shape_cast %swap3A_622 : vector<1x1x16xf32> to vector<16xf32>
        %swap3A_624 = vector.shape_cast %mul3A_617 : vector<16xf32> to vector<1x1x16xf32>
        tpu.vector_store %arg7[%swap3A_619, %swap3A_620, %swap3A_621], %swap3A_624 {strides = array<i32>} : memref<2x128x64xf32, #tpu.memory_space<vmem>>, vector<1x1x16xf32>,
        %mul3A_625 = arith.mulf %get3A_542, %mul3A_616 : vector<16xf32>
        %swap3A_626 = arith.constant 1 : i32
        %swap3A_627 = arith.index_cast %swap3A_626 : i32 to index
        %swap3A_628 = arith.index_cast %add3A_530 : i32 to index
        %swap3A_629 = arith.constant 16 : index
        %swap3A_630 = tpu.vector_load %arg7[%swap3A_627, %swap3A_628, %swap3A_629] {strides = array<i32>} : memref<2x128x64xf32, #tpu.memory_space<vmem>>, vector<1x1x16xf32>,
        %swap3A_631 = vector.shape_cast %swap3A_630 : vector<1x1x16xf32> to vector<16xf32>
        %swap3A_632 = vector.shape_cast %mul3A_625 : vector<16xf32> to vector<1x1x16xf32>
        tpu.vector_store %arg7[%swap3A_627, %swap3A_628, %swap3A_629], %swap3A_632 {strides = array<i32>} : memref<2x128x64xf32, #tpu.memory_space<vmem>>, vector<1x1x16xf32>,
        %mul3A_633 = arith.mulf %get3A_548, %mul3A_616 : vector<16xf32>
        %swap3A_634 = arith.constant 1 : i32
        %swap3A_635 = arith.index_cast %swap3A_634 : i32 to index
        %swap3A_636 = arith.index_cast %add3A_530 : i32 to index
        %swap3A_637 = arith.constant 32 : index
        %swap3A_638 = tpu.vector_load %arg7[%swap3A_635, %swap3A_636, %swap3A_637] {strides = array<i32>} : memref<2x128x64xf32, #tpu.memory_space<vmem>>, vector<1x1x16xf32>,
        %swap3A_639 = vector.shape_cast %swap3A_638 : vector<1x1x16xf32> to vector<16xf32>
        %swap3A_640 = vector.shape_cast %mul3A_633 : vector<16xf32> to vector<1x1x16xf32>
        tpu.vector_store %arg7[%swap3A_635, %swap3A_636, %swap3A_637], %swap3A_640 {strides = array<i32>} : memref<2x128x64xf32, #tpu.memory_space<vmem>>, vector<1x1x16xf32>,
        %mul3A_641 = arith.mulf %get3A_554, %mul3A_616 : vector<16xf32>
        %swap3A_642 = arith.constant 1 : i32
        %swap3A_643 = arith.index_cast %swap3A_642 : i32 to index
        %swap3A_644 = arith.index_cast %add3A_530 : i32 to index
        %swap3A_645 = arith.constant 48 : index
        %swap3A_646 = tpu.vector_load %arg7[%swap3A_643, %swap3A_644, %swap3A_645] {strides = array<i32>} : memref<2x128x64xf32, #tpu.memory_space<vmem>>, vector<1x1x16xf32>,
        %swap3A_647 = vector.shape_cast %swap3A_646 : vector<1x1x16xf32> to vector<16xf32>
        %swap3A_648 = vector.shape_cast %mul3A_641 : vector<16xf32> to vector<1x1x16xf32>
        tpu.vector_store %arg7[%swap3A_643, %swap3A_644, %swap3A_645], %swap3A_648 {strides = array<i32>} : memref<2x128x64xf32, #tpu.memory_space<vmem>>, vector<1x1x16xf32>,
        %add3A_649 = arith.constant 4 : i32
        %add3A_650 = arith.addi %mul3A_177, %add3A_649 : i32
        %get3A_651 = arith.constant 1 : i32
        %get3A_652 = arith.index_cast %get3A_651 : i32 to index
        %get3A_653 = arith.index_cast %add3A_650 : i32 to index
        %get3A_654 = arith.constant 0 : index
        %get3A_655 = tpu.vector_load %arg6[%get3A_652, %get3A_653, %get3A_654] {strides = array<i32>} : memref<2x128x64xf32, #tpu.memory_space<vmem>>, vector<1x1x16xf32>,
        %get3A_656 = vector.shape_cast %get3A_655 : vector<1x1x16xf32> to vector<16xf32>
        %get3A_657 = arith.constant 1 : i32
        %get3A_658 = arith.index_cast %get3A_657 : i32 to index
        %get3A_659 = arith.index_cast %add3A_650 : i32 to index
        %get3A_660 = arith.constant 16 : index
        %get3A_661 = tpu.vector_load %arg6[%get3A_658, %get3A_659, %get3A_660] {strides = array<i32>} : memref<2x128x64xf32, #tpu.memory_space<vmem>>, vector<1x1x16xf32>,
        %get3A_662 = vector.shape_cast %get3A_661 : vector<1x1x16xf32> to vector<16xf32>
        %get3A_663 = arith.constant 1 : i32
        %get3A_664 = arith.index_cast %get3A_663 : i32 to index
        %get3A_665 = arith.index_cast %add3A_650 : i32 to index
        %get3A_666 = arith.constant 32 : index
        %get3A_667 = tpu.vector_load %arg6[%get3A_664, %get3A_665, %get3A_666] {strides = array<i32>} : memref<2x128x64xf32, #tpu.memory_space<vmem>>, vector<1x1x16xf32>,
        %get3A_668 = vector.shape_cast %get3A_667 : vector<1x1x16xf32> to vector<16xf32>
        %get3A_669 = arith.constant 1 : i32
        %get3A_670 = arith.index_cast %get3A_669 : i32 to index
        %get3A_671 = arith.index_cast %add3A_650 : i32 to index
        %get3A_672 = arith.constant 48 : index
        %get3A_673 = tpu.vector_load %arg6[%get3A_670, %get3A_671, %get3A_672] {strides = array<i32>} : memref<2x128x64xf32, #tpu.memory_space<vmem>>, vector<1x1x16xf32>,
        %get3A_674 = vector.shape_cast %get3A_673 : vector<1x1x16xf32> to vector<16xf32>
        %mul3A_675 = arith.mulf %get3A_656, %get3A_656 : vector<16xf32>
        %mul3A_676 = arith.mulf %get3A_662, %get3A_662 : vector<16xf32>
        %add3A_677 = arith.addf %mul3A_675, %mul3A_676 : vector<16xf32>
        %mul3A_678 = arith.mulf %get3A_668, %get3A_668 : vector<16xf32>
        %add3A_679 = arith.addf %add3A_677, %mul3A_678 : vector<16xf32>
        %mul3A_680 = arith.mulf %get3A_674, %get3A_674 : vector<16xf32>
        %add3A_681 = arith.addf %add3A_679, %mul3A_680 : vector<16xf32>
        %iota3A_682 = tpu.iota {dimensions = array<i32: 0>} : vector<16xi32>
        %xor3A_683 = arith.constant 8 : i32
        %xor3A_684 = vector.broadcast %xor3A_683 : i32 to vector<16xi32>
        %xor3A_685 = arith.xori %iota3A_682, %xor3A_684 : vector<16xi32>
        %broadcast_in_dim3A_686 = vector.shape_cast %xor3A_685 : vector<16xi32> to vector<16x1xi32>
        %gather3A_687 = vector.shape_cast %broadcast_in_dim3A_686 : vector<16x1xi32> to vector<16xi32>
        %gather3A_688 = tpu.dynamic_gather %add3A_681[%gather3A_687] in [0] : vector<16xf32>, vector<16xi32> -> vector<16xf32>
        %add3A_689 = arith.addf %add3A_681, %gather3A_688 : vector<16xf32>
        %xor3A_690 = arith.constant 4 : i32
        %xor3A_691 = vector.broadcast %xor3A_690 : i32 to vector<16xi32>
        %xor3A_692 = arith.xori %iota3A_682, %xor3A_691 : vector<16xi32>
        %broadcast_in_dim3A_693 = vector.shape_cast %xor3A_692 : vector<16xi32> to vector<16x1xi32>
        %gather3A_694 = vector.shape_cast %broadcast_in_dim3A_693 : vector<16x1xi32> to vector<16xi32>
        %gather3A_695 = tpu.dynamic_gather %add3A_689[%gather3A_694] in [0] : vector<16xf32>, vector<16xi32> -> vector<16xf32>
        %add3A_696 = arith.addf %add3A_689, %gather3A_695 : vector<16xf32>
        %xor3A_697 = arith.constant 2 : i32
        %xor3A_698 = vector.broadcast %xor3A_697 : i32 to vector<16xi32>
        %xor3A_699 = arith.xori %iota3A_682, %xor3A_698 : vector<16xi32>
        %broadcast_in_dim3A_700 = vector.shape_cast %xor3A_699 : vector<16xi32> to vector<16x1xi32>
        %gather3A_701 = vector.shape_cast %broadcast_in_dim3A_700 : vector<16x1xi32> to vector<16xi32>
        %gather3A_702 = tpu.dynamic_gather %add3A_696[%gather3A_701] in [0] : vector<16xf32>, vector<16xi32> -> vector<16xf32>
        %add3A_703 = arith.addf %add3A_696, %gather3A_702 : vector<16xf32>
        %xor3A_704 = arith.constant 1 : i32
        %xor3A_705 = vector.broadcast %xor3A_704 : i32 to vector<16xi32>
        %xor3A_706 = arith.xori %iota3A_682, %xor3A_705 : vector<16xi32>
        %broadcast_in_dim3A_707 = vector.shape_cast %xor3A_706 : vector<16xi32> to vector<16x1xi32>
        %gather3A_708 = vector.shape_cast %broadcast_in_dim3A_707 : vector<16x1xi32> to vector<16xi32>
        %gather3A_709 = tpu.dynamic_gather %add3A_703[%gather3A_708] in [0] : vector<16xf32>, vector<16xi32> -> vector<16xf32>
        %add3A_710 = arith.addf %add3A_703, %gather3A_709 : vector<16xf32>
        %bitcast_convert_type3A_711 = tpu.bitcast %add3A_710 : vector<16xf32> -> vector<16xi32>
        %shift_right_arithmetic3A_712 = arith.constant 1 : i32
        %shift_right_arithmetic3A_713 = vector.broadcast %shift_right_arithmetic3A_712 : i32 to vector<16xi32>
        %shift_right_arithmetic3A_714 = arith.shrsi %bitcast_convert_type3A_711, %shift_right_arithmetic3A_713 : vector<16xi32>
        %sub3A_715 = arith.constant 1597463007 : i32
        %sub3A_716 = vector.broadcast %sub3A_715 : i32 to vector<16xi32>
        %sub3A_717 = arith.subi %sub3A_716, %shift_right_arithmetic3A_714 : vector<16xi32>
        %bitcast_convert_type3A_718 = tpu.bitcast %sub3A_717 : vector<16xi32> -> vector<16xf32>
        %mul3A_719 = arith.constant 5.000000e-01 : f32
        %mul3A_720 = vector.broadcast %mul3A_719 : f32 to vector<16xf32>
        %mul3A_721 = arith.mulf %mul3A_720, %add3A_710 : vector<16xf32>
        %mul3A_722 = arith.mulf %mul3A_721, %bitcast_convert_type3A_718 : vector<16xf32>
        %mul3A_723 = arith.mulf %mul3A_722, %bitcast_convert_type3A_718 : vector<16xf32>
        %sub3A_724 = arith.constant 1.500000e+00 : f32
        %sub3A_725 = vector.broadcast %sub3A_724 : f32 to vector<16xf32>
        %sub3A_726 = arith.subf %sub3A_725, %mul3A_723 : vector<16xf32>
        %mul3A_727 = arith.mulf %bitcast_convert_type3A_718, %sub3A_726 : vector<16xf32>
        %mul3A_728 = arith.constant 5.000000e-01 : f32
        %mul3A_729 = vector.broadcast %mul3A_728 : f32 to vector<16xf32>
        %mul3A_730 = arith.mulf %mul3A_729, %add3A_710 : vector<16xf32>
        %mul3A_731 = arith.mulf %mul3A_730, %mul3A_727 : vector<16xf32>
        %mul3A_732 = arith.mulf %mul3A_731, %mul3A_727 : vector<16xf32>
        %sub3A_733 = arith.constant 1.500000e+00 : f32
        %sub3A_734 = vector.broadcast %sub3A_733 : f32 to vector<16xf32>
        %sub3A_735 = arith.subf %sub3A_734, %mul3A_732 : vector<16xf32>
        %mul3A_736 = arith.mulf %mul3A_727, %sub3A_735 : vector<16xf32>
        %mul3A_737 = arith.mulf %get3A_656, %mul3A_736 : vector<16xf32>
        %swap3A_738 = arith.constant 1 : i32
        %swap3A_739 = arith.index_cast %swap3A_738 : i32 to index
        %swap3A_740 = arith.index_cast %add3A_650 : i32 to index
        %swap3A_741 = arith.constant 0 : index
        %swap3A_742 = tpu.vector_load %arg7[%swap3A_739, %swap3A_740, %swap3A_741] {strides = array<i32>} : memref<2x128x64xf32, #tpu.memory_space<vmem>>, vector<1x1x16xf32>,
        %swap3A_743 = vector.shape_cast %swap3A_742 : vector<1x1x16xf32> to vector<16xf32>
        %swap3A_744 = vector.shape_cast %mul3A_737 : vector<16xf32> to vector<1x1x16xf32>
        tpu.vector_store %arg7[%swap3A_739, %swap3A_740, %swap3A_741], %swap3A_744 {strides = array<i32>} : memref<2x128x64xf32, #tpu.memory_space<vmem>>, vector<1x1x16xf32>,
        %mul3A_745 = arith.mulf %get3A_662, %mul3A_736 : vector<16xf32>
        %swap3A_746 = arith.constant 1 : i32
        %swap3A_747 = arith.index_cast %swap3A_746 : i32 to index
        %swap3A_748 = arith.index_cast %add3A_650 : i32 to index
        %swap3A_749 = arith.constant 16 : index
        %swap3A_750 = tpu.vector_load %arg7[%swap3A_747, %swap3A_748, %swap3A_749] {strides = array<i32>} : memref<2x128x64xf32, #tpu.memory_space<vmem>>, vector<1x1x16xf32>,
        %swap3A_751 = vector.shape_cast %swap3A_750 : vector<1x1x16xf32> to vector<16xf32>
        %swap3A_752 = vector.shape_cast %mul3A_745 : vector<16xf32> to vector<1x1x16xf32>
        tpu.vector_store %arg7[%swap3A_747, %swap3A_748, %swap3A_749], %swap3A_752 {strides = array<i32>} : memref<2x128x64xf32, #tpu.memory_space<vmem>>, vector<1x1x16xf32>,
        %mul3A_753 = arith.mulf %get3A_668, %mul3A_736 : vector<16xf32>
        %swap3A_754 = arith.constant 1 : i32
        %swap3A_755 = arith.index_cast %swap3A_754 : i32 to index
        %swap3A_756 = arith.index_cast %add3A_650 : i32 to index
        %swap3A_757 = arith.constant 32 : index
        %swap3A_758 = tpu.vector_load %arg7[%swap3A_755, %swap3A_756, %swap3A_757] {strides = array<i32>} : memref<2x128x64xf32, #tpu.memory_space<vmem>>, vector<1x1x16xf32>,
        %swap3A_759 = vector.shape_cast %swap3A_758 : vector<1x1x16xf32> to vector<16xf32>
        %swap3A_760 = vector.shape_cast %mul3A_753 : vector<16xf32> to vector<1x1x16xf32>
        tpu.vector_store %arg7[%swap3A_755, %swap3A_756, %swap3A_757], %swap3A_760 {strides = array<i32>} : memref<2x128x64xf32, #tpu.memory_space<vmem>>, vector<1x1x16xf32>,
        %mul3A_761 = arith.mulf %get3A_674, %mul3A_736 : vector<16xf32>
        %swap3A_762 = arith.constant 1 : i32
        %swap3A_763 = arith.index_cast %swap3A_762 : i32 to index
        %swap3A_764 = arith.index_cast %add3A_650 : i32 to index
        %swap3A_765 = arith.constant 48 : index
        %swap3A_766 = tpu.vector_load %arg7[%swap3A_763, %swap3A_764, %swap3A_765] {strides = array<i32>} : memref<2x128x64xf32, #tpu.memory_space<vmem>>, vector<1x1x16xf32>,
        %swap3A_767 = vector.shape_cast %swap3A_766 : vector<1x1x16xf32> to vector<16xf32>
        %swap3A_768 = vector.shape_cast %mul3A_761 : vector<16xf32> to vector<1x1x16xf32>
        tpu.vector_store %arg7[%swap3A_763, %swap3A_764, %swap3A_765], %swap3A_768 {strides = array<i32>} : memref<2x128x64xf32, #tpu.memory_space<vmem>>, vector<1x1x16xf32>,
        %add3A_769 = arith.constant 5 : i32
        %add3A_770 = arith.addi %mul3A_177, %add3A_769 : i32
        %get3A_771 = arith.constant 1 : i32
        %get3A_772 = arith.index_cast %get3A_771 : i32 to index
        %get3A_773 = arith.index_cast %add3A_770 : i32 to index
        %get3A_774 = arith.constant 0 : index
        %get3A_775 = tpu.vector_load %arg6[%get3A_772, %get3A_773, %get3A_774] {strides = array<i32>} : memref<2x128x64xf32, #tpu.memory_space<vmem>>, vector<1x1x16xf32>,
        %get3A_776 = vector.shape_cast %get3A_775 : vector<1x1x16xf32> to vector<16xf32>
        %get3A_777 = arith.constant 1 : i32
        %get3A_778 = arith.index_cast %get3A_777 : i32 to index
        %get3A_779 = arith.index_cast %add3A_770 : i32 to index
        %get3A_780 = arith.constant 16 : index
        %get3A_781 = tpu.vector_load %arg6[%get3A_778, %get3A_779, %get3A_780] {strides = array<i32>} : memref<2x128x64xf32, #tpu.memory_space<vmem>>, vector<1x1x16xf32>,
        %get3A_782 = vector.shape_cast %get3A_781 : vector<1x1x16xf32> to vector<16xf32>
        %get3A_783 = arith.constant 1 : i32
        %get3A_784 = arith.index_cast %get3A_783 : i32 to index
        %get3A_785 = arith.index_cast %add3A_770 : i32 to index
        %get3A_786 = arith.constant 32 : index
        %get3A_787 = tpu.vector_load %arg6[%get3A_784, %get3A_785, %get3A_786] {strides = array<i32>} : memref<2x128x64xf32, #tpu.memory_space<vmem>>, vector<1x1x16xf32>,
        %get3A_788 = vector.shape_cast %get3A_787 : vector<1x1x16xf32> to vector<16xf32>
        %get3A_789 = arith.constant 1 : i32
        %get3A_790 = arith.index_cast %get3A_789 : i32 to index
        %get3A_791 = arith.index_cast %add3A_770 : i32 to index
        %get3A_792 = arith.constant 48 : index
        %get3A_793 = tpu.vector_load %arg6[%get3A_790, %get3A_791, %get3A_792] {strides = array<i32>} : memref<2x128x64xf32, #tpu.memory_space<vmem>>, vector<1x1x16xf32>,
        %get3A_794 = vector.shape_cast %get3A_793 : vector<1x1x16xf32> to vector<16xf32>
        %mul3A_795 = arith.mulf %get3A_776, %get3A_776 : vector<16xf32>
        %mul3A_796 = arith.mulf %get3A_782, %get3A_782 : vector<16xf32>
        %add3A_797 = arith.addf %mul3A_795, %mul3A_796 : vector<16xf32>
        %mul3A_798 = arith.mulf %get3A_788, %get3A_788 : vector<16xf32>
        %add3A_799 = arith.addf %add3A_797, %mul3A_798 : vector<16xf32>
        %mul3A_800 = arith.mulf %get3A_794, %get3A_794 : vector<16xf32>
        %add3A_801 = arith.addf %add3A_799, %mul3A_800 : vector<16xf32>
        %iota3A_802 = tpu.iota {dimensions = array<i32: 0>} : vector<16xi32>
        %xor3A_803 = arith.constant 8 : i32
        %xor3A_804 = vector.broadcast %xor3A_803 : i32 to vector<16xi32>
        %xor3A_805 = arith.xori %iota3A_802, %xor3A_804 : vector<16xi32>
        %broadcast_in_dim3A_806 = vector.shape_cast %xor3A_805 : vector<16xi32> to vector<16x1xi32>
        %gather3A_807 = vector.shape_cast %broadcast_in_dim3A_806 : vector<16x1xi32> to vector<16xi32>
        %gather3A_808 = tpu.dynamic_gather %add3A_801[%gather3A_807] in [0] : vector<16xf32>, vector<16xi32> -> vector<16xf32>
        %add3A_809 = arith.addf %add3A_801, %gather3A_808 : vector<16xf32>
        %xor3A_810 = arith.constant 4 : i32
        %xor3A_811 = vector.broadcast %xor3A_810 : i32 to vector<16xi32>
        %xor3A_812 = arith.xori %iota3A_802, %xor3A_811 : vector<16xi32>
        %broadcast_in_dim3A_813 = vector.shape_cast %xor3A_812 : vector<16xi32> to vector<16x1xi32>
        %gather3A_814 = vector.shape_cast %broadcast_in_dim3A_813 : vector<16x1xi32> to vector<16xi32>
        %gather3A_815 = tpu.dynamic_gather %add3A_809[%gather3A_814] in [0] : vector<16xf32>, vector<16xi32> -> vector<16xf32>
        %add3A_816 = arith.addf %add3A_809, %gather3A_815 : vector<16xf32>
        %xor3A_817 = arith.constant 2 : i32
        %xor3A_818 = vector.broadcast %xor3A_817 : i32 to vector<16xi32>
        %xor3A_819 = arith.xori %iota3A_802, %xor3A_818 : vector<16xi32>
        %broadcast_in_dim3A_820 = vector.shape_cast %xor3A_819 : vector<16xi32> to vector<16x1xi32>
        %gather3A_821 = vector.shape_cast %broadcast_in_dim3A_820 : vector<16x1xi32> to vector<16xi32>
        %gather3A_822 = tpu.dynamic_gather %add3A_816[%gather3A_821] in [0] : vector<16xf32>, vector<16xi32> -> vector<16xf32>
        %add3A_823 = arith.addf %add3A_816, %gather3A_822 : vector<16xf32>
        %xor3A_824 = arith.constant 1 : i32
        %xor3A_825 = vector.broadcast %xor3A_824 : i32 to vector<16xi32>
        %xor3A_826 = arith.xori %iota3A_802, %xor3A_825 : vector<16xi32>
        %broadcast_in_dim3A_827 = vector.shape_cast %xor3A_826 : vector<16xi32> to vector<16x1xi32>
        %gather3A_828 = vector.shape_cast %broadcast_in_dim3A_827 : vector<16x1xi32> to vector<16xi32>
        %gather3A_829 = tpu.dynamic_gather %add3A_823[%gather3A_828] in [0] : vector<16xf32>, vector<16xi32> -> vector<16xf32>
        %add3A_830 = arith.addf %add3A_823, %gather3A_829 : vector<16xf32>
        %bitcast_convert_type3A_831 = tpu.bitcast %add3A_830 : vector<16xf32> -> vector<16xi32>
        %shift_right_arithmetic3A_832 = arith.constant 1 : i32
        %shift_right_arithmetic3A_833 = vector.broadcast %shift_right_arithmetic3A_832 : i32 to vector<16xi32>
        %shift_right_arithmetic3A_834 = arith.shrsi %bitcast_convert_type3A_831, %shift_right_arithmetic3A_833 : vector<16xi32>
        %sub3A_835 = arith.constant 1597463007 : i32
        %sub3A_836 = vector.broadcast %sub3A_835 : i32 to vector<16xi32>
        %sub3A_837 = arith.subi %sub3A_836, %shift_right_arithmetic3A_834 : vector<16xi32>
        %bitcast_convert_type3A_838 = tpu.bitcast %sub3A_837 : vector<16xi32> -> vector<16xf32>
        %mul3A_839 = arith.constant 5.000000e-01 : f32
        %mul3A_840 = vector.broadcast %mul3A_839 : f32 to vector<16xf32>
        %mul3A_841 = arith.mulf %mul3A_840, %add3A_830 : vector<16xf32>
        %mul3A_842 = arith.mulf %mul3A_841, %bitcast_convert_type3A_838 : vector<16xf32>
        %mul3A_843 = arith.mulf %mul3A_842, %bitcast_convert_type3A_838 : vector<16xf32>
        %sub3A_844 = arith.constant 1.500000e+00 : f32
        %sub3A_845 = vector.broadcast %sub3A_844 : f32 to vector<16xf32>
        %sub3A_846 = arith.subf %sub3A_845, %mul3A_843 : vector<16xf32>
        %mul3A_847 = arith.mulf %bitcast_convert_type3A_838, %sub3A_846 : vector<16xf32>
        %mul3A_848 = arith.constant 5.000000e-01 : f32
        %mul3A_849 = vector.broadcast %mul3A_848 : f32 to vector<16xf32>
        %mul3A_850 = arith.mulf %mul3A_849, %add3A_830 : vector<16xf32>
        %mul3A_851 = arith.mulf %mul3A_850, %mul3A_847 : vector<16xf32>
        %mul3A_852 = arith.mulf %mul3A_851, %mul3A_847 : vector<16xf32>
        %sub3A_853 = arith.constant 1.500000e+00 : f32
        %sub3A_854 = vector.broadcast %sub3A_853 : f32 to vector<16xf32>
        %sub3A_855 = arith.subf %sub3A_854, %mul3A_852 : vector<16xf32>
        %mul3A_856 = arith.mulf %mul3A_847, %sub3A_855 : vector<16xf32>
        %mul3A_857 = arith.mulf %get3A_776, %mul3A_856 : vector<16xf32>
        %swap3A_858 = arith.constant 1 : i32
        %swap3A_859 = arith.index_cast %swap3A_858 : i32 to index
        %swap3A_860 = arith.index_cast %add3A_770 : i32 to index
        %swap3A_861 = arith.constant 0 : index
        %swap3A_862 = tpu.vector_load %arg7[%swap3A_859, %swap3A_860, %swap3A_861] {strides = array<i32>} : memref<2x128x64xf32, #tpu.memory_space<vmem>>, vector<1x1x16xf32>,
        %swap3A_863 = vector.shape_cast %swap3A_862 : vector<1x1x16xf32> to vector<16xf32>
        %swap3A_864 = vector.shape_cast %mul3A_857 : vector<16xf32> to vector<1x1x16xf32>
        tpu.vector_store %arg7[%swap3A_859, %swap3A_860, %swap3A_861], %swap3A_864 {strides = array<i32>} : memref<2x128x64xf32, #tpu.memory_space<vmem>>, vector<1x1x16xf32>,
        %mul3A_865 = arith.mulf %get3A_782, %mul3A_856 : vector<16xf32>
        %swap3A_866 = arith.constant 1 : i32
        %swap3A_867 = arith.index_cast %swap3A_866 : i32 to index
        %swap3A_868 = arith.index_cast %add3A_770 : i32 to index
        %swap3A_869 = arith.constant 16 : index
        %swap3A_870 = tpu.vector_load %arg7[%swap3A_867, %swap3A_868, %swap3A_869] {strides = array<i32>} : memref<2x128x64xf32, #tpu.memory_space<vmem>>, vector<1x1x16xf32>,
        %swap3A_871 = vector.shape_cast %swap3A_870 : vector<1x1x16xf32> to vector<16xf32>
        %swap3A_872 = vector.shape_cast %mul3A_865 : vector<16xf32> to vector<1x1x16xf32>
        tpu.vector_store %arg7[%swap3A_867, %swap3A_868, %swap3A_869], %swap3A_872 {strides = array<i32>} : memref<2x128x64xf32, #tpu.memory_space<vmem>>, vector<1x1x16xf32>,
        %mul3A_873 = arith.mulf %get3A_788, %mul3A_856 : vector<16xf32>
        %swap3A_874 = arith.constant 1 : i32
        %swap3A_875 = arith.index_cast %swap3A_874 : i32 to index
        %swap3A_876 = arith.index_cast %add3A_770 : i32 to index
        %swap3A_877 = arith.constant 32 : index
        %swap3A_878 = tpu.vector_load %arg7[%swap3A_875, %swap3A_876, %swap3A_877] {strides = array<i32>} : memref<2x128x64xf32, #tpu.memory_space<vmem>>, vector<1x1x16xf32>,
        %swap3A_879 = vector.shape_cast %swap3A_878 : vector<1x1x16xf32> to vector<16xf32>
        %swap3A_880 = vector.shape_cast %mul3A_873 : vector<16xf32> to vector<1x1x16xf32>
        tpu.vector_store %arg7[%swap3A_875, %swap3A_876, %swap3A_877], %swap3A_880 {strides = array<i32>} : memref<2x128x64xf32, #tpu.memory_space<vmem>>, vector<1x1x16xf32>,
        %mul3A_881 = arith.mulf %get3A_794, %mul3A_856 : vector<16xf32>
        %swap3A_882 = arith.constant 1 : i32
        %swap3A_883 = arith.index_cast %swap3A_882 : i32 to index
        %swap3A_884 = arith.index_cast %add3A_770 : i32 to index
        %swap3A_885 = arith.constant 48 : index
        %swap3A_886 = tpu.vector_load %arg7[%swap3A_883, %swap3A_884, %swap3A_885] {strides = array<i32>} : memref<2x128x64xf32, #tpu.memory_space<vmem>>, vector<1x1x16xf32>,
        %swap3A_887 = vector.shape_cast %swap3A_886 : vector<1x1x16xf32> to vector<16xf32>
        %swap3A_888 = vector.shape_cast %mul3A_881 : vector<16xf32> to vector<1x1x16xf32>
        tpu.vector_store %arg7[%swap3A_883, %swap3A_884, %swap3A_885], %swap3A_888 {strides = array<i32>} : memref<2x128x64xf32, #tpu.memory_space<vmem>>, vector<1x1x16xf32>,
        %add3A_889 = arith.constant 6 : i32
        %add3A_890 = arith.addi %mul3A_177, %add3A_889 : i32
        %get3A_891 = arith.constant 1 : i32
        %get3A_892 = arith.index_cast %get3A_891 : i32 to index
        %get3A_893 = arith.index_cast %add3A_890 : i32 to index
        %get3A_894 = arith.constant 0 : index
        %get3A_895 = tpu.vector_load %arg6[%get3A_892, %get3A_893, %get3A_894] {strides = array<i32>} : memref<2x128x64xf32, #tpu.memory_space<vmem>>, vector<1x1x16xf32>,
        %get3A_896 = vector.shape_cast %get3A_895 : vector<1x1x16xf32> to vector<16xf32>
        %get3A_897 = arith.constant 1 : i32
        %get3A_898 = arith.index_cast %get3A_897 : i32 to index
        %get3A_899 = arith.index_cast %add3A_890 : i32 to index
        %get3A_900 = arith.constant 16 : index
        %get3A_901 = tpu.vector_load %arg6[%get3A_898, %get3A_899, %get3A_900] {strides = array<i32>} : memref<2x128x64xf32, #tpu.memory_space<vmem>>, vector<1x1x16xf32>,
        %get3A_902 = vector.shape_cast %get3A_901 : vector<1x1x16xf32> to vector<16xf32>
        %get3A_903 = arith.constant 1 : i32
        %get3A_904 = arith.index_cast %get3A_903 : i32 to index
        %get3A_905 = arith.index_cast %add3A_890 : i32 to index
        %get3A_906 = arith.constant 32 : index
        %get3A_907 = tpu.vector_load %arg6[%get3A_904, %get3A_905, %get3A_906] {strides = array<i32>} : memref<2x128x64xf32, #tpu.memory_space<vmem>>, vector<1x1x16xf32>,
        %get3A_908 = vector.shape_cast %get3A_907 : vector<1x1x16xf32> to vector<16xf32>
        %get3A_909 = arith.constant 1 : i32
        %get3A_910 = arith.index_cast %get3A_909 : i32 to index
        %get3A_911 = arith.index_cast %add3A_890 : i32 to index
        %get3A_912 = arith.constant 48 : index
        %get3A_913 = tpu.vector_load %arg6[%get3A_910, %get3A_911, %get3A_912] {strides = array<i32>} : memref<2x128x64xf32, #tpu.memory_space<vmem>>, vector<1x1x16xf32>,
        %get3A_914 = vector.shape_cast %get3A_913 : vector<1x1x16xf32> to vector<16xf32>
        %mul3A_915 = arith.mulf %get3A_896, %get3A_896 : vector<16xf32>
        %mul3A_916 = arith.mulf %get3A_902, %get3A_902 : vector<16xf32>
        %add3A_917 = arith.addf %mul3A_915, %mul3A_916 : vector<16xf32>
        %mul3A_918 = arith.mulf %get3A_908, %get3A_908 : vector<16xf32>
        %add3A_919 = arith.addf %add3A_917, %mul3A_918 : vector<16xf32>
        %mul3A_920 = arith.mulf %get3A_914, %get3A_914 : vector<16xf32>
        %add3A_921 = arith.addf %add3A_919, %mul3A_920 : vector<16xf32>
        %iota3A_922 = tpu.iota {dimensions = array<i32: 0>} : vector<16xi32>
        %xor3A_923 = arith.constant 8 : i32
        %xor3A_924 = vector.broadcast %xor3A_923 : i32 to vector<16xi32>
        %xor3A_925 = arith.xori %iota3A_922, %xor3A_924 : vector<16xi32>
        %broadcast_in_dim3A_926 = vector.shape_cast %xor3A_925 : vector<16xi32> to vector<16x1xi32>
        %gather3A_927 = vector.shape_cast %broadcast_in_dim3A_926 : vector<16x1xi32> to vector<16xi32>
        %gather3A_928 = tpu.dynamic_gather %add3A_921[%gather3A_927] in [0] : vector<16xf32>, vector<16xi32> -> vector<16xf32>
        %add3A_929 = arith.addf %add3A_921, %gather3A_928 : vector<16xf32>
        %xor3A_930 = arith.constant 4 : i32
        %xor3A_931 = vector.broadcast %xor3A_930 : i32 to vector<16xi32>
        %xor3A_932 = arith.xori %iota3A_922, %xor3A_931 : vector<16xi32>
        %broadcast_in_dim3A_933 = vector.shape_cast %xor3A_932 : vector<16xi32> to vector<16x1xi32>
        %gather3A_934 = vector.shape_cast %broadcast_in_dim3A_933 : vector<16x1xi32> to vector<16xi32>
        %gather3A_935 = tpu.dynamic_gather %add3A_929[%gather3A_934] in [0] : vector<16xf32>, vector<16xi32> -> vector<16xf32>
        %add3A_936 = arith.addf %add3A_929, %gather3A_935 : vector<16xf32>
        %xor3A_937 = arith.constant 2 : i32
        %xor3A_938 = vector.broadcast %xor3A_937 : i32 to vector<16xi32>
        %xor3A_939 = arith.xori %iota3A_922, %xor3A_938 : vector<16xi32>
        %broadcast_in_dim3A_940 = vector.shape_cast %xor3A_939 : vector<16xi32> to vector<16x1xi32>
        %gather3A_941 = vector.shape_cast %broadcast_in_dim3A_940 : vector<16x1xi32> to vector<16xi32>
        %gather3A_942 = tpu.dynamic_gather %add3A_936[%gather3A_941] in [0] : vector<16xf32>, vector<16xi32> -> vector<16xf32>
        %add3A_943 = arith.addf %add3A_936, %gather3A_942 : vector<16xf32>
        %xor3A_944 = arith.constant 1 : i32
        %xor3A_945 = vector.broadcast %xor3A_944 : i32 to vector<16xi32>
        %xor3A_946 = arith.xori %iota3A_922, %xor3A_945 : vector<16xi32>
        %broadcast_in_dim3A_947 = vector.shape_cast %xor3A_946 : vector<16xi32> to vector<16x1xi32>
        %gather3A_948 = vector.shape_cast %broadcast_in_dim3A_947 : vector<16x1xi32> to vector<16xi32>
        %gather3A_949 = tpu.dynamic_gather %add3A_943[%gather3A_948] in [0] : vector<16xf32>, vector<16xi32> -> vector<16xf32>
        %add3A_950 = arith.addf %add3A_943, %gather3A_949 : vector<16xf32>
        %bitcast_convert_type3A_951 = tpu.bitcast %add3A_950 : vector<16xf32> -> vector<16xi32>
        %shift_right_arithmetic3A_952 = arith.constant 1 : i32
        %shift_right_arithmetic3A_953 = vector.broadcast %shift_right_arithmetic3A_952 : i32 to vector<16xi32>
        %shift_right_arithmetic3A_954 = arith.shrsi %bitcast_convert_type3A_951, %shift_right_arithmetic3A_953 : vector<16xi32>
        %sub3A_955 = arith.constant 1597463007 : i32
        %sub3A_956 = vector.broadcast %sub3A_955 : i32 to vector<16xi32>
        %sub3A_957 = arith.subi %sub3A_956, %shift_right_arithmetic3A_954 : vector<16xi32>
        %bitcast_convert_type3A_958 = tpu.bitcast %sub3A_957 : vector<16xi32> -> vector<16xf32>
        %mul3A_959 = arith.constant 5.000000e-01 : f32
        %mul3A_960 = vector.broadcast %mul3A_959 : f32 to vector<16xf32>
        %mul3A_961 = arith.mulf %mul3A_960, %add3A_950 : vector<16xf32>
        %mul3A_962 = arith.mulf %mul3A_961, %bitcast_convert_type3A_958 : vector<16xf32>
        %mul3A_963 = arith.mulf %mul3A_962, %bitcast_convert_type3A_958 : vector<16xf32>
        %sub3A_964 = arith.constant 1.500000e+00 : f32
        %sub3A_965 = vector.broadcast %sub3A_964 : f32 to vector<16xf32>
        %sub3A_966 = arith.subf %sub3A_965, %mul3A_963 : vector<16xf32>
        %mul3A_967 = arith.mulf %bitcast_convert_type3A_958, %sub3A_966 : vector<16xf32>
        %mul3A_968 = arith.constant 5.000000e-01 : f32
        %mul3A_969 = vector.broadcast %mul3A_968 : f32 to vector<16xf32>
        %mul3A_970 = arith.mulf %mul3A_969, %add3A_950 : vector<16xf32>
        %mul3A_971 = arith.mulf %mul3A_970, %mul3A_967 : vector<16xf32>
        %mul3A_972 = arith.mulf %mul3A_971, %mul3A_967 : vector<16xf32>
        %sub3A_973 = arith.constant 1.500000e+00 : f32
        %sub3A_974 = vector.broadcast %sub3A_973 : f32 to vector<16xf32>
        %sub3A_975 = arith.subf %sub3A_974, %mul3A_972 : vector<16xf32>
        %mul3A_976 = arith.mulf %mul3A_967, %sub3A_975 : vector<16xf32>
        %mul3A_977 = arith.mulf %get3A_896, %mul3A_976 : vector<16xf32>
        %swap3A_978 = arith.constant 1 : i32
        %swap3A_979 = arith.index_cast %swap3A_978 : i32 to index
        %swap3A_980 = arith.index_cast %add3A_890 : i32 to index
        %swap3A_981 = arith.constant 0 : index
        %swap3A_982 = tpu.vector_load %arg7[%swap3A_979, %swap3A_980, %swap3A_981] {strides = array<i32>} : memref<2x128x64xf32, #tpu.memory_space<vmem>>, vector<1x1x16xf32>,
        %swap3A_983 = vector.shape_cast %swap3A_982 : vector<1x1x16xf32> to vector<16xf32>
        %swap3A_984 = vector.shape_cast %mul3A_977 : vector<16xf32> to vector<1x1x16xf32>
        tpu.vector_store %arg7[%swap3A_979, %swap3A_980, %swap3A_981], %swap3A_984 {strides = array<i32>} : memref<2x128x64xf32, #tpu.memory_space<vmem>>, vector<1x1x16xf32>,
        %mul3A_985 = arith.mulf %get3A_902, %mul3A_976 : vector<16xf32>
        %swap3A_986 = arith.constant 1 : i32
        %swap3A_987 = arith.index_cast %swap3A_986 : i32 to index
        %swap3A_988 = arith.index_cast %add3A_890 : i32 to index
        %swap3A_989 = arith.constant 16 : index
        %swap3A_990 = tpu.vector_load %arg7[%swap3A_987, %swap3A_988, %swap3A_989] {strides = array<i32>} : memref<2x128x64xf32, #tpu.memory_space<vmem>>, vector<1x1x16xf32>,
        %swap3A_991 = vector.shape_cast %swap3A_990 : vector<1x1x16xf32> to vector<16xf32>
        %swap3A_992 = vector.shape_cast %mul3A_985 : vector<16xf32> to vector<1x1x16xf32>
        tpu.vector_store %arg7[%swap3A_987, %swap3A_988, %swap3A_989], %swap3A_992 {strides = array<i32>} : memref<2x128x64xf32, #tpu.memory_space<vmem>>, vector<1x1x16xf32>,
        %mul3A_993 = arith.mulf %get3A_908, %mul3A_976 : vector<16xf32>
        %swap3A_994 = arith.constant 1 : i32
        %swap3A_995 = arith.index_cast %swap3A_994 : i32 to index
        %swap3A_996 = arith.index_cast %add3A_890 : i32 to index
        %swap3A_997 = arith.constant 32 : index
        %swap3A_998 = tpu.vector_load %arg7[%swap3A_995, %swap3A_996, %swap3A_997] {strides = array<i32>} : memref<2x128x64xf32, #tpu.memory_space<vmem>>, vector<1x1x16xf32>,
        %swap3A_999 = vector.shape_cast %swap3A_998 : vector<1x1x16xf32> to vector<16xf32>
        %swap3A_1000 = vector.shape_cast %mul3A_993 : vector<16xf32> to vector<1x1x16xf32>
        tpu.vector_store %arg7[%swap3A_995, %swap3A_996, %swap3A_997], %swap3A_1000 {strides = array<i32>} : memref<2x128x64xf32, #tpu.memory_space<vmem>>, vector<1x1x16xf32>,
        %mul3A_1001 = arith.mulf %get3A_914, %mul3A_976 : vector<16xf32>
        %swap3A_1002 = arith.constant 1 : i32
        %swap3A_1003 = arith.index_cast %swap3A_1002 : i32 to index
        %swap3A_1004 = arith.index_cast %add3A_890 : i32 to index
        %swap3A_1005 = arith.constant 48 : index
        %swap3A_1006 = tpu.vector_load %arg7[%swap3A_1003, %swap3A_1004, %swap3A_1005] {strides = array<i32>} : memref<2x128x64xf32, #tpu.memory_space<vmem>>, vector<1x1x16xf32>,
        %swap3A_1007 = vector.shape_cast %swap3A_1006 : vector<1x1x16xf32> to vector<16xf32>
        %swap3A_1008 = vector.shape_cast %mul3A_1001 : vector<16xf32> to vector<1x1x16xf32>
        tpu.vector_store %arg7[%swap3A_1003, %swap3A_1004, %swap3A_1005], %swap3A_1008 {strides = array<i32>} : memref<2x128x64xf32, #tpu.memory_space<vmem>>, vector<1x1x16xf32>,
        %add3A_1009 = arith.constant 7 : i32
        %add3A_1010 = arith.addi %mul3A_177, %add3A_1009 : i32
        %get3A_1011 = arith.constant 1 : i32
        %get3A_1012 = arith.index_cast %get3A_1011 : i32 to index
        %get3A_1013 = arith.index_cast %add3A_1010 : i32 to index
        %get3A_1014 = arith.constant 0 : index
        %get3A_1015 = tpu.vector_load %arg6[%get3A_1012, %get3A_1013, %get3A_1014] {strides = array<i32>} : memref<2x128x64xf32, #tpu.memory_space<vmem>>, vector<1x1x16xf32>,
        %get3A_1016 = vector.shape_cast %get3A_1015 : vector<1x1x16xf32> to vector<16xf32>
        %get3A_1017 = arith.constant 1 : i32
        %get3A_1018 = arith.index_cast %get3A_1017 : i32 to index
        %get3A_1019 = arith.index_cast %add3A_1010 : i32 to index
        %get3A_1020 = arith.constant 16 : index
        %get3A_1021 = tpu.vector_load %arg6[%get3A_1018, %get3A_1019, %get3A_1020] {strides = array<i32>} : memref<2x128x64xf32, #tpu.memory_space<vmem>>, vector<1x1x16xf32>,
        %get3A_1022 = vector.shape_cast %get3A_1021 : vector<1x1x16xf32> to vector<16xf32>
        %get3A_1023 = arith.constant 1 : i32
        %get3A_1024 = arith.index_cast %get3A_1023 : i32 to index
        %get3A_1025 = arith.index_cast %add3A_1010 : i32 to index
        %get3A_1026 = arith.constant 32 : index
        %get3A_1027 = tpu.vector_load %arg6[%get3A_1024, %get3A_1025, %get3A_1026] {strides = array<i32>} : memref<2x128x64xf32, #tpu.memory_space<vmem>>, vector<1x1x16xf32>,
        %get3A_1028 = vector.shape_cast %get3A_1027 : vector<1x1x16xf32> to vector<16xf32>
        %get3A_1029 = arith.constant 1 : i32
        %get3A_1030 = arith.index_cast %get3A_1029 : i32 to index
        %get3A_1031 = arith.index_cast %add3A_1010 : i32 to index
        %get3A_1032 = arith.constant 48 : index
        %get3A_1033 = tpu.vector_load %arg6[%get3A_1030, %get3A_1031, %get3A_1032] {strides = array<i32>} : memref<2x128x64xf32, #tpu.memory_space<vmem>>, vector<1x1x16xf32>,
        %get3A_1034 = vector.shape_cast %get3A_1033 : vector<1x1x16xf32> to vector<16xf32>
        %mul3A_1035 = arith.mulf %get3A_1016, %get3A_1016 : vector<16xf32>
        %mul3A_1036 = arith.mulf %get3A_1022, %get3A_1022 : vector<16xf32>
        %add3A_1037 = arith.addf %mul3A_1035, %mul3A_1036 : vector<16xf32>
        %mul3A_1038 = arith.mulf %get3A_1028, %get3A_1028 : vector<16xf32>
        %add3A_1039 = arith.addf %add3A_1037, %mul3A_1038 : vector<16xf32>
        %mul3A_1040 = arith.mulf %get3A_1034, %get3A_1034 : vector<16xf32>
        %add3A_1041 = arith.addf %add3A_1039, %mul3A_1040 : vector<16xf32>
        %iota3A_1042 = tpu.iota {dimensions = array<i32: 0>} : vector<16xi32>
        %xor3A_1043 = arith.constant 8 : i32
        %xor3A_1044 = vector.broadcast %xor3A_1043 : i32 to vector<16xi32>
        %xor3A_1045 = arith.xori %iota3A_1042, %xor3A_1044 : vector<16xi32>
        %broadcast_in_dim3A_1046 = vector.shape_cast %xor3A_1045 : vector<16xi32> to vector<16x1xi32>
        %gather3A_1047 = vector.shape_cast %broadcast_in_dim3A_1046 : vector<16x1xi32> to vector<16xi32>
        %gather3A_1048 = tpu.dynamic_gather %add3A_1041[%gather3A_1047] in [0] : vector<16xf32>, vector<16xi32> -> vector<16xf32>
        %add3A_1049 = arith.addf %add3A_1041, %gather3A_1048 : vector<16xf32>
        %xor3A_1050 = arith.constant 4 : i32
        %xor3A_1051 = vector.broadcast %xor3A_1050 : i32 to vector<16xi32>
        %xor3A_1052 = arith.xori %iota3A_1042, %xor3A_1051 : vector<16xi32>
        %broadcast_in_dim3A_1053 = vector.shape_cast %xor3A_1052 : vector<16xi32> to vector<16x1xi32>
        %gather3A_1054 = vector.shape_cast %broadcast_in_dim3A_1053 : vector<16x1xi32> to vector<16xi32>
        %gather3A_1055 = tpu.dynamic_gather %add3A_1049[%gather3A_1054] in [0] : vector<16xf32>, vector<16xi32> -> vector<16xf32>
        %add3A_1056 = arith.addf %add3A_1049, %gather3A_1055 : vector<16xf32>
        %xor3A_1057 = arith.constant 2 : i32
        %xor3A_1058 = vector.broadcast %xor3A_1057 : i32 to vector<16xi32>
        %xor3A_1059 = arith.xori %iota3A_1042, %xor3A_1058 : vector<16xi32>
        %broadcast_in_dim3A_1060 = vector.shape_cast %xor3A_1059 : vector<16xi32> to vector<16x1xi32>
        %gather3A_1061 = vector.shape_cast %broadcast_in_dim3A_1060 : vector<16x1xi32> to vector<16xi32>
        %gather3A_1062 = tpu.dynamic_gather %add3A_1056[%gather3A_1061] in [0] : vector<16xf32>, vector<16xi32> -> vector<16xf32>
        %add3A_1063 = arith.addf %add3A_1056, %gather3A_1062 : vector<16xf32>
        %xor3A_1064 = arith.constant 1 : i32
        %xor3A_1065 = vector.broadcast %xor3A_1064 : i32 to vector<16xi32>
        %xor3A_1066 = arith.xori %iota3A_1042, %xor3A_1065 : vector<16xi32>
        %broadcast_in_dim3A_1067 = vector.shape_cast %xor3A_1066 : vector<16xi32> to vector<16x1xi32>
        %gather3A_1068 = vector.shape_cast %broadcast_in_dim3A_1067 : vector<16x1xi32> to vector<16xi32>
        %gather3A_1069 = tpu.dynamic_gather %add3A_1063[%gather3A_1068] in [0] : vector<16xf32>, vector<16xi32> -> vector<16xf32>
        %add3A_1070 = arith.addf %add3A_1063, %gather3A_1069 : vector<16xf32>
        %bitcast_convert_type3A_1071 = tpu.bitcast %add3A_1070 : vector<16xf32> -> vector<16xi32>
        %shift_right_arithmetic3A_1072 = arith.constant 1 : i32
        %shift_right_arithmetic3A_1073 = vector.broadcast %shift_right_arithmetic3A_1072 : i32 to vector<16xi32>
        %shift_right_arithmetic3A_1074 = arith.shrsi %bitcast_convert_type3A_1071, %shift_right_arithmetic3A_1073 : vector<16xi32>
        %sub3A_1075 = arith.constant 1597463007 : i32
        %sub3A_1076 = vector.broadcast %sub3A_1075 : i32 to vector<16xi32>
        %sub3A_1077 = arith.subi %sub3A_1076, %shift_right_arithmetic3A_1074 : vector<16xi32>
        %bitcast_convert_type3A_1078 = tpu.bitcast %sub3A_1077 : vector<16xi32> -> vector<16xf32>
        %mul3A_1079 = arith.constant 5.000000e-01 : f32
        %mul3A_1080 = vector.broadcast %mul3A_1079 : f32 to vector<16xf32>
        %mul3A_1081 = arith.mulf %mul3A_1080, %add3A_1070 : vector<16xf32>
        %mul3A_1082 = arith.mulf %mul3A_1081, %bitcast_convert_type3A_1078 : vector<16xf32>
        %mul3A_1083 = arith.mulf %mul3A_1082, %bitcast_convert_type3A_1078 : vector<16xf32>
        %sub3A_1084 = arith.constant 1.500000e+00 : f32
        %sub3A_1085 = vector.broadcast %sub3A_1084 : f32 to vector<16xf32>
        %sub3A_1086 = arith.subf %sub3A_1085, %mul3A_1083 : vector<16xf32>
        %mul3A_1087 = arith.mulf %bitcast_convert_type3A_1078, %sub3A_1086 : vector<16xf32>
        %mul3A_1088 = arith.constant 5.000000e-01 : f32
        %mul3A_1089 = vector.broadcast %mul3A_1088 : f32 to vector<16xf32>
        %mul3A_1090 = arith.mulf %mul3A_1089, %add3A_1070 : vector<16xf32>
        %mul3A_1091 = arith.mulf %mul3A_1090, %mul3A_1087 : vector<16xf32>
        %mul3A_1092 = arith.mulf %mul3A_1091, %mul3A_1087 : vector<16xf32>
        %sub3A_1093 = arith.constant 1.500000e+00 : f32
        %sub3A_1094 = vector.broadcast %sub3A_1093 : f32 to vector<16xf32>
        %sub3A_1095 = arith.subf %sub3A_1094, %mul3A_1092 : vector<16xf32>
        %mul3A_1096 = arith.mulf %mul3A_1087, %sub3A_1095 : vector<16xf32>
        %mul3A_1097 = arith.mulf %get3A_1016, %mul3A_1096 : vector<16xf32>
        %swap3A_1098 = arith.constant 1 : i32
        %swap3A_1099 = arith.index_cast %swap3A_1098 : i32 to index
        %swap3A_1100 = arith.index_cast %add3A_1010 : i32 to index
        %swap3A_1101 = arith.constant 0 : index
        %swap3A_1102 = tpu.vector_load %arg7[%swap3A_1099, %swap3A_1100, %swap3A_1101] {strides = array<i32>} : memref<2x128x64xf32, #tpu.memory_space<vmem>>, vector<1x1x16xf32>,
        %swap3A_1103 = vector.shape_cast %swap3A_1102 : vector<1x1x16xf32> to vector<16xf32>
        %swap3A_1104 = vector.shape_cast %mul3A_1097 : vector<16xf32> to vector<1x1x16xf32>
        tpu.vector_store %arg7[%swap3A_1099, %swap3A_1100, %swap3A_1101], %swap3A_1104 {strides = array<i32>} : memref<2x128x64xf32, #tpu.memory_space<vmem>>, vector<1x1x16xf32>,
        %mul3A_1105 = arith.mulf %get3A_1022, %mul3A_1096 : vector<16xf32>
        %swap3A_1106 = arith.constant 1 : i32
        %swap3A_1107 = arith.index_cast %swap3A_1106 : i32 to index
        %swap3A_1108 = arith.index_cast %add3A_1010 : i32 to index
        %swap3A_1109 = arith.constant 16 : index
        %swap3A_1110 = tpu.vector_load %arg7[%swap3A_1107, %swap3A_1108, %swap3A_1109] {strides = array<i32>} : memref<2x128x64xf32, #tpu.memory_space<vmem>>, vector<1x1x16xf32>,
        %swap3A_1111 = vector.shape_cast %swap3A_1110 : vector<1x1x16xf32> to vector<16xf32>
        %swap3A_1112 = vector.shape_cast %mul3A_1105 : vector<16xf32> to vector<1x1x16xf32>
        tpu.vector_store %arg7[%swap3A_1107, %swap3A_1108, %swap3A_1109], %swap3A_1112 {strides = array<i32>} : memref<2x128x64xf32, #tpu.memory_space<vmem>>, vector<1x1x16xf32>,
        %mul3A_1113 = arith.mulf %get3A_1028, %mul3A_1096 : vector<16xf32>
        %swap3A_1114 = arith.constant 1 : i32
        %swap3A_1115 = arith.index_cast %swap3A_1114 : i32 to index
        %swap3A_1116 = arith.index_cast %add3A_1010 : i32 to index
        %swap3A_1117 = arith.constant 32 : index
        %swap3A_1118 = tpu.vector_load %arg7[%swap3A_1115, %swap3A_1116, %swap3A_1117] {strides = array<i32>} : memref<2x128x64xf32, #tpu.memory_space<vmem>>, vector<1x1x16xf32>,
        %swap3A_1119 = vector.shape_cast %swap3A_1118 : vector<1x1x16xf32> to vector<16xf32>
        %swap3A_1120 = vector.shape_cast %mul3A_1113 : vector<16xf32> to vector<1x1x16xf32>
        tpu.vector_store %arg7[%swap3A_1115, %swap3A_1116, %swap3A_1117], %swap3A_1120 {strides = array<i32>} : memref<2x128x64xf32, #tpu.memory_space<vmem>>, vector<1x1x16xf32>,
        %mul3A_1121 = arith.mulf %get3A_1034, %mul3A_1096 : vector<16xf32>
        %swap3A_1122 = arith.constant 1 : i32
        %swap3A_1123 = arith.index_cast %swap3A_1122 : i32 to index
        %swap3A_1124 = arith.index_cast %add3A_1010 : i32 to index
        %swap3A_1125 = arith.constant 48 : index
        %swap3A_1126 = tpu.vector_load %arg7[%swap3A_1123, %swap3A_1124, %swap3A_1125] {strides = array<i32>} : memref<2x128x64xf32, #tpu.memory_space<vmem>>, vector<1x1x16xf32>,
        %swap3A_1127 = vector.shape_cast %swap3A_1126 : vector<1x1x16xf32> to vector<16xf32>
        %swap3A_1128 = vector.shape_cast %mul3A_1121 : vector<16xf32> to vector<1x1x16xf32>
        tpu.vector_store %arg7[%swap3A_1123, %swap3A_1124, %swap3A_1125], %swap3A_1128 {strides = array<i32>} : memref<2x128x64xf32, #tpu.memory_space<vmem>>, vector<1x1x16xf32>,
      }
      %scan3A_148 = arith.constant 16 : i32
      %mul3A_149 = arith.constant 128 : i32
      %mul3A_150 = arith.muli %add3A_123, %mul3A_149 : i32
      %add3A_151 = arith.addi %mul3A_2, %mul3A_150 : i32
      %dma_start3A_152 = arith.constant 1 : i32
      %dma_start3A_153 = arith.constant 1 : i32
      %dma_start3A_154 = arith.constant 0 : i32
      %dma_start3A_155 = arith.constant 0 : i32
      %dma_start3A_156 = tpu.memref_slice %arg7[%dma_start3A_152, %dma_start3A_154, %dma_start3A_155] : memref<2x128x64xf32, #tpu.memory_space<vmem>> -> memref<1x128x64xf32, #tpu.memory_space<vmem>>
      %dma_start3A_157 = tpu.memref_squeeze %dma_start3A_156 : memref<1x128x64xf32, #tpu.memory_space<vmem>> -> memref<128x64xf32, #tpu.memory_space<vmem>>
      %dma_start3A_158 = arith.constant 0 : i32
      %dma_start3A_159 = tpu.memref_slice %arg4[%add3A_151, %dma_start3A_158] : memref<819200x64xf32, #tpu.memory_space<hbm>> -> memref<128x64xf32, #tpu.memory_space<hbm>>
      %dma_start3A_160 = tpu.memref_slice %arg9[%dma_start3A_153] : memref<2x!tpu.dma_semaphore, #tpu.memory_space<semaphore_mem>> -> memref<1x!tpu.dma_semaphore, #tpu.memory_space<semaphore_mem>>
      %dma_start3A_161 = tpu.memref_squeeze %dma_start3A_160 : memref<1x!tpu.dma_semaphore, #tpu.memory_space<semaphore_mem>> -> memref<!tpu.dma_semaphore, #tpu.memory_space<semaphore_mem>>
      %dma_start3A_162 = arith.constant 0 : i32
      %dma_start3A_163 = tpu.memref_slice %arg4[%add3A_151, %dma_start3A_162] : memref<819200x64xf32, #tpu.memory_space<hbm>> -> memref<128x64xf32, #tpu.memory_space<hbm>>
      %dma_start3A_164 = arith.constant 0 : i32
      %dma_start3A_165 = arith.constant 0 : i32
      %dma_start3A_166 = tpu.memref_slice %arg7[%dma_start3A_152, %dma_start3A_164, %dma_start3A_165] : memref<2x128x64xf32, #tpu.memory_space<vmem>> -> memref<1x128x64xf32, #tpu.memory_space<vmem>>
      %dma_start3A_167 = tpu.memref_squeeze %dma_start3A_166 : memref<1x128x64xf32, #tpu.memory_space<vmem>> -> memref<128x64xf32, #tpu.memory_space<vmem>>
      tpu.enqueue_dma source(%dma_start3A_167 : memref<128x64xf32, #tpu.memory_space<vmem>>) target(%dma_start3A_163 : memref<128x64xf32, #tpu.memory_space<hbm>>) target_semaphore(%dma_start3A_161 : memref<!tpu.dma_semaphore, #tpu.memory_space<semaphore_mem>>)
      %add3A_168 = arith.constant 2 : i32
      %add3A_169 = arith.addi %add3A_123, %add3A_168 : i32
      %lt3A_170 = arith.constant 200 : i32
      %lt3A_171 = arith.cmpi slt, %add3A_169, %lt3A_170 : i32
      %convert_element_type3A_172 = arith.extui %lt3A_171 : i1 to i32
      %cond3A_173 = arith.constant 0 : i32
      %cond3A_174 = arith.cmpi ne, %convert_element_type3A_172, %cond3A_173 : i32
      scf.if %cond3A_174 {
        %add3A_175 = arith.constant 2 : i32
        %add3A_176 = arith.addi %add3A_123, %add3A_175 : i32
        %mul3A_177 = arith.constant 128 : i32
        %mul3A_178 = arith.muli %add3A_176, %mul3A_177 : i32
        %dma_start3A_179 = arith.constant 1 : i32
        %dma_start3A_180 = arith.constant 1 : i32
        %dma_start3A_181 = arith.constant 0 : i32
        %dma_start3A_182 = arith.constant 0 : i32
        %dma_start3A_183 = tpu.memref_slice %arg6[%dma_start3A_179, %dma_start3A_181, %dma_start3A_182] : memref<2x128x64xf32, #tpu.memory_space<vmem>> -> memref<1x128x64xf32, #tpu.memory_space<vmem>>
        %dma_start3A_184 = tpu.memref_squeeze %dma_start3A_183 : memref<1x128x64xf32, #tpu.memory_space<vmem>> -> memref<128x64xf32, #tpu.memory_space<vmem>>
        %dma_start3A_185 = tpu.memref_slice %arg5[%mul3A_178] : memref<25600xi32, #tpu.memory_space<vmem>> -> memref<128xi32, #tpu.memory_space<vmem>>
        %dma_start3A_186 = arith.constant 0 : i32
        %dma_start3A_187 = arith.constant 0 : i32
        %dma_start3A_188 = tpu.memref_slice %arg3[%dma_start3A_186, %dma_start3A_187] : memref<1000000x64xf32, #tpu.memory_space<hbm>> -> memref<1000000x64xf32, #tpu.memory_space<hbm>>
        %dma_start3A_189 = tpu.memref_slice %arg8[%dma_start3A_180] : memref<2x!tpu.dma_semaphore, #tpu.memory_space<semaphore_mem>> -> memref<1x!tpu.dma_semaphore, #tpu.memory_space<semaphore_mem>>
        %dma_start3A_190 = tpu.memref_squeeze %dma_start3A_189 : memref<1x!tpu.dma_semaphore, #tpu.memory_space<semaphore_mem>> -> memref<!tpu.dma_semaphore, #tpu.memory_space<semaphore_mem>>
        tpu.enqueue_indirect_dma source(%dma_start3A_188 : memref<1000000x64xf32, #tpu.memory_space<hbm>>) target(%dma_start3A_184 : memref<128x64xf32, #tpu.memory_space<vmem>>) offsets(%dma_start3A_185 : memref<128xi32, #tpu.memory_space<vmem>>) semaphore(%dma_start3A_190 : memref<!tpu.dma_semaphore, #tpu.memory_space<semaphore_mem>>)
      } else {
      }
    }
    %scan3A_32 = arith.constant 100 : i32
    %add3A_33 = arith.constant 0 : i32
    %add3A_34 = arith.addi %mul3A_2, %add3A_33 : i32
    %dma_wait3A = arith.constant 0 : i32
    %dma_wait3A_35 = arith.constant 0 : i32
    %dma_wait3A_36 = arith.constant 0 : i32
    %dma_wait3A_37 = arith.constant 0 : i32
    %dma_wait3A_38 = tpu.memref_slice %arg7[%dma_wait3A, %dma_wait3A_36, %dma_wait3A_37] : memref<2x128x64xf32, #tpu.memory_space<vmem>> -> memref<1x128x64xf32, #tpu.memory_space<vmem>>
    %dma_wait3A_39 = tpu.memref_squeeze %dma_wait3A_38 : memref<1x128x64xf32, #tpu.memory_space<vmem>> -> memref<128x64xf32, #tpu.memory_space<vmem>>
    %dma_wait3A_40 = arith.constant 0 : i32
    %dma_wait3A_41 = tpu.memref_slice %arg4[%add3A_34, %dma_wait3A_40] : memref<819200x64xf32, #tpu.memory_space<hbm>> -> memref<128x64xf32, #tpu.memory_space<hbm>>
    %dma_wait3A_42 = tpu.memref_slice %arg9[%dma_wait3A_35] : memref<2x!tpu.dma_semaphore, #tpu.memory_space<semaphore_mem>> -> memref<1x!tpu.dma_semaphore, #tpu.memory_space<semaphore_mem>>
    %dma_wait3A_43 = tpu.memref_squeeze %dma_wait3A_42 : memref<1x!tpu.dma_semaphore, #tpu.memory_space<semaphore_mem>> -> memref<!tpu.dma_semaphore, #tpu.memory_space<semaphore_mem>>
    %dma_wait3A_44 = arith.constant 0 : i32
    %dma_wait3A_45 = tpu.memref_slice %arg4[%add3A_34, %dma_wait3A_44] : memref<819200x64xf32, #tpu.memory_space<hbm>> -> memref<128x64xf32, #tpu.memory_space<hbm>>
    %dma_wait3A_46 = arith.constant 0 : i32
    %dma_wait3A_47 = arith.constant 0 : i32
    %dma_wait3A_48 = tpu.memref_slice %arg7[%dma_wait3A, %dma_wait3A_46, %dma_wait3A_47] : memref<2x128x64xf32, #tpu.memory_space<vmem>> -> memref<1x128x64xf32, #tpu.memory_space<vmem>>
    %dma_wait3A_49 = tpu.memref_squeeze %dma_wait3A_48 : memref<1x128x64xf32, #tpu.memory_space<vmem>> -> memref<128x64xf32, #tpu.memory_space<vmem>>
    tpu.wait_dma2 semaphore(%dma_wait3A_43 : memref<!tpu.dma_semaphore, #tpu.memory_space<semaphore_mem>>) src(%dma_wait3A_49 : memref<128x64xf32, #tpu.memory_space<vmem>>) dst(%dma_wait3A_45 : memref<128x64xf32, #tpu.memory_space<hbm>>)
    %add3A_50 = arith.constant 0 : i32
    %add3A_51 = arith.addi %mul3A_2, %add3A_50 : i32
    %dma_wait3A_52 = arith.constant 1 : i32
    %dma_wait3A_53 = arith.constant 1 : i32
    %dma_wait3A_54 = arith.constant 0 : i32
    %dma_wait3A_55 = arith.constant 0 : i32
    %dma_wait3A_56 = tpu.memref_slice %arg7[%dma_wait3A_52, %dma_wait3A_54, %dma_wait3A_55] : memref<2x128x64xf32, #tpu.memory_space<vmem>> -> memref<1x128x64xf32, #tpu.memory_space<vmem>>
    %dma_wait3A_57 = tpu.memref_squeeze %dma_wait3A_56 : memref<1x128x64xf32, #tpu.memory_space<vmem>> -> memref<128x64xf32, #tpu.memory_space<vmem>>
    %dma_wait3A_58 = arith.constant 0 : i32
    %dma_wait3A_59 = tpu.memref_slice %arg4[%add3A_51, %dma_wait3A_58] : memref<819200x64xf32, #tpu.memory_space<hbm>> -> memref<128x64xf32, #tpu.memory_space<hbm>>
    %dma_wait3A_60 = tpu.memref_slice %arg9[%dma_wait3A_53] : memref<2x!tpu.dma_semaphore, #tpu.memory_space<semaphore_mem>> -> memref<1x!tpu.dma_semaphore, #tpu.memory_space<semaphore_mem>>
    %dma_wait3A_61 = tpu.memref_squeeze %dma_wait3A_60 : memref<1x!tpu.dma_semaphore, #tpu.memory_space<semaphore_mem>> -> memref<!tpu.dma_semaphore, #tpu.memory_space<semaphore_mem>>
    %dma_wait3A_62 = arith.constant 0 : i32
    %dma_wait3A_63 = tpu.memref_slice %arg4[%add3A_51, %dma_wait3A_62] : memref<819200x64xf32, #tpu.memory_space<hbm>> -> memref<128x64xf32, #tpu.memory_space<hbm>>
    %dma_wait3A_64 = arith.constant 0 : i32
    %dma_wait3A_65 = arith.constant 0 : i32
    %dma_wait3A_66 = tpu.memref_slice %arg7[%dma_wait3A_52, %dma_wait3A_64, %dma_wait3A_65] : memref<2x128x64xf32, #tpu.memory_space<vmem>> -> memref<1x128x64xf32, #tpu.memory_space<vmem>>
    %dma_wait3A_67 = tpu.memref_squeeze %dma_wait3A_66 : memref<1x128x64xf32, #tpu.memory_space<vmem>> -> memref<128x64xf32, #tpu.memory_space<vmem>>
    tpu.wait_dma2 semaphore(%dma_wait3A_61 : memref<!tpu.dma_semaphore, #tpu.memory_space<semaphore_mem>>) src(%dma_wait3A_67 : memref<128x64xf32, #tpu.memory_space<vmem>>) dst(%dma_wait3A_63 : memref<128x64xf32, #tpu.memory_space<hbm>>)
    return
  }
}

</mosaic_0001>

<sc_bundles>
// kernel: kernel.3.cloned.1.call-start
scs
__scs_entry_jumppad:
0x0: {  	(pc) =	sbr.rel $0x88, $3  }
0x1: {  	(tag) =	ssettag $0x0;
	lr =	simm.s32 $0x1  }
0x2: {  	[smem:$0x3F9F] =	sst lr;
	_ =	strace $0xD0000000  }
0x3: {  	_ = 	snop  }
0x4: {  	_ = 	snop  }
0x5: {  	_ = 	snop  }
0x6: {  	_ = 	snop  }
0x7: {  	_ = 	snop  }
__scs_overlays_trampoline_lowered:
0x8: {  	[smem:$0x3FAE] =	sst s0  }
0x9: {  	[smem:$0x3FAF] =	sst s1  }
0xa: {  	[smem:$0x3FB0] =	sst s2  }
0xb: {  	[smem:$0x3FB1] =	sst s3  }
0xc: {  	[smem:$0x3FB2] =	sst s4  }
0xd: {  	[smem:$0x3FB3] =	sst s5  }
0xe: {  	[smem:$0x3FB4] =	sst s6  }
0xf: {  	[smem:$0x3FB5] =	sst s7  }
0x10: {  	[smem:$0x3FB6] =	sst s8  }
0x11: {  	[smem:$0x3FB7] =	sst s9;
	s0 =	simm.s32 @!p0 $0x0  }
0x12: {  	s1 =	sld [smem:$0x3F9D];
	s0 =	simm.s32 @p0 $0x1  }
0x13: {  	[smem:$0x3FB8] =	sst s0;
	s0 =	simm.s32 @!p1 $0x0  }
0x14: {  	s2 =	sld [smem:$0x3F9C];
	s0 =	simm.s32 @p1 $0x1  }
0x15: {  	[smem:$0x3FB9] =	sst s0;
	s0 =	simm.s32 @!p2 $0x0  }
0x16: {  	s3 =	sld [smem:$0x3FDB];
	s0 =	simm.s32 @p2 $0x1  }
0x17: {  	s4 =	simm.s32 $0x1BF5;
	[smem:$0x3FBB] =	sst s0  }
0x18: {  	s0 =	sld [smem:$0x3F9E];
	_ =	swait.ge [sflag:s4], $0x0  }
0x19: {  	s7 =	sld [smem:$0x3F9F]  }
0x1a: {  	s8 =	sadd.s32 $0xFFFFE003, lr  }
0x1b: {  	s9 =	sadd.s32 $0xFFFFFEF7, lr;
	s5 =	simm.s32 $0xFFFFFFFF;
	p2 =	slt.u32 s8, $0xFFFFF086  }
0x1c: {  	p1 =	slt.u32 s9, $0xF7A;
	s5 =	simm.s32 @!p2 $0x0  }
0x1d: {  	s5 =	simm.s32 @p1 $0x1;
	p0 =	seq.s32 s7, s2  }
0x1e: {  	s7 =	smul.u32 @!p0 $0xF7A, s2;
	p2 =	seq.s32 @!p0 s5, $0x0  }
0x1f: {  	s9 =	smul.u32 $0xF7A, s1;
	s8 =	simm.s32 @!p0 $0x1BF5;
	p2 =	por !p2, p0  }
0x20: {  	[sflag:s8] =	ssyncset.s32 @!p0 $0xFFFFF086;
	s6 =	sadd.s32 @!p0 s3, s7;
	s7 =	simm.s32 @!p0 $0x108  }
0x21: {  	s3 =	sadd.s32 s3, s9;
	s6 =	sadd.s32 @!p0 $0x88, s6;
	s7 =	simm.s32 @p2 $0x1082  }
0x22: {  	[simem:s7], [sflag:s8] =	dma.local @!p0 [hbm:s6], $0xF7A  }
0x23: {  	s9 =	sor.u32 $0xD0000000, s2;
	s6 =	simm.s32 $0x108;
	_ =	swait.ge @!p0 [sflag:s8], $0x0  }
0x24: {  	s3 =	sadd.s32 $0x88, s3;
	s6 =	simm.s32 @!p1 $0x1082;
	[sflag:s4] =	ssyncset.s32 $0xFFFFF086  }
0x25: {  	[simem:s6], [sflag:s4] =	dma.local [hbm:s3], $0xF7A  }
0x26: {  	[smem:$0x3F9F] =	sst s1;
	(tag) =	ssettag s2;
	_ =	strace s9  }
0x27: {  	s1 =	sld [smem:$0x3FAF]  }
0x28: {  	s2 =	sld [smem:$0x3FB0]  }
0x29: {  	s4 =	sld [smem:$0x3FB2]  }
0x2a: {  	p0 =	seq.s32 s5, $0x0;
	s5 =	sld [smem:$0x3FB3]  }
0x2b: {  	s6 =	sld [smem:$0x3FB4]  }
0x2c: {  	s7 =	sld [smem:$0x3FB5]  }
0x2d: {  	s3 =	simm.s32 $0x108;
	s8 =	sld [smem:$0x3FB6]  }
0x2e: {  	s3 =	simm.s32 @!p0 $0x1082;
	s9 =	sld [smem:$0x3FB7]  }
0x2f: {  	lr =	sadd.s32 s0, s3;
	s0 =	sld [smem:$0x3FAE]  }
0x30: {  	s3 =	sld [smem:$0x3FB1]  }
0x31: {  	[smem:$0x3FBA] =	sst s10  }
0x32: {  	s10 =	sld [smem:$0x3FB8];
	_ =	sdelay $0x3  }
0x33: {  	p0 =	seq.s32 s10, $0x1;
	s10 =	sld [smem:$0x3FBA];
	_ =	sdelay $0x3  }
0x34: {  	[smem:$0x3FBA] =	sst s10  }
0x35: {  	s10 =	sld [smem:$0x3FB9];
	_ =	sdelay $0x3  }
0x36: {  	p1 =	seq.s32 s10, $0x1;
	s10 =	sld [smem:$0x3FBA];
	_ =	sdelay $0x3  }
0x37: {  	[smem:$0x3FBA] =	sst s10  }
0x38: {  	s10 =	sld [smem:$0x3FBB]  }
0x39: {  	_ = 	snop;
	(pc) =	sbr.ind lr, $3  }
0x3a: {  	_ = 	snop  }
0x3b: {  	_ = 	snop  }
0x3c: {  	p2 =	seq.s32 s10, $0x1;
	s10 =	sld [smem:$0x3FBA]  }
0x3d: {  	_ =	shalt  }
0x3e: {  	_ =	shalt  }
0x3f: {  	_ =	shalt  }
0x40: {  	_ =	shalt  }
0x41: {  	_ =	shalt  }
0x42: {  	_ =	shalt  }
0x43: {  	_ =	shalt  }
0x44: {  	_ =	shalt  }
0x45: {  	_ =	shalt  }
0x46: {  	_ =	shalt  }
0x47: {  	_ =	shalt  }
0x48: {  	_ =	shalt  }
0x49: {  	_ =	shalt  }
0x4a: {  	_ =	shalt  }
0x4b: {  	_ =	shalt  }
0x4c: {  	_ =	shalt  }
0x4d: {  	_ =	shalt  }
0x4e: {  	_ =	shalt  }
0x4f: {  	_ =	shalt  }
0x50: {  	_ =	shalt  }
0x51: {  	_ =	shalt  }
0x52: {  	_ =	shalt  }
0x53: {  	_ =	shalt  }
0x54: {  	_ =	shalt  }
0x55: {  	_ =	shalt  }
0x56: {  	_ =	shalt  }
0x57: {  	_ =	shalt  }
0x58: {  	_ =	shalt  }
0x59: {  	_ =	shalt  }
0x5a: {  	_ =	shalt  }
0x5b: {  	_ =	shalt  }
0x5c: {  	_ =	shalt  }
0x5d: {  	_ =	shalt  }
0x5e: {  	_ =	shalt  }
0x5f: {  	_ =	shalt  }
0x60: {  	_ =	shalt  }
0x61: {  	_ =	shalt  }
0x62: {  	_ =	shalt  }
0x63: {  	_ =	shalt  }
0x64: {  	_ =	shalt  }
0x65: {  	_ =	shalt  }
0x66: {  	_ =	shalt  }
0x67: {  	_ =	shalt  }
0x68: {  	_ =	shalt  }
0x69: {  	_ =	shalt  }
0x6a: {  	_ =	shalt  }
0x6b: {  	_ =	shalt  }
0x6c: {  	_ =	shalt  }
0x6d: {  	_ =	shalt  }
0x6e: {  	_ =	shalt  }
0x6f: {  	_ =	shalt  }
0x70: {  	_ =	shalt  }
0x71: {  	_ =	shalt  }
0x72: {  	_ =	shalt  }
0x73: {  	_ =	shalt  }
0x74: {  	_ =	shalt  }
0x75: {  	_ =	shalt  }
0x76: {  	_ =	shalt  }
0x77: {  	_ =	shalt  }
0x78: {  	_ =	shalt  }
0x79: {  	_ =	shalt  }
0x7a: {  	_ =	shalt  }
0x7b: {  	_ =	shalt  }
0x7c: {  	_ =	shalt  }
0x7d: {  	_ =	shalt  }
0x7e: {  	_ =	shalt  }
0x7f: {  	_ =	shalt  }
0x80: {  	_ =	shalt  }
0x81: {  	_ =	shalt  }
0x82: {  	_ =	shalt  }
0x83: {  	_ =	shalt  }
0x84: {  	_ =	shalt  }
0x85: {  	_ =	shalt  }
0x86: {  	_ =	shalt  }
0x87: {  	_ =	shalt  }
.Lfunc_end0:
.L_simem_size_0:
called_computation.1_lowered:
.L_overlay_start_0:
0x88: {  	s2 =	sld [smem:$0x3FD9]  }
0x89: {  	s3 =	sld [smem:$0x3FFE];
	_ =	sdelay $0x1  }
0x8a: {  	s1 =	srdreg.scid  }
0x8b: {  	s0 =	sand.u32 $0x1, s1  }
0x8c: {  	s17 =	sshll.u32 s0, $0xA;
	s2 =	sadd.s32 s3, s2  }
0x8d: {  	s2 =	sadd.s32 s2, s17  }
0x8e: {  	[smem:$0x3FC6] =	sst s2  }
0x8f: {  	_ = 	snop  }
0x90: {  	s2 =	sld [smem:$0x3FD0];
	(tm) =	ssettm $0x1  }
0x91: {  	s18 =	sld [smem:$0x3FFB];
	_ =	sdelay $0x3  }
0x92: {  	_ =	strace s18  }
0x93: {  	s3 =	sld [smem:$0x3FFC];
	_ =	sdelay $0x3  }
0x94: {  	_ =	strace s3  }
0x95: {  	s3 =	sld [smem:$0x3FFD];
	_ =	sdelay $0x3  }
0x96: {  	_ =	strace s3  }
0x97: {  	_ =	strace $0x8FFFFFFF  }
0x98: {  	s19 =	sld [smem:$0x3FDB];
	_ =	sdelay $0x1  }
0x99: {  	s4 =	simm.s32 $_scs_section_size  }
0x9a: {  	s5 =	simm.s32 $_size__tile_overlayer_lowered;
	s6 =	simm.s32 $_tile_overlayer_lowered  }
0x9b: {  	s22 =	simm.s32 $0x1BFF;
	s21 =	sshll.u32 s6, $0x1;
	s3 =	sadd.s32 s4, s19  }
0x9c: {  	s7 =	simm.s32 $0x0;
	s20 =	sshll.u32 s5, $0x1;
	s5 =	sadd.s32 s21, s3  }
0x9d: {  	[timem:s7], [sflag:s22] =	dma.local [hbm:s5], s20  }
0x9e: {  	_ =	swait.ge [sflag:s22], s20  }
0x9f: {  	s4 =	ssub.s32 $0x0, s20;
	[sflag:s22] =	ssyncset.done $0x0  }
0xa0: {  	[sflag:s22] =	ssyncadd.s32 s4;
	_ =	sdelay $0x1  }
0xa1: {  	s23 =	simm.s32 $0x1B8B  }
0xa2: {  	_ =	swait.ge [sflag:s23], $0x1  }
0xa3: {  	[sflag:s23] =	ssyncset.done $0x0  }
0xa4: {  	s25 =	simm.s32 $0x1B8E;
	s24 =	sld [smem:$0x3FFE];
	[sflag:s23] =	ssyncadd.s32 $0xFFFFFFFF  }
0xa5: {  	s26 =	simm.s32 $execute0_lowered;
	[smem:$0x3FD2] =	sst s25  }
0xa6: {  	s5 =	sshll.u32 s26, $0x1;
	_ =	strace $0x80000046;
	[dreg:$0x1] =	wrdreg $0xFFFFFFFF  }
0xa7: {  	s28 =	simm.s32 $_size_execute0_lowered;
	s3 =	sadd.s32 s3, s5;
	[dreg:$0x0] =	wrdreg $0x0  }
0xa8: {  	s5 =	sshll.u32 s28, $0x1;
	[dreg:$0x2] =	wrdreg s3  }
0xa9: {  	[dreg:$0x3] =	wrdreg s5  }
0xaa: {  	[dreg:$0x4] =	wrdreg $0xC0  }
0xab: {  	_ =	task [dreg:s7], $0x5FFFF  }
0xac: {  	[dreg:$0x1] =	wrdreg $0xFFFFFFFF  }
0xad: {  	[dreg:$0x0] =	wrdreg $0x60  }
0xae: {  	[dreg:$0x2] =	wrdreg s24  }
0xaf: {  	[dreg:$0x3] =	wrdreg s2  }
0xb0: {  	[dreg:$0x4] =	wrdreg $0x9  }
0xb1: {  	_ =	task.clear_ibuf [dreg:s7], $0x5FFFF;
	_ =	strace $0x90000046  }
0xb2: {  	s29 =	simm.s32 $0x9;
	_ =	strace $0x80000048  }
0xb3: {  	_ =	swait.ge [sflag:s29], $0x1  }
0xb4: {  	[sflag:s29] =	ssyncadd.s32 $0xFFFFFFFF  }
0xb5: {  	_ =	strace $0x90000048  }
0xb6: {  	_ =	sfence  }
0xb7: {  	s30 =	sld [smem:$0x0];
	_ =	sdelay $0x2  }
0xb8: {  	s31 =	sshll.u32 s1, $0xD;
	s1 =	sshrl.u32 s1, $0x2  }
0xb9: {  	s3 =	sand.u32 $0x4000, s31;
	s1 =	sadd.s32 s1, s30  }
0xba: {  	s0 =	sor.u32 s3, s0;
	s1 =	sshll.u32 s1, $0x11  }
0xbb: {  	s0 =	sor.u32 s1, s0  }
0xbc: {  	s0 =	sadd.s32 $0x8F2B, s0  }
0xbd: {  	[sflag:s0] =	ssyncadd.remote.s32 $0x1  }
0xbe: {  	_ =	sfence.sel $0xFFFF  }
0xbf: {  	[dreg:$0x0] =	wrdreg $0xFFFFFFFF;
	(pc) =	sbr.abs _section_cstart, $3  }
0xc0: {  	[dreg:$0x1] =	wrdreg $0xFFFFFFFF  }
0xc1: {  	_ =	task.clear_ibuf [dreg:s7], $0x2FFFF;
	_ =	strace $0x9FFFFFFF  }
0xc2: {  	(tm) =	ssettm $0x7FFFFFFF  }
0xc3: {  	_ =	shalt  }
tec
execute0_lowered:
.L_overlay_start_1:
0x0: {  	(tag) =	ssettag $0x1  }
0x1: {  	s4 =	rddreg [dreg:$0x0]  }
0x2: {  	v0 =	vimm.s32 $0xFEDCBA98;
	s1 =	rddreg [dreg:$0x1];
	v1 =	vimm.s32 $0x76543210;
	v2 =	vimm.s32 $0xBA98FEDC  }
0x3: {  	s2 =	simm.s32 $0x0;
	s3 =	srdreg.scid;
	s0 =	stileid.u32;
	v3 =	vimm.s32 $0x32107654;
	v4 =	vimm.s32 $0xDCFE98BA;
	v5 =	vimm.s32 $0x54761032  }
0x4: {  	v6 =	vimm.s32 $0xEFCDAB89;
	v7 =	vimm.s32 $0x67452301;
	s10 =	simm.s32 $0x80;
	s11 =	simm.s32 $0x6400;
	s12 =	simm.s32 $0x8400  }
0x5: {  	s13 =	simm.s32 $0x1;
	s14 =	simm.s32 $0xA400;
	s15 =	simm.s32 $0x2;
	v0 =	vunpack.c.l.s4.s8 v0;
	v1 =	vunpack.c.l.s4.s8 v1;
	v2 =	vunpack.c.l.s4.s8 v2  }
0x6: {  	s16 =	simm.s32 $0x4;
	s5 =	sand.u32 $0x1, s3;
	s6 =	sshll.u32 s0, $0x1;
	v3 =	vunpack.c.l.s4.s8 v3;
	v4 =	vunpack.c.l.s4.s8 v4;
	v5 =	vunpack.c.l.s4.s8 v5  }
0x7: {  	s17 =	simm.s32 $0xC400;
	s18 =	simm.s32 $0x3;
	v6 =	vunpack.c.l.s4.s8 v6;
	v7 =	vunpack.c.l.s4.s8 v7;
	s6 =	sor.u32 s5, s6;
	v0 =	vunpack.c.0.s8.s32 v0  }
0x8: {  	s19 =	simm.s32 $0x0;
	[smem:$0x7FF] =	sst s2;
	s7 =	smul.u32 $0xC80, s6;
	v2 =	vunpack.c.0.s8.s32 v2;
	v3 =	vunpack.c.0.s8.s32 v3;
	v4 =	vunpack.c.0.s8.s32 v4  }
.Ltmp0:
0x9: {  	s3 =	rddreg [dreg:$0x2];
	s5 =	ssub.s32 $0x2, s5;
	v5 =	vunpack.c.0.s8.s32 v5;
	v6 =	vunpack.c.0.s8.s32 v6;
	v7 =	vunpack.c.0.s8.s32 v7;
	(pc) =	sbr.rel .LBB2_1-.Ltmp0, $4  }
0xa: {  	_ =	strace $0x80000047;
	s8 =	sshrl.u32 s5, $0x1;
	s9 =	smul.u32 $0x32000, s6;
	v1 =	vunpack.c.0.s8.s32 v1;
	v2 =	vcombine.low v3, v2  }
0xb: {  	s6 =	smul.u32 $0x190000, s6;
	s8 =	ssub.s32 s5, s8;
	s7 =	sadd.s32 s7, s4;
	v3 =	vcombine.low v5, v4;
	v4 =	vcombine.low v7, v6;
	v0 =	vand.u32 $0xF, v0  }
0xc: {  	s4 =	sadd.s32 $0xF42E00, s4;
	s31 =	sadd.s32 s9, s1;
	s9 =	simm.s32 $0x5;
	v0 =	vcombine.low v0, v1  }
0xd: {  	s5 =	sadd.s32 $0xA00, s7;
	s7 =	smax.u32 s8, $0x1;
	s8 =	sadd.s32 $0x400, s31;
	v1 =	vand.u32 $0xF, v2;
	v2 =	vand.u32 $0xF, v3;
	v3 =	vand.u32 $0xF, v4  }
.LBB2_12:
0xe: {  	s19 =	sadd.s32 $0x1, s19  }
0xf: {  	_ =	swait.ge [sflag:s18], $0x2000;
	p0 =	sne.s32 s19, s7  }
.Ltmp1:
0x10: {  	[sflag:s18] =	ssyncset.done $0x0;
	(pc) =	sbr.rel @!p0 .LBB2_13-.Ltmp1, $4  }
0x11: {  	[sflag:s18] =	ssyncadd.s32 $0xFFFFE000  }
0x12: {  	_ =	swait.ge [sflag:s16], $0x2000  }
0x13: {  	[sflag:s16] =	ssyncset.done $0x0  }
0x14: {  	[sflag:s16] =	ssyncadd.s32 $0xFFFFE000  }
.LBB2_1:
0x15: {  	[tilespmem:s2], [sflag:$0x5] =	stream.linear.gather [hbm4b:s5+s2], $0x6400, $0x38;
	[tilespmem:$0xE400] =	vst v63  }
0x16: {  	_ =	swait.ge [sflag:s9], $0x6400  }
0x17: {  	[sflag:s9] =	ssyncset.done $0x0  }
0x18: {  	[sflag:s9] =	ssyncadd.s32 $0xFFFF9C00  }
0x19: {  	[tilespmem:s11], [sflag:$0x1] =	stream.indirect.gather [hbm4b:s4+s10], $0x40, s2, s10, $0xb8;
	[tilespmem:$0xE400] =	vst v63  }
0x1a: {  	s20 =	simm.s32 $0x0  }
0x1b: {  	[tilespmem:s12], [sflag:$0x2] =	stream.indirect.gather [hbm4b:s4+s10], $0x40, s10, s10, $0xb8;
	[tilespmem:$0xE400] =	vst v63  }
.LBB2_2:
0x1c: {  	_ =	swait.ge [sflag:s13], $0x2000  }
0x1d: {  	p0 =	seq.s32 s20, $0x0;
	[sflag:s13] =	ssyncset.done $0x0  }
0x1e: {  	s21 =	simm.s32 @!p0 $0x3;
	[sflag:s13] =	ssyncadd.s32 $0xFFFFE000  }
0x1f: {  	_ =	swait.ge @!p0 [sflag:s21], $0x2000  }
0x20: {  	[sflag:s21] =	ssyncset.done @!p0 $0x0  }
0x21: {  	s22 =	simm.s32 $0x0;
	[sflag:s21] =	ssyncadd.s32 @!p0 $0xFFFFE000  }
0x22: {  	v5 =	vld [tilespmem:s22+$0x65C0]  }
0x23: {  	v6 =	vld [tilespmem:s22+$0x65D0]  }
0x24: {  	v32 =	vld [tilespmem:s22+$0x6400]  }
0x25: {  	v4 =	vld [tilespmem:s22+$0x65E0]  }
0x26: {  	v31 =	vld [tilespmem:s22+$0x6410]  }
0x27: {  	v36 =	vld [tilespmem:s22+$0x65F0]  }
0x28: {  	v27 =	vld [tilespmem:s22+$0x6440]  }
0x29: {  	v30 =	vld [tilespmem:s22+$0x6450]  }
0x2a: {  	v16 =	vld [tilespmem:s22+$0x6480]  }
0x2b: {  	v17 =	vld [tilespmem:s22+$0x6490];
	v7 =	vmul.f32 v5, v5;
	v8 =	vmul.f32 v6, v6  }
0x2c: {  	v14 =	vld [tilespmem:s22+$0x64C0]  }
0x2d: {  	v15 =	vld [tilespmem:s22+$0x64D0];
	v7 =	vadd.f32 v8, v7;
	v8 =	vmul.f32 v4, v4  }
0x2e: {  	v13 =	vld [tilespmem:s22+$0x6500]  }
0x2f: {  	v12 =	vld [tilespmem:s22+$0x6510];
	v7 =	vadd.f32 v8, v7;
	v8 =	vmul.f32 v36, v36  }
0x30: {  	v10 =	vld [tilespmem:s22+$0x6540]  }
0x31: {  	v9 =	vld [tilespmem:s22+$0x6550];
	v7 =	vadd.f32 v8, v7  }
0x32: {  	v34 =	vld [tilespmem:s22+$0x6420];
	v18 =	vmul.f32 v32, v32;
	v19 =	vmul.f32 v31, v31  }
0x33: {  	v33 =	vld [tilespmem:s22+$0x6460];
	v20 =	vmul.f32 v27, v27;
	v11 =	vperm.xlane v7, v0  }
0x34: {  	v21 =	vmul.f32 v30, v30;
	v23 =	vmul.f32 v16, v16;
	v8 =	vld [tilespmem:s22+$0x6580]  }
0x35: {  	v18 =	vadd.f32 v19, v18;
	v19 =	vmul.f32 v17, v17;
	v11 =	vadd.f32 v7, v11;
	v7 =	vld [tilespmem:s22+$0x6590]  }
0x36: {  	v35 =	vmul.f32 v10, v10;
	v37 =	vmul.f32 v9, v9;
	v21 =	vadd.f32 v21, v20;
	v20 =	vld [tilespmem:s22+$0x6520]  }
0x37: {  	v25 =	vmul.f32 v14, v14;
	v23 =	vadd.f32 v19, v23;
	v19 =	vld [tilespmem:s22+$0x6560];
	v22 =	vperm.xlane v11, v1  }
0x38: {  	v26 =	vmul.f32 v15, v15;
	v28 =	vmul.f32 v13, v13;
	v37 =	vadd.f32 v37, v35;
	v35 =	vld [tilespmem:s22+$0x6430]  }
0x39: {  	v24 =	vld [tilespmem:s22+$0x64A0];
	v41 =	vmul.f32 v33, v33;
	v29 =	vadd.f32 v11, v22;
	v11 =	vmul.f32 v12, v12  }
0x3a: {  	v25 =	vadd.f32 v26, v25;
	v26 =	vmul.f32 v8, v8;
	v22 =	vld [tilespmem:s22+$0x64E0];
	v39 =	vmul.f32 v7, v7  }
0x3b: {  	v21 =	vadd.f32 v41, v21;
	v38 =	vperm.xlane v29, v2;
	v40 =	vadd.f32 v11, v28;
	v11 =	vld [tilespmem:s22+$0x65A0]  }
0x3c: {  	v58 =	vmul.f32 v19, v19;
	v28 =	vmul.f32 v34, v34;
	v39 =	vadd.f32 v39, v26;
	v26 =	vld [tilespmem:s22+$0x64F0]  }
0x3d: {  	v44 =	vmul.f32 v20, v20;
	v61 =	vmul.f32 v35, v35;
	v38 =	vadd.f32 v29, v38;
	v29 =	vld [tilespmem:s22+$0x6470]  }
0x3e: {  	v37 =	vadd.f32 v58, v37;
	v42 =	vadd.f32 v28, v18;
	v18 =	vmul.f32 v24, v24;
	v28 =	vld [tilespmem:s22+$0x64B0]  }
0x3f: {  	v40 =	vadd.f32 v44, v40;
	v56 =	vmul.f32 v22, v22;
	v43 =	vperm.xlane v38, v3  }
0x40: {  	v45 =	vadd.f32 v18, v23;
	v23 =	vld [tilespmem:s22+$0x6570];
	v41 =	vadd.f32 v61, v42;
	v59 =	vmul.f32 v11, v11  }
0x41: {  	v57 =	vadd.f32 v56, v25;
	v25 =	vld [tilespmem:s22+$0x6530];
	v18 =	vadd.f32 v38, v43;
	v48 =	vmul.f32 v26, v26  }
0x42: {  	v54 =	vperm.xlane v41, v0;
	v39 =	vadd.f32 v59, v39;
	v62 =	vmul.f32 v29, v29  }
0x43: {  	v63 =	vmul.f32 v28, v28;
	v60 =	vshra.s32 v18, $0x1;
	v46 =	vmul.f32 $5.000000000e-01, v18  }
0x44: {  	v18 =	vld [tilespmem:s22+$0x65B0];
	v38 =	vadd.f32 v48, v57;
	v41 =	vadd.f32 v41, v54;
	v44 =	vsub.s32 $0x5F3759DF, v60  }
0x45: {  	v21 =	vadd.f32 v62, v21;
	v52 =	vmul.f32 v23, v23;
	v47 =	vmul.f32 v44, v46  }
0x46: {  	v42 =	vadd.f32 v63, v45;
	v51 =	vmul.f32 v25, v25;
	v57 =	vperm.xlane v38, v0  }
0x47: {  	v62 =	vperm.xlane v41, v1;
	v49 =	vperm.xlane v21, v0;
	v37 =	vadd.f32 v52, v37  }
0x48: {  	v55 =	vperm.xlane v42, v0;
	v47 =	vmul.f32 v44, v47;
	v40 =	vadd.f32 v51, v40  }
0x49: {  	v38 =	vadd.f32 v38, v57;
	v41 =	vadd.f32 v41, v62;
	v53 =	vmul.f32 v18, v18  }
0x4a: {  	v21 =	vadd.f32 v21, v49;
	v59 =	vperm.xlane v37, v0;
	v42 =	vadd.f32 v42, v55  }
0x4b: {  	v47 =	vsub.f32 $1.500000000e+00, v47;
	v58 =	vperm.xlane v40, v0;
	v39 =	vadd.f32 v53, v39  }
0x4c: {  	v37 =	vadd.f32 v37, v59;
	v63 =	vperm.xlane v21, v1;
	v52 =	vperm.xlane v42, v1  }
0x4d: {  	v53 =	vperm.xlane v38, v1;
	v56 =	vmul.f32 v44, v47;
	v40 =	vadd.f32 v40, v58  }
0x4e: {  	v60 =	vperm.xlane v39, v0;
	v55 =	vperm.xlane v37, v1;
	v47 =	vadd.f32 v21, v63  }
0x4f: {  	v42 =	vadd.f32 v42, v52;
	v38 =	vadd.f32 v38, v53;
	v46 =	vmul.f32 v56, v46  }
0x50: {  	v54 =	vperm.xlane v40, v1;
	v39 =	vadd.f32 v39, v60;
	v57 =	vperm.xlane v47, v2  }
0x51: {  	v37 =	vadd.f32 v37, v55;
	v58 =	vperm.xlane v42, v2;
	v59 =	vperm.xlane v38, v2  }
0x52: {  	v61 =	vmul.f32 v46, v56;
	v40 =	vadd.f32 v40, v54;
	v50 =	vperm.xlane v39, v1  }
0x53: {  	v44 =	vadd.f32 v47, v57;
	v60 =	vperm.xlane v37, v2;
	v38 =	vadd.f32 v38, v59  }
0x54: {  	v42 =	vadd.f32 v42, v58;
	v45 =	vsub.f32 $1.500000000e+00, v61;
	v46 =	vperm.xlane v40, v2  }
0x55: {  	v39 =	vadd.f32 v39, v50;
	v63 =	vperm.xlane v44, v3;
	v52 =	vperm.xlane v38, v3  }
0x56: {  	v37 =	vadd.f32 v37, v60;
	v21 =	vmul.f32 v45, v56;
	v56 =	vperm.xlane v41, v2  }
0x57: {  	v40 =	vadd.f32 v40, v46;
	v45 =	vperm.xlane v42, v3;
	v61 =	vperm.xlane v39, v2  }
0x58: {  	v54 =	vperm.xlane v37, v3;
	v43 =	vadd.f32 v44, v63;
	v38 =	vadd.f32 v38, v52  }
0x59: {  	v36 =	vmul.f32 v21, v36;
	v41 =	vadd.f32 v41, v56;
	v42 =	vadd.f32 v42, v45  }
0x5a: {  	v53 =	vperm.xlane v40, v3;
	v39 =	vadd.f32 v39, v61;
	v37 =	vadd.f32 v37, v54  }
0x5b: {  	v57 =	vshra.s32 v43, $0x1;
	v43 =	vmul.f32 $5.000000000e-01, v43;
	v59 =	vshra.s32 v38, $0x1  }
0x5c: {  	v38 =	vmul.f32 $5.000000000e-01, v38;
	v62 =	vperm.xlane v41, v3;
	v40 =	vadd.f32 v40, v53  }
0x5d: {  	v58 =	vshra.s32 v42, $0x1;
	v42 =	vmul.f32 $5.000000000e-01, v42;
	v44 =	vsub.s32 $0x5F3759DF, v57  }
0x5e: {  	v47 =	vsub.s32 $0x5F3759DF, v59;
	v55 =	vperm.xlane v39, v3;
	v61 =	vshra.s32 v37, $0x1  }
0x5f: {  	v37 =	vmul.f32 $5.000000000e-01, v37;
	v46 =	vsub.s32 $0x5F3759DF, v58;
	v52 =	vmul.f32 v44, v43  }
0x60: {  	v54 =	vmul.f32 v47, v38;
	v41 =	vadd.f32 v41, v62;
	v60 =	vshra.s32 v40, $0x1  }
0x61: {  	v40 =	vmul.f32 $5.000000000e-01, v40;
	v49 =	vsub.s32 $0x5F3759DF, v61;
	v53 =	vmul.f32 v46, v42  }
0x62: {  	v39 =	vadd.f32 v39, v55;
	v48 =	vsub.s32 $0x5F3759DF, v60;
	v52 =	vmul.f32 v44, v52  }
0x63: {  	v54 =	vmul.f32 v47, v54;
	v56 =	vshra.s32 v41, $0x1;
	v41 =	vmul.f32 $5.000000000e-01, v41  }
0x64: {  	v55 =	vmul.f32 v48, v40;
	v53 =	vmul.f32 v46, v53;
	v45 =	vsub.s32 $0x5F3759DF, v56  }
0x65: {  	v51 =	vshra.s32 v39, $0x1;
	v39 =	vmul.f32 $5.000000000e-01, v39;
	v56 =	vmul.f32 v49, v37  }
0x66: {  	v52 =	vsub.f32 $1.500000000e+00, v52;
	v62 =	vmul.f32 v45, v41;
	v51 =	vsub.s32 $0x5F3759DF, v51  }
0x67: {  	v54 =	vsub.f32 $1.500000000e+00, v54;
	v55 =	vmul.f32 v48, v55;
	v63 =	vmul.f32 v51, v39  }
0x68: {  	v53 =	vsub.f32 $1.500000000e+00, v53;
	v56 =	vmul.f32 v49, v56;
	v44 =	vmul.f32 v44, v52  }
0x69: {  	v47 =	vmul.f32 v47, v54;
	v50 =	vmul.f32 v45, v62;
	v55 =	vsub.f32 $1.500000000e+00, v55  }
0x6a: {  	v46 =	vmul.f32 v46, v53;
	v60 =	vsub.f32 $1.500000000e+00, v56;
	v43 =	vmul.f32 v44, v43  }
0x6b: {  	v38 =	vmul.f32 v47, v38;
	v48 =	vmul.f32 v48, v55  }
0x6c: {  	v50 =	vsub.f32 $1.500000000e+00, v50;
	v42 =	vmul.f32 v46, v42;
	v49 =	vmul.f32 v49, v60  }
0x6d: {  	v43 =	vmul.f32 v43, v44;
	v38 =	vmul.f32 v38, v47  }
0x6e: {  	v45 =	vmul.f32 v45, v50;
	v50 =	vmul.f32 v51, v63  }
0x6f: {  	v40 =	vmul.f32 v48, v40;
	v42 =	vmul.f32 v42, v46  }
0x70: {  	v37 =	vmul.f32 v49, v37;
	v41 =	vmul.f32 v45, v41  }
0x71: {  	v43 =	vsub.f32 $1.500000000e+00, v43;
	v50 =	vsub.f32 $1.500000000e+00, v50;
	v40 =	vmul.f32 v40, v48  }
0x72: {  	v38 =	vsub.f32 $1.500000000e+00, v38;
	v42 =	vsub.f32 $1.500000000e+00, v42;
	v41 =	vmul.f32 v41, v45  }
0x73: {  	v37 =	vmul.f32 v37, v49;
	v50 =	vmul.f32 v51, v50;
	v61 =	vsub.f32 $1.500000000e+00, v40  }
0x74: {  	v40 =	vmul.f32 v43, v44;
	v43 =	vmul.f32 v42, v46;
	v41 =	vsub.f32 $1.500000000e+00, v41  }
0x75: {  	v42 =	vmul.f32 v38, v47;
	v39 =	vmul.f32 v50, v39  }
0x76: {  	[tilespmem:s22+$0xA5F0] =	vst v36;
	v36 =	vmul.f32 v40, v27;
	v45 =	vmul.f32 v41, v45  }
0x77: {  	v37 =	vsub.f32 $1.500000000e+00, v37;
	v44 =	vmul.f32 v40, v30;
	v39 =	vmul.f32 v39, v50  }
0x78: {  	v41 =	vmul.f32 v61, v48;
	v32 =	vmul.f32 v45, v32  }
0x79: {  	v62 =	vsub.f32 $1.500000000e+00, v39;
	v39 =	vmul.f32 v37, v49;
	v63 =	vmul.f32 v45, v31  }
0x7a: {  	s23 =	simm.s32 $0x200;
	v31 =	vmul.f32 v45, v34;
	v45 =	vmul.f32 v45, v35;
	[tilespmem:s22+$0xA400] =	vst v32  }
0x7b: {  	s24 =	simm.s32 $0x1000;
	s21 =	sshll.u32 s20, $0xA;
	v37 =	vmul.f32 v62, v50;
	v32 =	vmul.f32 v40, v33;
	v27 =	vld [tilespmem:s23+$0x65C0];
	[tilespmem:s22+$0xA410] =	vst v63  }
.LBB2_3:
0x7c: {  	p1 =	sne.s32 s24, $0x7800;
	v38 =	vld [tilespmem:s23+$0x65D0];
	[tilespmem:s22+$0xA420] =	vst v31;
	v29 =	vmul.f32 v40, v29;
	v16 =	vmul.f32 v43, v16  }
0x7d: {  	v17 =	vmul.f32 v43, v17;
	v24 =	vmul.f32 v43, v24;
	v30 =	vld [tilespmem:s23+$0x6400];
	[tilespmem:s22+$0xA430] =	vst v45  }
0x7e: {  	v28 =	vmul.f32 v43, v28;
	v34 =	vmul.f32 v42, v14;
	v40 =	vld [tilespmem:s23+$0x65E0];
	[tilespmem:s22+$0xA440] =	vst v36  }
0x7f: {  	v35 =	vmul.f32 v42, v15;
	v22 =	vmul.f32 v42, v22;
	v31 =	vld [tilespmem:s23+$0x6410];
	[tilespmem:s22+$0xA450] =	vst v44  }
0x80: {  	v26 =	vmul.f32 v42, v26;
	v42 =	vmul.f32 v41, v13;
	v36 =	vld [tilespmem:s23+$0x65F0];
	[tilespmem:s22+$0xA460] =	vst v32  }
0x81: {  	v13 =	vmul.f32 v27, v27;
	v32 =	vld [tilespmem:s23+$0x6440];
	v14 =	vmul.f32 v38, v38;
	[tilespmem:s22+$0xA470] =	vst v29  }
0x82: {  	v29 =	vmul.f32 v41, v12;
	v15 =	vmul.f32 v30, v30;
	v33 =	vld [tilespmem:s23+$0x6450];
	[tilespmem:s22+$0xA480] =	vst v16  }
0x83: {  	v20 =	vmul.f32 v41, v20;
	v16 =	vld [tilespmem:s23+$0x6480];
	v12 =	vadd.f32 v14, v13;
	v13 =	vmul.f32 v40, v40;
	[tilespmem:s22+$0xA490] =	vst v17  }
0x84: {  	v43 =	vmul.f32 v31, v31;
	v17 =	vld [tilespmem:s23+$0x6490];
	[tilespmem:s22+$0xA4A0] =	vst v24;
	v24 =	vmul.f32 v41, v25  }
0x85: {  	v14 =	vld [tilespmem:s23+$0x64C0];
	v12 =	vadd.f32 v13, v12;
	v25 =	vmul.f32 v36, v36;
	[tilespmem:s22+$0xA4B0] =	vst v28;
	v28 =	vmul.f32 v39, v10  }
0x86: {  	v41 =	vadd.f32 v43, v15;
	v10 =	vmul.f32 v32, v32;
	v15 =	vld [tilespmem:s23+$0x64D0];
	[tilespmem:s22+$0xA4C0] =	vst v34;
	v43 =	vmul.f32 v39, v9  }
0x87: {  	v19 =	vmul.f32 v39, v19;
	v9 =	vmul.f32 v33, v33;
	v13 =	vld [tilespmem:s23+$0x6500];
	v25 =	vadd.f32 v25, v12;
	[tilespmem:s22+$0xA4D0] =	vst v35  }
0x88: {  	v23 =	vmul.f32 v39, v23;
	v34 =	vmul.f32 v16, v16;
	v12 =	vld [tilespmem:s23+$0x6510];
	[tilespmem:s22+$0xA4E0] =	vst v22  }
0x89: {  	v39 =	vadd.f32 v9, v10;
	v22 =	vmul.f32 v17, v17;
	v10 =	vld [tilespmem:s23+$0x6540];
	v35 =	vperm.xlane v25, v0;
	[tilespmem:s22+$0xA4F0] =	vst v26  }
0x8a: {  	v26 =	vmul.f32 v14, v14;
	v9 =	vld [tilespmem:s23+$0x6550];
	[tilespmem:s22+$0xA500] =	vst v42;
	v42 =	vmul.f32 v37, v8  }
0x8b: {  	v44 =	vadd.f32 v22, v34;
	v22 =	vmul.f32 v15, v15;
	v8 =	vld [tilespmem:s23+$0x6580];
	v25 =	vadd.f32 v25, v35;
	[tilespmem:s22+$0xA510] =	vst v29  }
0x8c: {  	v45 =	vmul.f32 v37, v7;
	v29 =	vmul.f32 v13, v13;
	[tilespmem:s22+$0xA520] =	vst v20;
	v7 =	vld [tilespmem:s23+$0x6590]  }
0x8d: {  	v35 =	vld [tilespmem:s23+$0x6420];
	v46 =	vadd.f32 v22, v26;
	v20 =	vmul.f32 v12, v12;
	v22 =	vperm.xlane v25, v1;
	[tilespmem:s22+$0xA530] =	vst v24  }
0x8e: {  	v34 =	vld [tilespmem:s23+$0x6460];
	v26 =	vmul.f32 v10, v10;
	[tilespmem:s22+$0xA540] =	vst v28;
	v28 =	vmul.f32 v37, v11  }
0x8f: {  	v24 =	vld [tilespmem:s23+$0x64A0];
	v47 =	vadd.f32 v20, v29;
	v11 =	vmul.f32 v9, v9;
	v25 =	vadd.f32 v25, v22;
	[tilespmem:s22+$0xA550] =	vst v43  }
0x90: {  	v18 =	vmul.f32 v37, v18;
	v22 =	vld [tilespmem:s23+$0x64E0];
	v29 =	vmul.f32 v8, v8;
	[tilespmem:s22+$0xA560] =	vst v19  }
0x91: {  	v20 =	vld [tilespmem:s23+$0x6520];
	v37 =	vadd.f32 v11, v26;
	v26 =	vmul.f32 v7, v7;
	v43 =	vperm.xlane v25, v2;
	[tilespmem:s22+$0xA570] =	vst v23  }
0x92: {  	v23 =	vmul.f32 v35, v35;
	v19 =	vld [tilespmem:s23+$0x6560];
	[tilespmem:s22+$0xA580] =	vst v42;
	v42 =	vmul.f32 v21, v5;
	v5 =	vmov v27  }
0x93: {  	v48 =	vmul.f32 v34, v34;
	v11 =	vld [tilespmem:s23+$0x65A0];
	v49 =	vadd.f32 v26, v29;
	v25 =	vadd.f32 v25, v43;
	[tilespmem:s22+$0xA590] =	vst v45  }
0x94: {  	v6 =	vmul.f32 v21, v6;
	v27 =	vld [tilespmem:s23+$0x6430];
	v41 =	vadd.f32 v23, v41;
	v23 =	vmul.f32 v24, v24;
	[tilespmem:s22+$0xA5A0] =	vst v28  }
0x95: {  	v29 =	vld [tilespmem:s23+$0x6470];
	v39 =	vadd.f32 v48, v39;
	v43 =	vmul.f32 v22, v22;
	v45 =	vperm.xlane v25, v3;
	[tilespmem:s22+$0xA5B0] =	vst v18  }
0x96: {  	v28 =	vld [tilespmem:s23+$0x64B0];
	v44 =	vadd.f32 v23, v44;
	v18 =	vmul.f32 v20, v20;
	[tilespmem:s22+$0xA5C0] =	vst v42;
	v23 =	vmul.f32 v21, v4  }
0x97: {  	v26 =	vld [tilespmem:s23+$0x64F0];
	v21 =	vadd.f32 v43, v46;
	v42 =	vmul.f32 v19, v19;
	v43 =	vadd.f32 v25, v45;
	[tilespmem:s22+$0xA5D0] =	vst v6  }
0x98: {  	v4 =	vmovc v40;
	v6 =	vmov v38;
	v25 =	vld [tilespmem:s23+$0x6530];
	v45 =	vadd.f32 v18, v47;
	v46 =	vmul.f32 v11, v11;
	[tilespmem:s22+$0xA5E0] =	vst v23;
	s22 =	smov.u32 s23  }
0x99: {  	v23 =	vld [tilespmem:s22+$0x6570];
	v37 =	vadd.f32 v42, v37;
	v38 =	vshra.s32 v43, $0x1;
	v40 =	vmul.f32 $5.000000000e-01, v43  }
0x9a: {  	v42 =	vmul.f32 v27, v27;
	v18 =	vld [tilespmem:s22+$0x65B0];
	v43 =	vadd.f32 v46, v49;
	v38 =	vsub.s32 $0x5F3759DF, v38  }
0x9b: {  	v46 =	vmul.f32 v29, v29;
	v47 =	vmul.f32 v38, v40  }
0x9c: {  	v41 =	vadd.f32 v42, v41;
	v42 =	vmul.f32 v28, v28;
	v48 =	vmul.f32 v26, v26  }
0x9d: {  	v39 =	vadd.f32 v46, v39;
	v46 =	vmul.f32 v25, v25;
	v47 =	vmul.f32 v38, v47  }
0x9e: {  	v42 =	vadd.f32 v42, v44;
	v21 =	vadd.f32 v48, v21;
	v44 =	vmul.f32 v23, v23  }
0x9f: {  	v45 =	vadd.f32 v46, v45;
	v46 =	vmul.f32 v18, v18;
	v47 =	vsub.f32 $1.500000000e+00, v47  }
0xa0: {  	v48 =	vperm.xlane v41, v0;
	v49 =	vperm.xlane v39, v0;
	v37 =	vadd.f32 v44, v37  }
0xa1: {  	v44 =	vperm.xlane v42, v0;
	v43 =	vadd.f32 v46, v43;
	v38 =	vmul.f32 v38, v47  }
0xa2: {  	v41 =	vadd.f32 v41, v48;
	v46 =	vperm.xlane v21, v0;
	v47 =	vperm.xlane v45, v0  }
0xa3: {  	v39 =	vadd.f32 v39, v49;
	v48 =	vperm.xlane v37, v0;
	v40 =	vmul.f32 v38, v40  }
0xa4: {  	v42 =	vadd.f32 v42, v44;
	v44 =	vadd.f32 v21, v46;
	v21 =	vperm.xlane v43, v0  }
0xa5: {  	v45 =	vadd.f32 v45, v47;
	v37 =	vadd.f32 v37, v48;
	v40 =	vmul.f32 v40, v38  }
0xa6: {  	v46 =	vperm.xlane v41, v1;
	v47 =	vperm.xlane v39, v1;
	v43 =	vadd.f32 v43, v21  }
0xa7: {  	v48 =	vperm.xlane v42, v1;
	v49 =	vperm.xlane v44, v1;
	v21 =	vsub.f32 $1.500000000e+00, v40  }
0xa8: {  	v40 =	vadd.f32 v41, v46;
	v41 =	vperm.xlane v45, v1;
	v46 =	vperm.xlane v37, v1  }
0xa9: {  	v39 =	vadd.f32 v39, v47;
	v47 =	vperm.xlane v43, v1;
	v21 =	vmul.f32 v21, v38  }
0xaa: {  	v42 =	vadd.f32 v42, v48;
	v44 =	vadd.f32 v44, v49;
	v38 =	vperm.xlane v40, v2  }
0xab: {  	v41 =	vadd.f32 v45, v41;
	v37 =	vadd.f32 v37, v46;
	v36 =	vmul.f32 v21, v36  }
0xac: {  	v45 =	vperm.xlane v39, v2;
	v46 =	vperm.xlane v42, v2;
	v43 =	vadd.f32 v43, v47  }
0xad: {  	v38 =	vadd.f32 v40, v38;
	v40 =	vperm.xlane v44, v2;
	v47 =	vperm.xlane v41, v2;
	[tilespmem:s22+$0xA5F0] =	vst v36  }
0xae: {  	v36 =	vadd.f32 v39, v45;
	v39 =	vperm.xlane v37, v2;
	v45 =	vperm.xlane v43, v2  }
0xaf: {  	v42 =	vadd.f32 v42, v46;
	v48 =	vperm.xlane v38, v3;
	v40 =	vadd.f32 v44, v40  }
0xb0: {  	v41 =	vadd.f32 v41, v47;
	v44 =	vperm.xlane v36, v3;
	v37 =	vadd.f32 v37, v39  }
0xb1: {  	v39 =	vperm.xlane v42, v3;
	v46 =	vperm.xlane v40, v3;
	v43 =	vadd.f32 v43, v45  }
0xb2: {  	v38 =	vadd.f32 v38, v48;
	v45 =	vperm.xlane v41, v3;
	v47 =	vperm.xlane v37, v3  }
0xb3: {  	v36 =	vadd.f32 v36, v44;
	v39 =	vadd.f32 v42, v39;
	v42 =	vperm.xlane v43, v3  }
0xb4: {  	v44 =	vshra.s32 v38, $0x1;
	v40 =	vadd.f32 v40, v46;
	v41 =	vadd.f32 v41, v45  }
0xb5: {  	v38 =	vmul.f32 $5.000000000e-01, v38;
	v37 =	vadd.f32 v37, v47;
	v42 =	vadd.f32 v43, v42  }
0xb6: {  	v43 =	vshra.s32 v36, $0x1;
	v36 =	vmul.f32 $5.000000000e-01, v36;
	v45 =	vshra.s32 v39, $0x1  }
0xb7: {  	v39 =	vmul.f32 $5.000000000e-01, v39;
	v46 =	vshra.s32 v40, $0x1;
	v40 =	vmul.f32 $5.000000000e-01, v40  }
0xb8: {  	v47 =	vshra.s32 v41, $0x1;
	v41 =	vmul.f32 $5.000000000e-01, v41;
	v48 =	vshra.s32 v37, $0x1  }
0xb9: {  	v37 =	vmul.f32 $5.000000000e-01, v37;
	v49 =	vshra.s32 v42, $0x1;
	v42 =	vmul.f32 $5.000000000e-01, v42  }
0xba: {  	v44 =	vsub.s32 $0x5F3759DF, v44;
	v43 =	vsub.s32 $0x5F3759DF, v43;
	v45 =	vsub.s32 $0x5F3759DF, v45  }
0xbb: {  	v46 =	vsub.s32 $0x5F3759DF, v46;
	v47 =	vsub.s32 $0x5F3759DF, v47;
	v48 =	vsub.s32 $0x5F3759DF, v48  }
0xbc: {  	v50 =	vmul.f32 v44, v38;
	v51 =	vmul.f32 v43, v36;
	v49 =	vsub.s32 $0x5F3759DF, v49  }
0xbd: {  	v52 =	vmul.f32 v45, v39;
	v53 =	vmul.f32 v46, v40  }
0xbe: {  	v54 =	vmul.f32 v47, v41;
	v55 =	vmul.f32 v48, v37  }
0xbf: {  	v50 =	vmul.f32 v44, v50;
	v56 =	vmul.f32 v49, v42  }
0xc0: {  	v51 =	vmul.f32 v43, v51;
	v52 =	vmul.f32 v45, v52  }
0xc1: {  	v50 =	vsub.f32 $1.500000000e+00, v50;
	v53 =	vmul.f32 v46, v53;
	v54 =	vmul.f32 v47, v54  }
0xc2: {  	v51 =	vsub.f32 $1.500000000e+00, v51;
	v55 =	vmul.f32 v48, v55;
	v56 =	vmul.f32 v49, v56  }
0xc3: {  	v44 =	vmul.f32 v44, v50;
	v50 =	vsub.f32 $1.500000000e+00, v52;
	v52 =	vsub.f32 $1.500000000e+00, v53  }
0xc4: {  	v43 =	vmul.f32 v43, v51;
	v51 =	vsub.f32 $1.500000000e+00, v54;
	v53 =	vsub.f32 $1.500000000e+00, v55  }
0xc5: {  	v45 =	vmul.f32 v45, v50;
	v46 =	vmul.f32 v46, v52;
	v50 =	vsub.f32 $1.500000000e+00, v56  }
0xc6: {  	v47 =	vmul.f32 v47, v51;
	v48 =	vmul.f32 v48, v53  }
0xc7: {  	v38 =	vmul.f32 v44, v38;
	v49 =	vmul.f32 v49, v50  }
0xc8: {  	v36 =	vmul.f32 v43, v36;
	v39 =	vmul.f32 v45, v39  }
0xc9: {  	v40 =	vmul.f32 v46, v40;
	v41 =	vmul.f32 v47, v41  }
0xca: {  	v37 =	vmul.f32 v48, v37;
	v42 =	vmul.f32 v49, v42  }
0xcb: {  	v38 =	vmul.f32 v38, v44;
	v36 =	vmul.f32 v36, v43  }
0xcc: {  	v39 =	vmul.f32 v39, v45;
	v40 =	vmul.f32 v40, v46  }
0xcd: {  	v38 =	vsub.f32 $1.500000000e+00, v38;
	v41 =	vmul.f32 v41, v47;
	v37 =	vmul.f32 v37, v48  }
0xce: {  	v36 =	vsub.f32 $1.500000000e+00, v36;
	v39 =	vsub.f32 $1.500000000e+00, v39;
	v42 =	vmul.f32 v42, v49  }
0xcf: {  	v38 =	vmul.f32 v38, v44;
	v44 =	vsub.f32 $1.500000000e+00, v40;
	v41 =	vsub.f32 $1.500000000e+00, v41  }
0xd0: {  	v40 =	vmul.f32 v36, v43;
	v36 =	vsub.f32 $1.500000000e+00, v37;
	v37 =	vsub.f32 $1.500000000e+00, v42  }
0xd1: {  	v43 =	vmul.f32 v39, v45;
	v42 =	vmul.f32 v44, v46  }
.Ltmp2:
0xd2: {  	v41 =	vmul.f32 v41, v47;
	v39 =	vmul.f32 v36, v48;
	(pc) =	sbr.rel @p1 .LBB2_3-.Ltmp2, $4  }
0xd3: {  	v30 =	vmul.f32 v38, v30;
	v37 =	vmul.f32 v37, v49  }
0xd4: {  	v44 =	vmul.f32 v38, v31;
	v31 =	vmul.f32 v38, v35  }
0xd5: {  	s23 =	sshra.s32 s24, $0x2;
	v45 =	vmul.f32 v38, v27;
	v36 =	vmul.f32 v40, v32;
	[tilespmem:s22+$0xA400] =	vst v30  }
0xd6: {  	s24 =	sadd.s32 $0x800, s24;
	v32 =	vmul.f32 v40, v34;
	v27 =	vld [tilespmem:s23+$0x65C0];
	[tilespmem:s22+$0xA410] =	vst v44;
	v44 =	vmul.f32 v40, v33  }
0xd7: {  	v30 =	vld [tilespmem:s23+$0x65D0];
	[tilespmem:s22+$0xA420] =	vst v31  }
0xd8: {  	v35 =	vld [tilespmem:s23+$0x6400];
	[tilespmem:s22+$0xA430] =	vst v45  }
0xd9: {  	v31 =	vld [tilespmem:s23+$0x65E0];
	[tilespmem:s22+$0xA440] =	vst v36  }
0xda: {  	v29 =	vmul.f32 v40, v29;
	v16 =	vmul.f32 v43, v16;
	v36 =	vld [tilespmem:s23+$0x6410];
	[tilespmem:s22+$0xA450] =	vst v44  }
0xdb: {  	v17 =	vmul.f32 v43, v17;
	v49 =	vmul.f32 v43, v24;
	v38 =	vld [tilespmem:s23+$0x65F0];
	[tilespmem:s22+$0xA460] =	vst v32  }
0xdc: {  	v50 =	vmul.f32 v43, v28;
	v14 =	vmul.f32 v42, v14;
	v33 =	vld [tilespmem:s23+$0x6440];
	[tilespmem:s22+$0xA470] =	vst v29  }
0xdd: {  	v15 =	vmul.f32 v42, v15;
	v51 =	vmul.f32 v42, v22;
	v34 =	vld [tilespmem:s23+$0x6450];
	[tilespmem:s22+$0xA480] =	vst v16  }
0xde: {  	v52 =	vmul.f32 v42, v26;
	v13 =	vmul.f32 v41, v13;
	v29 =	vld [tilespmem:s23+$0x6480];
	[tilespmem:s22+$0xA490] =	vst v17  }
0xdf: {  	v53 =	vmul.f32 v41, v12;
	v20 =	vmul.f32 v41, v20;
	v32 =	vld [tilespmem:s23+$0x6490];
	[tilespmem:s22+$0xA4A0] =	vst v49  }
0xe0: {  	v54 =	vmul.f32 v41, v25;
	v10 =	vmul.f32 v39, v10;
	v24 =	vld [tilespmem:s23+$0x64C0];
	[tilespmem:s22+$0xA4B0] =	vst v50  }
0xe1: {  	v9 =	vmul.f32 v39, v9;
	v19 =	vmul.f32 v39, v19;
	v28 =	vld [tilespmem:s23+$0x64D0];
	[tilespmem:s22+$0xA4C0] =	vst v14  }
0xe2: {  	v23 =	vmul.f32 v39, v23;
	v11 =	vmul.f32 v37, v11;
	v16 =	vld [tilespmem:s23+$0x6500];
	[tilespmem:s22+$0xA4D0] =	vst v15  }
0xe3: {  	v18 =	vmul.f32 v37, v18;
	v5 =	vmul.f32 v21, v5;
	v17 =	vld [tilespmem:s23+$0x6510];
	[tilespmem:s22+$0xA4E0] =	vst v51  }
0xe4: {  	v6 =	vmul.f32 v21, v6;
	v4 =	vmul.f32 v21, v4;
	v14 =	vld [tilespmem:s23+$0x6540];
	[tilespmem:s22+$0xA4F0] =	vst v52  }
0xe5: {  	v55 =	vmul.f32 v27, v27;
	v56 =	vmul.f32 v30, v30;
	v15 =	vld [tilespmem:s23+$0x6550];
	[tilespmem:s22+$0xA500] =	vst v13  }
0xe6: {  	v60 =	vmul.f32 v35, v35;
	v57 =	vmul.f32 v31, v31;
	v12 =	vld [tilespmem:s23+$0x6580];
	[tilespmem:s22+$0xA510] =	vst v53  }
0xe7: {  	v61 =	vmul.f32 v36, v36;
	v49 =	vmul.f32 v37, v8;
	v13 =	vld [tilespmem:s23+$0x6590];
	[tilespmem:s22+$0xA520] =	vst v20;
	v20 =	vadd.f32 v56, v55  }
0xe8: {  	v59 =	vmul.f32 v38, v38;
	v62 =	vmul.f32 v33, v33;
	v25 =	vld [tilespmem:s23+$0x6420];
	[tilespmem:s22+$0xA530] =	vst v54  }
0xe9: {  	v48 =	vmul.f32 v34, v34;
	v50 =	vmul.f32 v29, v29;
	v22 =	vld [tilespmem:s23+$0x6460];
	[tilespmem:s22+$0xA540] =	vst v10;
	v58 =	vadd.f32 v57, v20  }
0xea: {  	v51 =	vmul.f32 v32, v32;
	v52 =	vadd.f32 v61, v60;
	v53 =	vmul.f32 v24, v24;
	v20 =	vld [tilespmem:s23+$0x64A0];
	[tilespmem:s22+$0xA550] =	vst v9  }
0xeb: {  	v55 =	vmul.f32 v28, v28;
	v54 =	vmul.f32 v37, v7;
	v26 =	vadd.f32 v59, v58;
	v10 =	vld [tilespmem:s23+$0x64E0];
	[tilespmem:s22+$0xA560] =	vst v19  }
0xec: {  	v42 =	vadd.f32 v48, v62;
	v57 =	vmul.f32 v16, v16;
	v46 =	vmul.f32 v14, v14;
	v9 =	vld [tilespmem:s23+$0x6520];
	[tilespmem:s22+$0xA570] =	vst v23  }
0xed: {  	v44 =	vadd.f32 v51, v50;
	v58 =	vmul.f32 v17, v17;
	v63 =	vperm.xlane v26, v0;
	v8 =	vld [tilespmem:s23+$0x6560];
	[tilespmem:s22+$0xA580] =	vst v49  }
0xee: {  	v40 =	vadd.f32 v55, v53;
	v59 =	vmul.f32 v15, v15;
	v61 =	vmul.f32 v12, v12;
	v7 =	vld [tilespmem:s23+$0x65A0];
	[tilespmem:s22+$0xA590] =	vst v54  }
0xef: {  	v60 =	vadd.f32 v58, v57;
	v48 =	vmul.f32 v25, v25;
	v26 =	vadd.f32 v26, v63;
	v23 =	vld [tilespmem:s23+$0x6430];
	[tilespmem:s22+$0xA5A0] =	vst v11  }
0xf0: {  	v43 =	vadd.f32 v59, v46;
	v47 =	vmul.f32 v22, v22;
	v63 =	vmul.f32 v13, v13;
	v19 =	vld [tilespmem:s23+$0x6470];
	[tilespmem:s22+$0xA5B0] =	vst v18  }
0xf1: {  	v50 =	vmul.f32 v20, v20;
	v39 =	vadd.f32 v48, v52;
	v56 =	vperm.xlane v26, v1;
	v18 =	vld [tilespmem:s23+$0x64B0];
	[tilespmem:s22+$0xA5C0] =	vst v5  }
0xf2: {  	v42 =	vadd.f32 v47, v42;
	v49 =	vadd.f32 v63, v61;
	v5 =	vmul.f32 v10, v10;
	v11 =	vld [tilespmem:s23+$0x64F0];
	[tilespmem:s22+$0xA5D0] =	vst v6  }
0xf3: {  	v52 =	vmul.f32 v9, v9;
	v53 =	vadd.f32 v50, v44;
	v26 =	vadd.f32 v26, v56;
	v6 =	vld [tilespmem:s23+$0x6530];
	[tilespmem:s22+$0xA5E0] =	vst v4  }
0xf4: {  	v54 =	vmul.f32 v8, v8;
	v40 =	vadd.f32 v5, v40;
	v55 =	vmul.f32 v7, v7;
	v5 =	vld [tilespmem:s23+$0x6570]  }
0xf5: {  	v37 =	vadd.f32 v52, v60;
	v57 =	vmul.f32 v23, v23;
	v4 =	vld [tilespmem:s23+$0x65B0];
	v62 =	vperm.xlane v26, v2  }
0xf6: {  	v43 =	vadd.f32 v54, v43;
	v58 =	vmul.f32 v19, v19;
	v41 =	vadd.f32 v55, v49  }
0xf7: {  	v48 =	vmul.f32 v18, v18;
	v39 =	vadd.f32 v57, v39;
	v26 =	vadd.f32 v26, v62  }
0xf8: {  	v60 =	vmul.f32 v11, v11;
	v42 =	vadd.f32 v58, v42;
	v49 =	vmul.f32 v6, v6  }
0xf9: {  	v21 =	vadd.f32 v48, v53;
	v63 =	vperm.xlane v39, v0;
	v51 =	vperm.xlane v26, v3  }
0xfa: {  	v40 =	vadd.f32 v60, v40;
	v61 =	vmul.f32 v5, v5;
	v62 =	vmul.f32 v4, v4  }
0xfb: {  	v52 =	vperm.xlane v42, v0;
	v37 =	vadd.f32 v49, v37;
	v39 =	vadd.f32 v39, v63  }
0xfc: {  	v53 =	vperm.xlane v21, v0;
	v26 =	vadd.f32 v26, v51;
	v43 =	vadd.f32 v61, v43  }
0xfd: {  	v41 =	vadd.f32 v62, v41;
	v54 =	vperm.xlane v40, v0;
	v42 =	vadd.f32 v42, v52  }
0xfe: {  	v55 =	vperm.xlane v37, v0;
	v46 =	vadd.f32 v21, v53;
	v58 =	vperm.xlane v39, v1  }
0xff: {  	v56 =	vshra.s32 v26, $0x1;
	v26 =	vmul.f32 $5.000000000e-01, v26;
	v40 =	vadd.f32 v40, v54  }
0x100: {  	v57 =	vperm.xlane v41, v0;
	v44 =	vsub.s32 $0x5F3759DF, v56;
	v56 =	vperm.xlane v43, v0  }
0x101: {  	v37 =	vadd.f32 v37, v55;
	v60 =	vperm.xlane v46, v1;
	v59 =	vmul.f32 v44, v26  }
0x102: {  	v63 =	vadd.f32 v39, v58;
	v41 =	vadd.f32 v41, v57;
	v61 =	vperm.xlane v40, v1  }
0x103: {  	v43 =	vadd.f32 v43, v56;
	v50 =	vperm.xlane v37, v1;
	v45 =	vmul.f32 v44, v59  }
0x104: {  	v53 =	vadd.f32 v46, v60;
	v54 =	vperm.xlane v63, v2;
	v52 =	vperm.xlane v41, v1  }
0x105: {  	v40 =	vadd.f32 v40, v61;
	v51 =	vperm.xlane v43, v1;
	v45 =	vsub.f32 $1.500000000e+00, v45  }
0x106: {  	v59 =	vperm.xlane v42, v1;
	v37 =	vadd.f32 v37, v50;
	v41 =	vadd.f32 v41, v52  }
0x107: {  	v57 =	vperm.xlane v53, v2;
	v55 =	vadd.f32 v43, v51;
	v44 =	vmul.f32 v44, v45  }
0x108: {  	v42 =	vadd.f32 v42, v59;
	v58 =	vperm.xlane v40, v2;
	v61 =	vperm.xlane v41, v2  }
0x109: {  	v60 =	vperm.xlane v55, v2;
	v26 =	vmul.f32 v44, v26  }
0x10a: {  	v59 =	vperm.xlane v37, v2;
	v56 =	vperm.xlane v42, v2;
	v41 =	vadd.f32 v41, v61  }
0x10b: {  	v40 =	vadd.f32 v40, v58;
	v39 =	vadd.f32 v55, v60;
	v26 =	vmul.f32 v26, v44  }
0x10c: {  	v37 =	vadd.f32 v37, v59;
	v42 =	vadd.f32 v42, v56;
	v56 =	vperm.xlane v41, v3  }
0x10d: {  	v55 =	vperm.xlane v39, v3;
	v62 =	vsub.f32 $1.500000000e+00, v26;
	v26 =	vadd.f32 v63, v54  }
0x10e: {  	v63 =	vperm.xlane v42, v3;
	v54 =	vperm.xlane v37, v3;
	v41 =	vadd.f32 v41, v56  }
0x10f: {  	v39 =	vadd.f32 v39, v55;
	v21 =	vmul.f32 v62, v44;
	v44 =	vadd.f32 v53, v57  }
0x110: {  	v62 =	vperm.xlane v26, v3;
	v53 =	vperm.xlane v40, v3;
	v42 =	vadd.f32 v42, v63  }
0x111: {  	v37 =	vadd.f32 v37, v54;
	v50 =	vshra.s32 v39, $0x1;
	v39 =	vmul.f32 $5.000000000e-01, v39  }
0x112: {  	v38 =	vmul.f32 v21, v38;
	v52 =	vperm.xlane v44, v3;
	v26 =	vadd.f32 v26, v62  }
0x113: {  	v40 =	vadd.f32 v40, v53;
	v59 =	vshra.s32 v42, $0x1;
	v42 =	vmul.f32 $5.000000000e-01, v42  }
0x114: {  	v62 =	vshra.s32 v37, $0x1;
	v37 =	vmul.f32 $5.000000000e-01, v37;
	v45 =	vsub.s32 $0x5F3759DF, v59  }
0x115: {  	v49 =	vsub.s32 $0x5F3759DF, v62;
	v57 =	vshra.s32 v26, $0x1;
	v51 =	vmul.f32 v45, v42  }
0x116: {  	v26 =	vmul.f32 $5.000000000e-01, v26;
	v61 =	vshra.s32 v40, $0x1;
	v40 =	vmul.f32 $5.000000000e-01, v40  }
0x117: {  	v43 =	vadd.f32 v44, v52;
	v52 =	vmul.f32 $5.000000000e-01, v41;
	v51 =	vmul.f32 v45, v51  }
0x118: {  	v54 =	vmul.f32 v49, v37;
	v41 =	vshra.s32 v41, $0x1;
	v58 =	vsub.s32 $0x5F3759DF, v57  }
0x119: {  	v48 =	vsub.s32 $0x5F3759DF, v61;
	v46 =	vmul.f32 v58, v26;
	v51 =	vsub.f32 $1.500000000e+00, v51  }
0x11a: {  	v60 =	vshra.s32 v43, $0x1;
	v43 =	vmul.f32 $5.000000000e-01, v43;
	v53 =	vmul.f32 v48, v40  }
0x11b: {  	v41 =	vsub.s32 $0x5F3759DF, v41;
	v46 =	vmul.f32 v58, v46;
	v45 =	vmul.f32 v45, v51  }
0x11c: {  	v57 =	vmul.f32 v41, v52;
	v54 =	vmul.f32 v49, v54;
	v47 =	vsub.s32 $0x5F3759DF, v60  }
0x11d: {  	v63 =	vmul.f32 v47, v43;
	v46 =	vsub.f32 $1.500000000e+00, v46;
	v42 =	vmul.f32 v45, v42  }
0x11e: {  	v53 =	vmul.f32 v48, v53;
	v59 =	vmul.f32 v41, v57  }
0x11f: {  	v44 =	vmul.f32 v58, v46;
	v42 =	vmul.f32 v42, v45  }
0x120: {  	v61 =	vsub.f32 $1.500000000e+00, v54;
	v46 =	vsub.s32 $0x5F3759DF, v50;
	v50 =	vmul.f32 v47, v63  }
0x121: {  	v58 =	vsub.f32 $1.500000000e+00, v53;
	v26 =	vmul.f32 v44, v26;
	v42 =	vsub.f32 $1.500000000e+00, v42  }
0x122: {  	v63 =	vmul.f32 v49, v61;
	v55 =	vmul.f32 v46, v39;
	v50 =	vsub.f32 $1.500000000e+00, v50  }
0x123: {  	v26 =	vmul.f32 v26, v44;
	v42 =	vmul.f32 v42, v45  }
0x124: {  	v48 =	vmul.f32 v48, v58;
	v47 =	vmul.f32 v47, v50  }
0x125: {  	v49 =	vmul.f32 v63, v37;
	v26 =	vsub.f32 $1.500000000e+00, v26;
	v33 =	vmul.f32 v42, v33  }
0x126: {  	[tilespmem:s23+$0xA5F0] =	vst v38;
	v43 =	vmul.f32 v47, v43;
	v34 =	vmul.f32 v42, v34  }
0x127: {  	v26 =	vmul.f32 v26, v44;
	v22 =	vmul.f32 v42, v22;
	[tilespmem:s23+$0xA440] =	vst v33  }
0x128: {  	v60 =	vmul.f32 v43, v47;
	v19 =	vmul.f32 v42, v19;
	[tilespmem:s23+$0xA450] =	vst v34  }
0x129: {  	v50 =	vmul.f32 v49, v63;
	v35 =	vmul.f32 v26, v35;
	[tilespmem:s23+$0xA460] =	vst v22  }
0x12a: {  	v62 =	vmul.f32 v48, v40;
	v36 =	vmul.f32 v26, v36;
	v40 =	vsub.f32 $1.500000000e+00, v60;
	[tilespmem:s23+$0xA470] =	vst v19  }
0x12b: {  	v55 =	vmul.f32 v46, v55;
	v25 =	vmul.f32 v26, v25;
	v22 =	vsub.f32 $1.500000000e+00, v50;
	[tilespmem:s23+$0xA400] =	vst v35  }
0x12c: {  	v23 =	vmul.f32 v26, v23;
	[tilespmem:s23+$0xA410] =	vst v36;
	v47 =	vmul.f32 v40, v47  }
0x12d: {  	v45 =	vsub.f32 $1.500000000e+00, v55;
	[tilespmem:s23+$0xA420] =	vst v25;
	v55 =	vmul.f32 v22, v63;
	v63 =	vmul.f32 v21, v27  }
0x12e: {  	[tilespmem:s23+$0xA430] =	vst v23;
	v29 =	vmul.f32 v47, v29  }
0x12f: {  	v51 =	vsub.f32 $1.500000000e+00, v59;
	v43 =	vmul.f32 v62, v48;
	v32 =	vmul.f32 v47, v32;
	[tilespmem:s23+$0xA5C0] =	vst v63  }
0x130: {  	v23 =	vmul.f32 v46, v45;
	v20 =	vmul.f32 v47, v20;
	[tilespmem:s23+$0xA480] =	vst v29  }
0x131: {  	v19 =	vmul.f32 v41, v51;
	v25 =	vsub.f32 $1.500000000e+00, v43;
	v18 =	vmul.f32 v47, v18;
	[tilespmem:s23+$0xA490] =	vst v32  }
0x132: {  	v53 =	vmul.f32 v23, v39;
	v16 =	vmul.f32 v55, v16;
	[tilespmem:s23+$0xA4A0] =	vst v20  }
0x133: {  	v25 =	vmul.f32 v25, v48;
	v17 =	vmul.f32 v55, v17;
	[tilespmem:s23+$0xA4B0] =	vst v18  }
0x134: {  	v9 =	vmul.f32 v55, v9;
	v54 =	vmul.f32 v53, v23;
	[tilespmem:s23+$0xA500] =	vst v16  }
0x135: {  	v56 =	vmul.f32 v19, v52;
	v6 =	vmul.f32 v55, v6;
	[tilespmem:s23+$0xA510] =	vst v17  }
0x136: {  	v24 =	vmul.f32 v25, v24;
	[tilespmem:s23+$0xA520] =	vst v9;
	v20 =	vsub.f32 $1.500000000e+00, v54  }
0x137: {  	v57 =	vmul.f32 v56, v19;
	v28 =	vmul.f32 v25, v28;
	[tilespmem:s23+$0xA530] =	vst v6  }
0x138: {  	v10 =	vmul.f32 v25, v10;
	[tilespmem:s23+$0xA4C0] =	vst v24;
	v58 =	vmul.f32 v20, v23  }
0x139: {  	v11 =	vmul.f32 v25, v11;
	[tilespmem:s23+$0xA4D0] =	vst v28  }
0x13a: {  	[tilespmem:s23+$0xA4E0] =	vst v10;
	v10 =	vsub.f32 $1.500000000e+00, v57;
	v14 =	vmul.f32 v58, v14  }
0x13b: {  	[tilespmem:s23+$0xA4F0] =	vst v11;
	v59 =	vmul.f32 v58, v15  }
0x13c: {  	v60 =	vmul.f32 v10, v19;
	v8 =	vmul.f32 v58, v8;
	[tilespmem:s23+$0xA540] =	vst v14  }
0x13d: {  	v5 =	vmul.f32 v58, v5;
	[tilespmem:s23+$0xA550] =	vst v59  }
0x13e: {  	v61 =	vmul.f32 v60, v12;
	[tilespmem:s23+$0xA560] =	vst v8  }
0x13f: {  	v62 =	vmul.f32 v60, v13;
	[tilespmem:s23+$0xA570] =	vst v5  }
0x140: {  	v4 =	vmul.f32 v60, v4;
	[tilespmem:s23+$0xA580] =	vst v61  }
0x141: {  	p1 =	sne.s32 s20, $0x63;
	v5 =	vmul.f32 v60, v7;
	[tilespmem:s23+$0xA590] =	vst v62  }
.Ltmp3:
0x142: {  	s31 =	sshll.u32 s20, $0xE;
	[tilespmem:s23+$0xA5B0] =	vst v4;
	v4 =	vmul.f32 v21, v31;
	(pc) =	sbr.rel @p1 .LBB2_6-.Ltmp3, $4  }
0x143: {  	s22 =	sadd.s32 s6, s31;
	[tilespmem:s23+$0xA5A0] =	vst v5;
	v5 =	vmul.f32 v21, v30  }
0x144: {  	s22 =	sshrl.u32 s22, $0x3;
	[tilespmem:s23+$0xA5E0] =	vst v4  }
0x145: {  	s22 =	sadd.s32 s1, s22;
	[tilespmem:s23+$0xA5D0] =	vst v5  }
0x146: {  	[hbm4b:s22+s2] =	stream.linear.scatter [tilespmem:s14], [sflag:$0x3], $0x2000, $0x38;
	[tilespmem:$0xE400] =	vst v63  }
.Ltmp4:
0x147: {  	(pc) =	sbr.rel .LBB2_7-.Ltmp4, $4  }
0x148: {  	_ = 	snop  }
0x149: {  	_ =	swait.ge [sflag:s15], $0x2000  }
0x14a: {  	[sflag:s15] =	ssyncset.done $0x0  }
0x14b: {  	[sflag:s15] =	ssyncadd.s32 $0xFFFFE000  }
.LBB2_6:
0x14c: {  	s22 =	sshrl.u32 s21, $0x2  }
.Ltmp5:
0x14d: {  	s22 =	sadd.s32 $0x100, s22;
	(pc) =	sbr.rel @p0 .LBB2_8-.Ltmp5, $4  }
0x14e: {  	[tilespmem:s11], [sflag:$0x1] =	stream.indirect.gather [hbm4b:s4+s10], $0x40, s22, s10, $0xb8;
	[tilespmem:$0xE400] =	vst v63  }
0x14f: {  	_ =	swait.ge [sflag:s15], $0x2000  }
0x150: {  	[sflag:s15] =	ssyncset.done $0x0  }
0x151: {  	[sflag:s15] =	ssyncadd.s32 $0xFFFFE000  }
.LBB2_7:
0x152: {  	_ =	swait.ge [sflag:s16], $0x2000  }
0x153: {  	[sflag:s16] =	ssyncset.done $0x0  }
0x154: {  	[sflag:s16] =	ssyncadd.s32 $0xFFFFE000  }
.LBB2_8:
0x155: {  	s22 =	simm.s32 $0x0  }
0x156: {  	v5 =	vld [tilespmem:s22+$0x85C0]  }
0x157: {  	v6 =	vld [tilespmem:s22+$0x85D0]  }
0x158: {  	v32 =	vld [tilespmem:s22+$0x8400]  }
0x159: {  	v4 =	vld [tilespmem:s22+$0x85E0]  }
0x15a: {  	v31 =	vld [tilespmem:s22+$0x8410]  }
0x15b: {  	v36 =	vld [tilespmem:s22+$0x85F0]  }
0x15c: {  	v27 =	vld [tilespmem:s22+$0x8440]  }
0x15d: {  	v30 =	vld [tilespmem:s22+$0x8450]  }
0x15e: {  	v16 =	vld [tilespmem:s22+$0x8480]  }
0x15f: {  	v17 =	vld [tilespmem:s22+$0x8490];
	v7 =	vmul.f32 v5, v5;
	v8 =	vmul.f32 v6, v6  }
0x160: {  	v14 =	vld [tilespmem:s22+$0x84C0]  }
0x161: {  	v15 =	vld [tilespmem:s22+$0x84D0];
	v7 =	vadd.f32 v8, v7;
	v8 =	vmul.f32 v4, v4  }
0x162: {  	v13 =	vld [tilespmem:s22+$0x8500]  }
0x163: {  	v12 =	vld [tilespmem:s22+$0x8510];
	v7 =	vadd.f32 v8, v7;
	v8 =	vmul.f32 v36, v36  }
0x164: {  	v10 =	vld [tilespmem:s22+$0x8540]  }
0x165: {  	v9 =	vld [tilespmem:s22+$0x8550];
	v7 =	vadd.f32 v8, v7  }
0x166: {  	v34 =	vld [tilespmem:s22+$0x8420];
	v18 =	vmul.f32 v32, v32;
	v19 =	vmul.f32 v31, v31  }
0x167: {  	v33 =	vld [tilespmem:s22+$0x8460];
	v20 =	vmul.f32 v27, v27;
	v11 =	vperm.xlane v7, v0  }
0x168: {  	v21 =	vmul.f32 v30, v30;
	v23 =	vmul.f32 v16, v16;
	v8 =	vld [tilespmem:s22+$0x8580]  }
0x169: {  	v18 =	vadd.f32 v19, v18;
	v19 =	vmul.f32 v17, v17;
	v11 =	vadd.f32 v7, v11;
	v7 =	vld [tilespmem:s22+$0x8590]  }
0x16a: {  	v35 =	vmul.f32 v10, v10;
	v37 =	vmul.f32 v9, v9;
	v21 =	vadd.f32 v21, v20;
	v20 =	vld [tilespmem:s22+$0x8520]  }
0x16b: {  	v25 =	vmul.f32 v14, v14;
	v23 =	vadd.f32 v19, v23;
	v19 =	vld [tilespmem:s22+$0x8560];
	v22 =	vperm.xlane v11, v1  }
0x16c: {  	v26 =	vmul.f32 v15, v15;
	v28 =	vmul.f32 v13, v13;
	v37 =	vadd.f32 v37, v35;
	v35 =	vld [tilespmem:s22+$0x8430]  }
0x16d: {  	v24 =	vld [tilespmem:s22+$0x84A0];
	v41 =	vmul.f32 v33, v33;
	v29 =	vadd.f32 v11, v22;
	v11 =	vmul.f32 v12, v12  }
0x16e: {  	v25 =	vadd.f32 v26, v25;
	v26 =	vmul.f32 v8, v8;
	v22 =	vld [tilespmem:s22+$0x84E0];
	v39 =	vmul.f32 v7, v7  }
0x16f: {  	v21 =	vadd.f32 v41, v21;
	v38 =	vperm.xlane v29, v2;
	v40 =	vadd.f32 v11, v28;
	v11 =	vld [tilespmem:s22+$0x85A0]  }
0x170: {  	v58 =	vmul.f32 v19, v19;
	v28 =	vmul.f32 v34, v34;
	v39 =	vadd.f32 v39, v26;
	v26 =	vld [tilespmem:s22+$0x84F0]  }
0x171: {  	v44 =	vmul.f32 v20, v20;
	v61 =	vmul.f32 v35, v35;
	v38 =	vadd.f32 v29, v38;
	v29 =	vld [tilespmem:s22+$0x8470]  }
0x172: {  	v37 =	vadd.f32 v58, v37;
	v42 =	vadd.f32 v28, v18;
	v18 =	vmul.f32 v24, v24;
	v28 =	vld [tilespmem:s22+$0x84B0]  }
0x173: {  	v40 =	vadd.f32 v44, v40;
	v56 =	vmul.f32 v22, v22;
	v43 =	vperm.xlane v38, v3  }
0x174: {  	v45 =	vadd.f32 v18, v23;
	v23 =	vld [tilespmem:s22+$0x8570];
	v41 =	vadd.f32 v61, v42;
	v59 =	vmul.f32 v11, v11  }
0x175: {  	v57 =	vadd.f32 v56, v25;
	v25 =	vld [tilespmem:s22+$0x8530];
	v18 =	vadd.f32 v38, v43;
	v48 =	vmul.f32 v26, v26  }
0x176: {  	v54 =	vperm.xlane v41, v0;
	v39 =	vadd.f32 v59, v39;
	v62 =	vmul.f32 v29, v29  }
0x177: {  	v63 =	vmul.f32 v28, v28;
	v60 =	vshra.s32 v18, $0x1;
	v46 =	vmul.f32 $5.000000000e-01, v18  }
0x178: {  	v18 =	vld [tilespmem:s22+$0x85B0];
	v38 =	vadd.f32 v48, v57;
	v41 =	vadd.f32 v41, v54;
	v44 =	vsub.s32 $0x5F3759DF, v60  }
0x179: {  	v21 =	vadd.f32 v62, v21;
	v52 =	vmul.f32 v23, v23;
	v47 =	vmul.f32 v44, v46  }
0x17a: {  	v42 =	vadd.f32 v63, v45;
	v51 =	vmul.f32 v25, v25;
	v57 =	vperm.xlane v38, v0  }
0x17b: {  	v62 =	vperm.xlane v41, v1;
	v49 =	vperm.xlane v21, v0;
	v37 =	vadd.f32 v52, v37  }
0x17c: {  	v55 =	vperm.xlane v42, v0;
	v47 =	vmul.f32 v44, v47;
	v40 =	vadd.f32 v51, v40  }
0x17d: {  	v38 =	vadd.f32 v38, v57;
	v41 =	vadd.f32 v41, v62;
	v53 =	vmul.f32 v18, v18  }
0x17e: {  	v21 =	vadd.f32 v21, v49;
	v59 =	vperm.xlane v37, v0;
	v42 =	vadd.f32 v42, v55  }
0x17f: {  	v47 =	vsub.f32 $1.500000000e+00, v47;
	v58 =	vperm.xlane v40, v0;
	v39 =	vadd.f32 v53, v39  }
0x180: {  	v37 =	vadd.f32 v37, v59;
	v63 =	vperm.xlane v21, v1;
	v52 =	vperm.xlane v42, v1  }
0x181: {  	v53 =	vperm.xlane v38, v1;
	v56 =	vmul.f32 v44, v47;
	v40 =	vadd.f32 v40, v58  }
0x182: {  	v60 =	vperm.xlane v39, v0;
	v55 =	vperm.xlane v37, v1;
	v47 =	vadd.f32 v21, v63  }
0x183: {  	v42 =	vadd.f32 v42, v52;
	v38 =	vadd.f32 v38, v53;
	v46 =	vmul.f32 v56, v46  }
0x184: {  	v54 =	vperm.xlane v40, v1;
	v39 =	vadd.f32 v39, v60;
	v57 =	vperm.xlane v47, v2  }
0x185: {  	v37 =	vadd.f32 v37, v55;
	v58 =	vperm.xlane v42, v2;
	v59 =	vperm.xlane v38, v2  }
0x186: {  	v61 =	vmul.f32 v46, v56;
	v40 =	vadd.f32 v40, v54;
	v50 =	vperm.xlane v39, v1  }
0x187: {  	v44 =	vadd.f32 v47, v57;
	v60 =	vperm.xlane v37, v2;
	v38 =	vadd.f32 v38, v59  }
0x188: {  	v42 =	vadd.f32 v42, v58;
	v45 =	vsub.f32 $1.500000000e+00, v61;
	v46 =	vperm.xlane v40, v2  }
0x189: {  	v39 =	vadd.f32 v39, v50;
	v63 =	vperm.xlane v44, v3;
	v52 =	vperm.xlane v38, v3  }
0x18a: {  	v37 =	vadd.f32 v37, v60;
	v21 =	vmul.f32 v45, v56;
	v56 =	vperm.xlane v41, v2  }
0x18b: {  	v40 =	vadd.f32 v40, v46;
	v45 =	vperm.xlane v42, v3;
	v61 =	vperm.xlane v39, v2  }
0x18c: {  	v54 =	vperm.xlane v37, v3;
	v43 =	vadd.f32 v44, v63;
	v38 =	vadd.f32 v38, v52  }
0x18d: {  	v36 =	vmul.f32 v21, v36;
	v41 =	vadd.f32 v41, v56;
	v42 =	vadd.f32 v42, v45  }
0x18e: {  	v53 =	vperm.xlane v40, v3;
	v39 =	vadd.f32 v39, v61;
	v37 =	vadd.f32 v37, v54  }
0x18f: {  	v57 =	vshra.s32 v43, $0x1;
	v43 =	vmul.f32 $5.000000000e-01, v43;
	v59 =	vshra.s32 v38, $0x1  }
0x190: {  	v38 =	vmul.f32 $5.000000000e-01, v38;
	v62 =	vperm.xlane v41, v3;
	v40 =	vadd.f32 v40, v53  }
0x191: {  	v58 =	vshra.s32 v42, $0x1;
	v42 =	vmul.f32 $5.000000000e-01, v42;
	v44 =	vsub.s32 $0x5F3759DF, v57  }
0x192: {  	v47 =	vsub.s32 $0x5F3759DF, v59;
	v55 =	vperm.xlane v39, v3;
	v61 =	vshra.s32 v37, $0x1  }
0x193: {  	v37 =	vmul.f32 $5.000000000e-01, v37;
	v46 =	vsub.s32 $0x5F3759DF, v58;
	v52 =	vmul.f32 v44, v43  }
0x194: {  	v54 =	vmul.f32 v47, v38;
	v41 =	vadd.f32 v41, v62;
	v60 =	vshra.s32 v40, $0x1  }
0x195: {  	v40 =	vmul.f32 $5.000000000e-01, v40;
	v49 =	vsub.s32 $0x5F3759DF, v61;
	v53 =	vmul.f32 v46, v42  }
0x196: {  	v39 =	vadd.f32 v39, v55;
	v48 =	vsub.s32 $0x5F3759DF, v60;
	v52 =	vmul.f32 v44, v52  }
0x197: {  	v54 =	vmul.f32 v47, v54;
	v56 =	vshra.s32 v41, $0x1;
	v41 =	vmul.f32 $5.000000000e-01, v41  }
0x198: {  	v55 =	vmul.f32 v48, v40;
	v53 =	vmul.f32 v46, v53;
	v45 =	vsub.s32 $0x5F3759DF, v56  }
0x199: {  	v51 =	vshra.s32 v39, $0x1;
	v39 =	vmul.f32 $5.000000000e-01, v39;
	v56 =	vmul.f32 v49, v37  }
0x19a: {  	v52 =	vsub.f32 $1.500000000e+00, v52;
	v62 =	vmul.f32 v45, v41;
	v51 =	vsub.s32 $0x5F3759DF, v51  }
0x19b: {  	v54 =	vsub.f32 $1.500000000e+00, v54;
	v55 =	vmul.f32 v48, v55;
	v63 =	vmul.f32 v51, v39  }
0x19c: {  	v53 =	vsub.f32 $1.500000000e+00, v53;
	v56 =	vmul.f32 v49, v56;
	v44 =	vmul.f32 v44, v52  }
0x19d: {  	v47 =	vmul.f32 v47, v54;
	v50 =	vmul.f32 v45, v62;
	v55 =	vsub.f32 $1.500000000e+00, v55  }
0x19e: {  	v46 =	vmul.f32 v46, v53;
	v60 =	vsub.f32 $1.500000000e+00, v56;
	v43 =	vmul.f32 v44, v43  }
0x19f: {  	v38 =	vmul.f32 v47, v38;
	v48 =	vmul.f32 v48, v55  }
0x1a0: {  	v50 =	vsub.f32 $1.500000000e+00, v50;
	v42 =	vmul.f32 v46, v42;
	v49 =	vmul.f32 v49, v60  }
0x1a1: {  	v43 =	vmul.f32 v43, v44;
	v38 =	vmul.f32 v38, v47  }
0x1a2: {  	v45 =	vmul.f32 v45, v50;
	v50 =	vmul.f32 v51, v63  }
0x1a3: {  	v40 =	vmul.f32 v48, v40;
	v42 =	vmul.f32 v42, v46  }
0x1a4: {  	v37 =	vmul.f32 v49, v37;
	v41 =	vmul.f32 v45, v41  }
0x1a5: {  	v43 =	vsub.f32 $1.500000000e+00, v43;
	v50 =	vsub.f32 $1.500000000e+00, v50;
	v40 =	vmul.f32 v40, v48  }
0x1a6: {  	v38 =	vsub.f32 $1.500000000e+00, v38;
	v42 =	vsub.f32 $1.500000000e+00, v42;
	v41 =	vmul.f32 v41, v45  }
0x1a7: {  	v37 =	vmul.f32 v37, v49;
	v50 =	vmul.f32 v51, v50;
	v61 =	vsub.f32 $1.500000000e+00, v40  }
0x1a8: {  	v40 =	vmul.f32 v43, v44;
	v43 =	vmul.f32 v42, v46;
	v41 =	vsub.f32 $1.500000000e+00, v41  }
0x1a9: {  	v42 =	vmul.f32 v38, v47;
	v39 =	vmul.f32 v50, v39  }
0x1aa: {  	[tilespmem:s22+$0xC5F0] =	vst v36;
	v36 =	vmul.f32 v40, v27;
	v45 =	vmul.f32 v41, v45  }
0x1ab: {  	v37 =	vsub.f32 $1.500000000e+00, v37;
	v44 =	vmul.f32 v40, v30;
	v39 =	vmul.f32 v39, v50  }
0x1ac: {  	v41 =	vmul.f32 v61, v48;
	v32 =	vmul.f32 v45, v32  }
0x1ad: {  	v62 =	vsub.f32 $1.500000000e+00, v39;
	v39 =	vmul.f32 v37, v49;
	v63 =	vmul.f32 v45, v31  }
0x1ae: {  	s23 =	simm.s32 $0x200;
	v31 =	vmul.f32 v45, v34;
	v45 =	vmul.f32 v45, v35;
	[tilespmem:s22+$0xC400] =	vst v32  }
0x1af: {  	s24 =	simm.s32 $0x1000;
	v37 =	vmul.f32 v62, v50;
	v32 =	vmul.f32 v40, v33;
	v27 =	vld [tilespmem:s23+$0x85C0];
	[tilespmem:s22+$0xC410] =	vst v63  }
.LBB2_9:
0x1b0: {  	p0 =	sne.s32 s24, $0x7800;
	v38 =	vld [tilespmem:s23+$0x85D0];
	[tilespmem:s22+$0xC420] =	vst v31;
	v29 =	vmul.f32 v40, v29;
	v16 =	vmul.f32 v43, v16  }
0x1b1: {  	v17 =	vmul.f32 v43, v17;
	v24 =	vmul.f32 v43, v24;
	v30 =	vld [tilespmem:s23+$0x8400];
	[tilespmem:s22+$0xC430] =	vst v45  }
0x1b2: {  	v28 =	vmul.f32 v43, v28;
	v34 =	vmul.f32 v42, v14;
	v40 =	vld [tilespmem:s23+$0x85E0];
	[tilespmem:s22+$0xC440] =	vst v36  }
0x1b3: {  	v35 =	vmul.f32 v42, v15;
	v22 =	vmul.f32 v42, v22;
	v31 =	vld [tilespmem:s23+$0x8410];
	[tilespmem:s22+$0xC450] =	vst v44  }
0x1b4: {  	v26 =	vmul.f32 v42, v26;
	v42 =	vmul.f32 v41, v13;
	v36 =	vld [tilespmem:s23+$0x85F0];
	[tilespmem:s22+$0xC460] =	vst v32  }
0x1b5: {  	v13 =	vmul.f32 v27, v27;
	v32 =	vld [tilespmem:s23+$0x8440];
	v14 =	vmul.f32 v38, v38;
	[tilespmem:s22+$0xC470] =	vst v29  }
0x1b6: {  	v29 =	vmul.f32 v41, v12;
	v15 =	vmul.f32 v30, v30;
	v33 =	vld [tilespmem:s23+$0x8450];
	[tilespmem:s22+$0xC480] =	vst v16  }
0x1b7: {  	v20 =	vmul.f32 v41, v20;
	v16 =	vld [tilespmem:s23+$0x8480];
	v12 =	vadd.f32 v14, v13;
	v13 =	vmul.f32 v40, v40;
	[tilespmem:s22+$0xC490] =	vst v17  }
0x1b8: {  	v43 =	vmul.f32 v31, v31;
	v17 =	vld [tilespmem:s23+$0x8490];
	[tilespmem:s22+$0xC4A0] =	vst v24;
	v24 =	vmul.f32 v41, v25  }
0x1b9: {  	v14 =	vld [tilespmem:s23+$0x84C0];
	v12 =	vadd.f32 v13, v12;
	v25 =	vmul.f32 v36, v36;
	[tilespmem:s22+$0xC4B0] =	vst v28;
	v28 =	vmul.f32 v39, v10  }
0x1ba: {  	v41 =	vadd.f32 v43, v15;
	v10 =	vmul.f32 v32, v32;
	v15 =	vld [tilespmem:s23+$0x84D0];
	[tilespmem:s22+$0xC4C0] =	vst v34;
	v43 =	vmul.f32 v39, v9  }
0x1bb: {  	v19 =	vmul.f32 v39, v19;
	v9 =	vmul.f32 v33, v33;
	v13 =	vld [tilespmem:s23+$0x8500];
	v25 =	vadd.f32 v25, v12;
	[tilespmem:s22+$0xC4D0] =	vst v35  }
0x1bc: {  	v23 =	vmul.f32 v39, v23;
	v34 =	vmul.f32 v16, v16;
	v12 =	vld [tilespmem:s23+$0x8510];
	[tilespmem:s22+$0xC4E0] =	vst v22  }
0x1bd: {  	v39 =	vadd.f32 v9, v10;
	v22 =	vmul.f32 v17, v17;
	v10 =	vld [tilespmem:s23+$0x8540];
	v35 =	vperm.xlane v25, v0;
	[tilespmem:s22+$0xC4F0] =	vst v26  }
0x1be: {  	v26 =	vmul.f32 v14, v14;
	v9 =	vld [tilespmem:s23+$0x8550];
	[tilespmem:s22+$0xC500] =	vst v42;
	v42 =	vmul.f32 v37, v8  }
0x1bf: {  	v44 =	vadd.f32 v22, v34;
	v22 =	vmul.f32 v15, v15;
	v8 =	vld [tilespmem:s23+$0x8580];
	v25 =	vadd.f32 v25, v35;
	[tilespmem:s22+$0xC510] =	vst v29  }
0x1c0: {  	v45 =	vmul.f32 v37, v7;
	v29 =	vmul.f32 v13, v13;
	[tilespmem:s22+$0xC520] =	vst v20;
	v7 =	vld [tilespmem:s23+$0x8590]  }
0x1c1: {  	v35 =	vld [tilespmem:s23+$0x8420];
	v46 =	vadd.f32 v22, v26;
	v20 =	vmul.f32 v12, v12;
	v22 =	vperm.xlane v25, v1;
	[tilespmem:s22+$0xC530] =	vst v24  }
0x1c2: {  	v34 =	vld [tilespmem:s23+$0x8460];
	v26 =	vmul.f32 v10, v10;
	[tilespmem:s22+$0xC540] =	vst v28;
	v28 =	vmul.f32 v37, v11  }
0x1c3: {  	v24 =	vld [tilespmem:s23+$0x84A0];
	v47 =	vadd.f32 v20, v29;
	v11 =	vmul.f32 v9, v9;
	v25 =	vadd.f32 v25, v22;
	[tilespmem:s22+$0xC550] =	vst v43  }
0x1c4: {  	v18 =	vmul.f32 v37, v18;
	v22 =	vld [tilespmem:s23+$0x84E0];
	v29 =	vmul.f32 v8, v8;
	[tilespmem:s22+$0xC560] =	vst v19  }
0x1c5: {  	v20 =	vld [tilespmem:s23+$0x8520];
	v37 =	vadd.f32 v11, v26;
	v26 =	vmul.f32 v7, v7;
	v43 =	vperm.xlane v25, v2;
	[tilespmem:s22+$0xC570] =	vst v23  }
0x1c6: {  	v23 =	vmul.f32 v35, v35;
	v19 =	vld [tilespmem:s23+$0x8560];
	[tilespmem:s22+$0xC580] =	vst v42;
	v42 =	vmul.f32 v21, v5;
	v5 =	vmov v27  }
0x1c7: {  	v48 =	vmul.f32 v34, v34;
	v11 =	vld [tilespmem:s23+$0x85A0];
	v49 =	vadd.f32 v26, v29;
	v25 =	vadd.f32 v25, v43;
	[tilespmem:s22+$0xC590] =	vst v45  }
0x1c8: {  	v6 =	vmul.f32 v21, v6;
	v27 =	vld [tilespmem:s23+$0x8430];
	v41 =	vadd.f32 v23, v41;
	v23 =	vmul.f32 v24, v24;
	[tilespmem:s22+$0xC5A0] =	vst v28  }
0x1c9: {  	v29 =	vld [tilespmem:s23+$0x8470];
	v39 =	vadd.f32 v48, v39;
	v43 =	vmul.f32 v22, v22;
	v45 =	vperm.xlane v25, v3;
	[tilespmem:s22+$0xC5B0] =	vst v18  }
0x1ca: {  	v28 =	vld [tilespmem:s23+$0x84B0];
	v44 =	vadd.f32 v23, v44;
	v18 =	vmul.f32 v20, v20;
	[tilespmem:s22+$0xC5C0] =	vst v42;
	v23 =	vmul.f32 v21, v4  }
0x1cb: {  	v26 =	vld [tilespmem:s23+$0x84F0];
	v21 =	vadd.f32 v43, v46;
	v42 =	vmul.f32 v19, v19;
	v43 =	vadd.f32 v25, v45;
	[tilespmem:s22+$0xC5D0] =	vst v6  }
0x1cc: {  	v4 =	vmovc v40;
	v6 =	vmov v38;
	v25 =	vld [tilespmem:s23+$0x8530];
	v45 =	vadd.f32 v18, v47;
	v46 =	vmul.f32 v11, v11;
	[tilespmem:s22+$0xC5E0] =	vst v23;
	s22 =	smov.u32 s23  }
0x1cd: {  	v23 =	vld [tilespmem:s22+$0x8570];
	v37 =	vadd.f32 v42, v37;
	v38 =	vshra.s32 v43, $0x1;
	v40 =	vmul.f32 $5.000000000e-01, v43  }
0x1ce: {  	v42 =	vmul.f32 v27, v27;
	v18 =	vld [tilespmem:s22+$0x85B0];
	v43 =	vadd.f32 v46, v49;
	v38 =	vsub.s32 $0x5F3759DF, v38  }
0x1cf: {  	v46 =	vmul.f32 v29, v29;
	v47 =	vmul.f32 v38, v40  }
0x1d0: {  	v41 =	vadd.f32 v42, v41;
	v42 =	vmul.f32 v28, v28;
	v48 =	vmul.f32 v26, v26  }
0x1d1: {  	v39 =	vadd.f32 v46, v39;
	v46 =	vmul.f32 v25, v25;
	v47 =	vmul.f32 v38, v47  }
0x1d2: {  	v42 =	vadd.f32 v42, v44;
	v21 =	vadd.f32 v48, v21;
	v44 =	vmul.f32 v23, v23  }
0x1d3: {  	v45 =	vadd.f32 v46, v45;
	v46 =	vmul.f32 v18, v18;
	v47 =	vsub.f32 $1.500000000e+00, v47  }
0x1d4: {  	v48 =	vperm.xlane v41, v0;
	v49 =	vperm.xlane v39, v0;
	v37 =	vadd.f32 v44, v37  }
0x1d5: {  	v44 =	vperm.xlane v42, v0;
	v43 =	vadd.f32 v46, v43;
	v38 =	vmul.f32 v38, v47  }
0x1d6: {  	v41 =	vadd.f32 v41, v48;
	v46 =	vperm.xlane v21, v0;
	v47 =	vperm.xlane v45, v0  }
0x1d7: {  	v39 =	vadd.f32 v39, v49;
	v48 =	vperm.xlane v37, v0;
	v40 =	vmul.f32 v38, v40  }
0x1d8: {  	v42 =	vadd.f32 v42, v44;
	v44 =	vadd.f32 v21, v46;
	v21 =	vperm.xlane v43, v0  }
0x1d9: {  	v45 =	vadd.f32 v45, v47;
	v37 =	vadd.f32 v37, v48;
	v40 =	vmul.f32 v40, v38  }
0x1da: {  	v46 =	vperm.xlane v41, v1;
	v47 =	vperm.xlane v39, v1;
	v43 =	vadd.f32 v43, v21  }
0x1db: {  	v48 =	vperm.xlane v42, v1;
	v49 =	vperm.xlane v44, v1;
	v21 =	vsub.f32 $1.500000000e+00, v40  }
0x1dc: {  	v40 =	vadd.f32 v41, v46;
	v41 =	vperm.xlane v45, v1;
	v46 =	vperm.xlane v37, v1  }
0x1dd: {  	v39 =	vadd.f32 v39, v47;
	v47 =	vperm.xlane v43, v1;
	v21 =	vmul.f32 v21, v38  }
0x1de: {  	v42 =	vadd.f32 v42, v48;
	v44 =	vadd.f32 v44, v49;
	v38 =	vperm.xlane v40, v2  }
0x1df: {  	v41 =	vadd.f32 v45, v41;
	v37 =	vadd.f32 v37, v46;
	v36 =	vmul.f32 v21, v36  }
0x1e0: {  	v45 =	vperm.xlane v39, v2;
	v46 =	vperm.xlane v42, v2;
	v43 =	vadd.f32 v43, v47  }
0x1e1: {  	v38 =	vadd.f32 v40, v38;
	v40 =	vperm.xlane v44, v2;
	v47 =	vperm.xlane v41, v2;
	[tilespmem:s22+$0xC5F0] =	vst v36  }
0x1e2: {  	v36 =	vadd.f32 v39, v45;
	v39 =	vperm.xlane v37, v2;
	v45 =	vperm.xlane v43, v2  }
0x1e3: {  	v42 =	vadd.f32 v42, v46;
	v48 =	vperm.xlane v38, v3;
	v40 =	vadd.f32 v44, v40  }
0x1e4: {  	v41 =	vadd.f32 v41, v47;
	v44 =	vperm.xlane v36, v3;
	v37 =	vadd.f32 v37, v39  }
0x1e5: {  	v39 =	vperm.xlane v42, v3;
	v46 =	vperm.xlane v40, v3;
	v43 =	vadd.f32 v43, v45  }
0x1e6: {  	v38 =	vadd.f32 v38, v48;
	v45 =	vperm.xlane v41, v3;
	v47 =	vperm.xlane v37, v3  }
0x1e7: {  	v36 =	vadd.f32 v36, v44;
	v39 =	vadd.f32 v42, v39;
	v42 =	vperm.xlane v43, v3  }
0x1e8: {  	v44 =	vshra.s32 v38, $0x1;
	v40 =	vadd.f32 v40, v46;
	v41 =	vadd.f32 v41, v45  }
0x1e9: {  	v38 =	vmul.f32 $5.000000000e-01, v38;
	v37 =	vadd.f32 v37, v47;
	v42 =	vadd.f32 v43, v42  }
0x1ea: {  	v43 =	vshra.s32 v36, $0x1;
	v36 =	vmul.f32 $5.000000000e-01, v36;
	v45 =	vshra.s32 v39, $0x1  }
0x1eb: {  	v39 =	vmul.f32 $5.000000000e-01, v39;
	v46 =	vshra.s32 v40, $0x1;
	v40 =	vmul.f32 $5.000000000e-01, v40  }
0x1ec: {  	v47 =	vshra.s32 v41, $0x1;
	v41 =	vmul.f32 $5.000000000e-01, v41;
	v48 =	vshra.s32 v37, $0x1  }
0x1ed: {  	v37 =	vmul.f32 $5.000000000e-01, v37;
	v49 =	vshra.s32 v42, $0x1;
	v42 =	vmul.f32 $5.000000000e-01, v42  }
0x1ee: {  	v44 =	vsub.s32 $0x5F3759DF, v44;
	v43 =	vsub.s32 $0x5F3759DF, v43;
	v45 =	vsub.s32 $0x5F3759DF, v45  }
0x1ef: {  	v46 =	vsub.s32 $0x5F3759DF, v46;
	v47 =	vsub.s32 $0x5F3759DF, v47;
	v48 =	vsub.s32 $0x5F3759DF, v48  }
0x1f0: {  	v50 =	vmul.f32 v44, v38;
	v51 =	vmul.f32 v43, v36;
	v49 =	vsub.s32 $0x5F3759DF, v49  }
0x1f1: {  	v52 =	vmul.f32 v45, v39;
	v53 =	vmul.f32 v46, v40  }
0x1f2: {  	v54 =	vmul.f32 v47, v41;
	v55 =	vmul.f32 v48, v37  }
0x1f3: {  	v50 =	vmul.f32 v44, v50;
	v56 =	vmul.f32 v49, v42  }
0x1f4: {  	v51 =	vmul.f32 v43, v51;
	v52 =	vmul.f32 v45, v52  }
0x1f5: {  	v50 =	vsub.f32 $1.500000000e+00, v50;
	v53 =	vmul.f32 v46, v53;
	v54 =	vmul.f32 v47, v54  }
0x1f6: {  	v51 =	vsub.f32 $1.500000000e+00, v51;
	v55 =	vmul.f32 v48, v55;
	v56 =	vmul.f32 v49, v56  }
0x1f7: {  	v44 =	vmul.f32 v44, v50;
	v50 =	vsub.f32 $1.500000000e+00, v52;
	v52 =	vsub.f32 $1.500000000e+00, v53  }
0x1f8: {  	v43 =	vmul.f32 v43, v51;
	v51 =	vsub.f32 $1.500000000e+00, v54;
	v53 =	vsub.f32 $1.500000000e+00, v55  }
0x1f9: {  	v45 =	vmul.f32 v45, v50;
	v46 =	vmul.f32 v46, v52;
	v50 =	vsub.f32 $1.500000000e+00, v56  }
0x1fa: {  	v47 =	vmul.f32 v47, v51;
	v48 =	vmul.f32 v48, v53  }
0x1fb: {  	v38 =	vmul.f32 v44, v38;
	v49 =	vmul.f32 v49, v50  }
0x1fc: {  	v36 =	vmul.f32 v43, v36;
	v39 =	vmul.f32 v45, v39  }
0x1fd: {  	v40 =	vmul.f32 v46, v40;
	v41 =	vmul.f32 v47, v41  }
0x1fe: {  	v37 =	vmul.f32 v48, v37;
	v42 =	vmul.f32 v49, v42  }
0x1ff: {  	v38 =	vmul.f32 v38, v44;
	v36 =	vmul.f32 v36, v43  }
0x200: {  	v39 =	vmul.f32 v39, v45;
	v40 =	vmul.f32 v40, v46  }
0x201: {  	v38 =	vsub.f32 $1.500000000e+00, v38;
	v41 =	vmul.f32 v41, v47;
	v37 =	vmul.f32 v37, v48  }
0x202: {  	v36 =	vsub.f32 $1.500000000e+00, v36;
	v39 =	vsub.f32 $1.500000000e+00, v39;
	v42 =	vmul.f32 v42, v49  }
0x203: {  	v38 =	vmul.f32 v38, v44;
	v44 =	vsub.f32 $1.500000000e+00, v40;
	v41 =	vsub.f32 $1.500000000e+00, v41  }
0x204: {  	v40 =	vmul.f32 v36, v43;
	v36 =	vsub.f32 $1.500000000e+00, v37;
	v37 =	vsub.f32 $1.500000000e+00, v42  }
0x205: {  	v43 =	vmul.f32 v39, v45;
	v42 =	vmul.f32 v44, v46  }
.Ltmp6:
0x206: {  	v41 =	vmul.f32 v41, v47;
	v39 =	vmul.f32 v36, v48;
	(pc) =	sbr.rel @p0 .LBB2_9-.Ltmp6, $4  }
0x207: {  	v30 =	vmul.f32 v38, v30;
	v37 =	vmul.f32 v37, v49  }
0x208: {  	v44 =	vmul.f32 v38, v31;
	v31 =	vmul.f32 v38, v35  }
0x209: {  	s23 =	sshra.s32 s24, $0x2;
	v45 =	vmul.f32 v38, v27;
	v36 =	vmul.f32 v40, v32;
	[tilespmem:s22+$0xC400] =	vst v30  }
0x20a: {  	s24 =	sadd.s32 $0x800, s24;
	v32 =	vmul.f32 v40, v34;
	v27 =	vld [tilespmem:s23+$0x85C0];
	[tilespmem:s22+$0xC410] =	vst v44;
	v44 =	vmul.f32 v40, v33  }
0x20b: {  	v30 =	vld [tilespmem:s23+$0x85D0];
	[tilespmem:s22+$0xC420] =	vst v31  }
0x20c: {  	v35 =	vld [tilespmem:s23+$0x8400];
	[tilespmem:s22+$0xC430] =	vst v45  }
0x20d: {  	v31 =	vld [tilespmem:s23+$0x85E0];
	[tilespmem:s22+$0xC440] =	vst v36  }
0x20e: {  	v29 =	vmul.f32 v40, v29;
	v16 =	vmul.f32 v43, v16;
	v36 =	vld [tilespmem:s23+$0x8410];
	[tilespmem:s22+$0xC450] =	vst v44  }
0x20f: {  	v17 =	vmul.f32 v43, v17;
	v49 =	vmul.f32 v43, v24;
	v38 =	vld [tilespmem:s23+$0x85F0];
	[tilespmem:s22+$0xC460] =	vst v32  }
0x210: {  	v50 =	vmul.f32 v43, v28;
	v14 =	vmul.f32 v42, v14;
	v33 =	vld [tilespmem:s23+$0x8440];
	[tilespmem:s22+$0xC470] =	vst v29  }
0x211: {  	v15 =	vmul.f32 v42, v15;
	v51 =	vmul.f32 v42, v22;
	v34 =	vld [tilespmem:s23+$0x8450];
	[tilespmem:s22+$0xC480] =	vst v16  }
0x212: {  	v52 =	vmul.f32 v42, v26;
	v13 =	vmul.f32 v41, v13;
	v29 =	vld [tilespmem:s23+$0x8480];
	[tilespmem:s22+$0xC490] =	vst v17  }
0x213: {  	v53 =	vmul.f32 v41, v12;
	v20 =	vmul.f32 v41, v20;
	v32 =	vld [tilespmem:s23+$0x8490];
	[tilespmem:s22+$0xC4A0] =	vst v49  }
0x214: {  	v54 =	vmul.f32 v41, v25;
	v10 =	vmul.f32 v39, v10;
	v24 =	vld [tilespmem:s23+$0x84C0];
	[tilespmem:s22+$0xC4B0] =	vst v50  }
0x215: {  	v9 =	vmul.f32 v39, v9;
	v19 =	vmul.f32 v39, v19;
	v28 =	vld [tilespmem:s23+$0x84D0];
	[tilespmem:s22+$0xC4C0] =	vst v14  }
0x216: {  	v23 =	vmul.f32 v39, v23;
	v11 =	vmul.f32 v37, v11;
	v16 =	vld [tilespmem:s23+$0x8500];
	[tilespmem:s22+$0xC4D0] =	vst v15  }
0x217: {  	v18 =	vmul.f32 v37, v18;
	v5 =	vmul.f32 v21, v5;
	v17 =	vld [tilespmem:s23+$0x8510];
	[tilespmem:s22+$0xC4E0] =	vst v51  }
0x218: {  	v6 =	vmul.f32 v21, v6;
	v4 =	vmul.f32 v21, v4;
	v14 =	vld [tilespmem:s23+$0x8540];
	[tilespmem:s22+$0xC4F0] =	vst v52  }
0x219: {  	v55 =	vmul.f32 v27, v27;
	v56 =	vmul.f32 v30, v30;
	v15 =	vld [tilespmem:s23+$0x8550];
	[tilespmem:s22+$0xC500] =	vst v13  }
0x21a: {  	v60 =	vmul.f32 v35, v35;
	v57 =	vmul.f32 v31, v31;
	v12 =	vld [tilespmem:s23+$0x8580];
	[tilespmem:s22+$0xC510] =	vst v53  }
0x21b: {  	v61 =	vmul.f32 v36, v36;
	v49 =	vmul.f32 v37, v8;
	v13 =	vld [tilespmem:s23+$0x8590];
	[tilespmem:s22+$0xC520] =	vst v20;
	v20 =	vadd.f32 v56, v55  }
0x21c: {  	v59 =	vmul.f32 v38, v38;
	v62 =	vmul.f32 v33, v33;
	v25 =	vld [tilespmem:s23+$0x8420];
	[tilespmem:s22+$0xC530] =	vst v54  }
0x21d: {  	v48 =	vmul.f32 v34, v34;
	v50 =	vmul.f32 v29, v29;
	v22 =	vld [tilespmem:s23+$0x8460];
	[tilespmem:s22+$0xC540] =	vst v10;
	v58 =	vadd.f32 v57, v20  }
0x21e: {  	v51 =	vmul.f32 v32, v32;
	v52 =	vadd.f32 v61, v60;
	v53 =	vmul.f32 v24, v24;
	v20 =	vld [tilespmem:s23+$0x84A0];
	[tilespmem:s22+$0xC550] =	vst v9  }
0x21f: {  	v55 =	vmul.f32 v28, v28;
	v54 =	vmul.f32 v37, v7;
	v26 =	vadd.f32 v59, v58;
	v10 =	vld [tilespmem:s23+$0x84E0];
	[tilespmem:s22+$0xC560] =	vst v19  }
0x220: {  	v42 =	vadd.f32 v48, v62;
	v57 =	vmul.f32 v16, v16;
	v46 =	vmul.f32 v14, v14;
	v9 =	vld [tilespmem:s23+$0x8520];
	[tilespmem:s22+$0xC570] =	vst v23  }
0x221: {  	v44 =	vadd.f32 v51, v50;
	v58 =	vmul.f32 v17, v17;
	v63 =	vperm.xlane v26, v0;
	v8 =	vld [tilespmem:s23+$0x8560];
	[tilespmem:s22+$0xC580] =	vst v49  }
0x222: {  	v40 =	vadd.f32 v55, v53;
	v59 =	vmul.f32 v15, v15;
	v61 =	vmul.f32 v12, v12;
	v7 =	vld [tilespmem:s23+$0x85A0];
	[tilespmem:s22+$0xC590] =	vst v54  }
0x223: {  	v60 =	vadd.f32 v58, v57;
	v48 =	vmul.f32 v25, v25;
	v26 =	vadd.f32 v26, v63;
	v23 =	vld [tilespmem:s23+$0x8430];
	[tilespmem:s22+$0xC5A0] =	vst v11  }
0x224: {  	v43 =	vadd.f32 v59, v46;
	v47 =	vmul.f32 v22, v22;
	v63 =	vmul.f32 v13, v13;
	v19 =	vld [tilespmem:s23+$0x8470];
	[tilespmem:s22+$0xC5B0] =	vst v18  }
0x225: {  	v50 =	vmul.f32 v20, v20;
	v39 =	vadd.f32 v48, v52;
	v56 =	vperm.xlane v26, v1;
	v18 =	vld [tilespmem:s23+$0x84B0];
	[tilespmem:s22+$0xC5C0] =	vst v5  }
0x226: {  	v42 =	vadd.f32 v47, v42;
	v49 =	vadd.f32 v63, v61;
	v5 =	vmul.f32 v10, v10;
	v11 =	vld [tilespmem:s23+$0x84F0];
	[tilespmem:s22+$0xC5D0] =	vst v6  }
0x227: {  	v52 =	vmul.f32 v9, v9;
	v53 =	vadd.f32 v50, v44;
	v26 =	vadd.f32 v26, v56;
	v6 =	vld [tilespmem:s23+$0x8530];
	[tilespmem:s22+$0xC5E0] =	vst v4  }
0x228: {  	v54 =	vmul.f32 v8, v8;
	v40 =	vadd.f32 v5, v40;
	v55 =	vmul.f32 v7, v7;
	v5 =	vld [tilespmem:s23+$0x8570]  }
0x229: {  	v37 =	vadd.f32 v52, v60;
	v57 =	vmul.f32 v23, v23;
	v4 =	vld [tilespmem:s23+$0x85B0];
	v62 =	vperm.xlane v26, v2  }
0x22a: {  	v43 =	vadd.f32 v54, v43;
	v58 =	vmul.f32 v19, v19;
	v41 =	vadd.f32 v55, v49  }
0x22b: {  	v48 =	vmul.f32 v18, v18;
	v39 =	vadd.f32 v57, v39;
	v26 =	vadd.f32 v26, v62  }
0x22c: {  	v60 =	vmul.f32 v11, v11;
	v42 =	vadd.f32 v58, v42;
	v49 =	vmul.f32 v6, v6  }
0x22d: {  	v21 =	vadd.f32 v48, v53;
	v63 =	vperm.xlane v39, v0;
	v51 =	vperm.xlane v26, v3  }
0x22e: {  	v40 =	vadd.f32 v60, v40;
	v61 =	vmul.f32 v5, v5;
	v62 =	vmul.f32 v4, v4  }
0x22f: {  	v52 =	vperm.xlane v42, v0;
	v37 =	vadd.f32 v49, v37;
	v39 =	vadd.f32 v39, v63  }
0x230: {  	v53 =	vperm.xlane v21, v0;
	v26 =	vadd.f32 v26, v51;
	v43 =	vadd.f32 v61, v43  }
0x231: {  	v41 =	vadd.f32 v62, v41;
	v54 =	vperm.xlane v40, v0;
	v42 =	vadd.f32 v42, v52  }
0x232: {  	v55 =	vperm.xlane v37, v0;
	v46 =	vadd.f32 v21, v53;
	v58 =	vperm.xlane v39, v1  }
0x233: {  	v56 =	vshra.s32 v26, $0x1;
	v26 =	vmul.f32 $5.000000000e-01, v26;
	v40 =	vadd.f32 v40, v54  }
0x234: {  	v57 =	vperm.xlane v41, v0;
	v44 =	vsub.s32 $0x5F3759DF, v56;
	v56 =	vperm.xlane v43, v0  }
0x235: {  	v37 =	vadd.f32 v37, v55;
	v60 =	vperm.xlane v46, v1;
	v59 =	vmul.f32 v44, v26  }
0x236: {  	v63 =	vadd.f32 v39, v58;
	v41 =	vadd.f32 v41, v57;
	v61 =	vperm.xlane v40, v1  }
0x237: {  	v43 =	vadd.f32 v43, v56;
	v50 =	vperm.xlane v37, v1;
	v45 =	vmul.f32 v44, v59  }
0x238: {  	v53 =	vadd.f32 v46, v60;
	v54 =	vperm.xlane v63, v2;
	v52 =	vperm.xlane v41, v1  }
0x239: {  	v40 =	vadd.f32 v40, v61;
	v51 =	vperm.xlane v43, v1;
	v45 =	vsub.f32 $1.500000000e+00, v45  }
0x23a: {  	v59 =	vperm.xlane v42, v1;
	v37 =	vadd.f32 v37, v50;
	v41 =	vadd.f32 v41, v52  }
0x23b: {  	v57 =	vperm.xlane v53, v2;
	v55 =	vadd.f32 v43, v51;
	v44 =	vmul.f32 v44, v45  }
0x23c: {  	v42 =	vadd.f32 v42, v59;
	v58 =	vperm.xlane v40, v2;
	v61 =	vperm.xlane v41, v2  }
0x23d: {  	v60 =	vperm.xlane v55, v2;
	v26 =	vmul.f32 v44, v26  }
0x23e: {  	v59 =	vperm.xlane v37, v2;
	v56 =	vperm.xlane v42, v2;
	v41 =	vadd.f32 v41, v61  }
0x23f: {  	v40 =	vadd.f32 v40, v58;
	v39 =	vadd.f32 v55, v60;
	v26 =	vmul.f32 v26, v44  }
0x240: {  	v37 =	vadd.f32 v37, v59;
	v42 =	vadd.f32 v42, v56;
	v56 =	vperm.xlane v41, v3  }
0x241: {  	v55 =	vperm.xlane v39, v3;
	v62 =	vsub.f32 $1.500000000e+00, v26;
	v26 =	vadd.f32 v63, v54  }
0x242: {  	v63 =	vperm.xlane v42, v3;
	v54 =	vperm.xlane v37, v3;
	v41 =	vadd.f32 v41, v56  }
0x243: {  	v39 =	vadd.f32 v39, v55;
	v21 =	vmul.f32 v62, v44;
	v44 =	vadd.f32 v53, v57  }
0x244: {  	v62 =	vperm.xlane v26, v3;
	v53 =	vperm.xlane v40, v3;
	v42 =	vadd.f32 v42, v63  }
0x245: {  	v37 =	vadd.f32 v37, v54;
	v50 =	vshra.s32 v39, $0x1;
	v39 =	vmul.f32 $5.000000000e-01, v39  }
0x246: {  	v38 =	vmul.f32 v21, v38;
	v52 =	vperm.xlane v44, v3;
	v26 =	vadd.f32 v26, v62  }
0x247: {  	v40 =	vadd.f32 v40, v53;
	v59 =	vshra.s32 v42, $0x1;
	v42 =	vmul.f32 $5.000000000e-01, v42  }
0x248: {  	v62 =	vshra.s32 v37, $0x1;
	v37 =	vmul.f32 $5.000000000e-01, v37;
	v45 =	vsub.s32 $0x5F3759DF, v59  }
0x249: {  	v49 =	vsub.s32 $0x5F3759DF, v62;
	v57 =	vshra.s32 v26, $0x1;
	v51 =	vmul.f32 v45, v42  }
0x24a: {  	v26 =	vmul.f32 $5.000000000e-01, v26;
	v61 =	vshra.s32 v40, $0x1;
	v40 =	vmul.f32 $5.000000000e-01, v40  }
0x24b: {  	v43 =	vadd.f32 v44, v52;
	v52 =	vmul.f32 $5.000000000e-01, v41;
	v51 =	vmul.f32 v45, v51  }
0x24c: {  	v54 =	vmul.f32 v49, v37;
	v41 =	vshra.s32 v41, $0x1;
	v58 =	vsub.s32 $0x5F3759DF, v57  }
0x24d: {  	v48 =	vsub.s32 $0x5F3759DF, v61;
	v46 =	vmul.f32 v58, v26;
	v51 =	vsub.f32 $1.500000000e+00, v51  }
0x24e: {  	v60 =	vshra.s32 v43, $0x1;
	v43 =	vmul.f32 $5.000000000e-01, v43;
	v53 =	vmul.f32 v48, v40  }
0x24f: {  	v41 =	vsub.s32 $0x5F3759DF, v41;
	v46 =	vmul.f32 v58, v46;
	v45 =	vmul.f32 v45, v51  }
0x250: {  	v57 =	vmul.f32 v41, v52;
	v54 =	vmul.f32 v49, v54;
	v47 =	vsub.s32 $0x5F3759DF, v60  }
0x251: {  	v63 =	vmul.f32 v47, v43;
	v46 =	vsub.f32 $1.500000000e+00, v46;
	v42 =	vmul.f32 v45, v42  }
0x252: {  	v53 =	vmul.f32 v48, v53;
	v59 =	vmul.f32 v41, v57  }
0x253: {  	v44 =	vmul.f32 v58, v46;
	v42 =	vmul.f32 v42, v45  }
0x254: {  	v61 =	vsub.f32 $1.500000000e+00, v54;
	v46 =	vsub.s32 $0x5F3759DF, v50;
	v50 =	vmul.f32 v47, v63  }
0x255: {  	v58 =	vsub.f32 $1.500000000e+00, v53;
	v26 =	vmul.f32 v44, v26;
	v42 =	vsub.f32 $1.500000000e+00, v42  }
0x256: {  	v63 =	vmul.f32 v49, v61;
	v55 =	vmul.f32 v46, v39;
	v50 =	vsub.f32 $1.500000000e+00, v50  }
0x257: {  	v26 =	vmul.f32 v26, v44;
	v42 =	vmul.f32 v42, v45  }
0x258: {  	v48 =	vmul.f32 v48, v58;
	v47 =	vmul.f32 v47, v50  }
0x259: {  	v49 =	vmul.f32 v63, v37;
	v26 =	vsub.f32 $1.500000000e+00, v26;
	v33 =	vmul.f32 v42, v33  }
0x25a: {  	[tilespmem:s23+$0xC5F0] =	vst v38;
	v43 =	vmul.f32 v47, v43;
	v34 =	vmul.f32 v42, v34  }
0x25b: {  	v26 =	vmul.f32 v26, v44;
	v22 =	vmul.f32 v42, v22;
	[tilespmem:s23+$0xC440] =	vst v33  }
0x25c: {  	v60 =	vmul.f32 v43, v47;
	v19 =	vmul.f32 v42, v19;
	[tilespmem:s23+$0xC450] =	vst v34  }
0x25d: {  	v50 =	vmul.f32 v49, v63;
	v35 =	vmul.f32 v26, v35;
	[tilespmem:s23+$0xC460] =	vst v22  }
0x25e: {  	v62 =	vmul.f32 v48, v40;
	v36 =	vmul.f32 v26, v36;
	v40 =	vsub.f32 $1.500000000e+00, v60;
	[tilespmem:s23+$0xC470] =	vst v19  }
0x25f: {  	v55 =	vmul.f32 v46, v55;
	v25 =	vmul.f32 v26, v25;
	v22 =	vsub.f32 $1.500000000e+00, v50;
	[tilespmem:s23+$0xC400] =	vst v35  }
0x260: {  	v23 =	vmul.f32 v26, v23;
	[tilespmem:s23+$0xC410] =	vst v36;
	v47 =	vmul.f32 v40, v47  }
0x261: {  	v45 =	vsub.f32 $1.500000000e+00, v55;
	[tilespmem:s23+$0xC420] =	vst v25;
	v55 =	vmul.f32 v22, v63;
	v63 =	vmul.f32 v21, v27  }
0x262: {  	[tilespmem:s23+$0xC430] =	vst v23;
	v29 =	vmul.f32 v47, v29  }
0x263: {  	v51 =	vsub.f32 $1.500000000e+00, v59;
	v43 =	vmul.f32 v62, v48;
	v32 =	vmul.f32 v47, v32;
	[tilespmem:s23+$0xC5C0] =	vst v63  }
0x264: {  	v23 =	vmul.f32 v46, v45;
	v20 =	vmul.f32 v47, v20;
	[tilespmem:s23+$0xC480] =	vst v29  }
0x265: {  	v19 =	vmul.f32 v41, v51;
	v25 =	vsub.f32 $1.500000000e+00, v43;
	v18 =	vmul.f32 v47, v18;
	[tilespmem:s23+$0xC490] =	vst v32  }
0x266: {  	v53 =	vmul.f32 v23, v39;
	v16 =	vmul.f32 v55, v16;
	[tilespmem:s23+$0xC4A0] =	vst v20  }
0x267: {  	v25 =	vmul.f32 v25, v48;
	v17 =	vmul.f32 v55, v17;
	[tilespmem:s23+$0xC4B0] =	vst v18  }
0x268: {  	v9 =	vmul.f32 v55, v9;
	v54 =	vmul.f32 v53, v23;
	[tilespmem:s23+$0xC500] =	vst v16  }
0x269: {  	v56 =	vmul.f32 v19, v52;
	v6 =	vmul.f32 v55, v6;
	[tilespmem:s23+$0xC510] =	vst v17  }
0x26a: {  	v24 =	vmul.f32 v25, v24;
	[tilespmem:s23+$0xC520] =	vst v9;
	v20 =	vsub.f32 $1.500000000e+00, v54  }
0x26b: {  	v57 =	vmul.f32 v56, v19;
	v28 =	vmul.f32 v25, v28;
	[tilespmem:s23+$0xC530] =	vst v6  }
0x26c: {  	v10 =	vmul.f32 v25, v10;
	[tilespmem:s23+$0xC4C0] =	vst v24;
	v58 =	vmul.f32 v20, v23  }
0x26d: {  	v11 =	vmul.f32 v25, v11;
	[tilespmem:s23+$0xC4D0] =	vst v28  }
0x26e: {  	[tilespmem:s23+$0xC4E0] =	vst v10;
	v10 =	vsub.f32 $1.500000000e+00, v57;
	v14 =	vmul.f32 v58, v14  }
0x26f: {  	[tilespmem:s23+$0xC4F0] =	vst v11;
	v59 =	vmul.f32 v58, v15  }
0x270: {  	v60 =	vmul.f32 v10, v19;
	v8 =	vmul.f32 v58, v8;
	[tilespmem:s23+$0xC540] =	vst v14  }
0x271: {  	v5 =	vmul.f32 v58, v5;
	[tilespmem:s23+$0xC550] =	vst v59  }
0x272: {  	v61 =	vmul.f32 v60, v12;
	[tilespmem:s23+$0xC560] =	vst v8  }
0x273: {  	v62 =	vmul.f32 v60, v13;
	[tilespmem:s23+$0xC570] =	vst v5  }
0x274: {  	v4 =	vmul.f32 v60, v4;
	[tilespmem:s23+$0xC580] =	vst v61  }
0x275: {  	p0 =	seq.s32 s20, $0x63;
	v5 =	vmul.f32 v60, v7;
	[tilespmem:s23+$0xC590] =	vst v62  }
.Ltmp7:
0x276: {  	[tilespmem:s23+$0xC5B0] =	vst v4;
	v4 =	vmul.f32 v21, v31;
	(pc) =	sbr.rel @p0 .LBB2_12-.Ltmp7, $4  }
0x277: {  	[tilespmem:s23+$0xC5A0] =	vst v5;
	v5 =	vmul.f32 v21, v30  }
0x278: {  	s31 =	sshll.u32 s20, $0xB;
	[tilespmem:s23+$0xC5E0] =	vst v4  }
0x279: {  	s22 =	sadd.s32 s8, s31;
	[tilespmem:s23+$0xC5D0] =	vst v5  }
0x27a: {  	[hbm4b:s22+s2] =	stream.linear.scatter [tilespmem:s17], [sflag:$0x4], $0x2000, $0x38;
	[tilespmem:$0xE400] =	vst v63  }
.Ltmp8:
0x27b: {  	(pc) =	sbr.rel .LBB2_2-.Ltmp8, $4  }
0x27c: {  	_ = 	snop  }
0x27d: {  	s21 =	sshrl.u32 s21, $0x2  }
0x27e: {  	s20 =	sadd.s32 $0x1, s20;
	s21 =	sadd.s32 $0x180, s21  }
0x27f: {  	[tilespmem:s12], [sflag:$0x2] =	stream.indirect.gather [hbm4b:s4+s10], $0x40, s21, s10, $0xb8;
	[tilespmem:$0xE400] =	vst v63  }
.LBB2_13:
0x280: {  	_ =	sfence.sel $0x180000  }
0x281: {  	[bflag:$0x0] =	sbarrier.arrive $0xFFFF  }
0x282: {  	p0 =	sne.s32 s0, $0x0;
	_ =	strace $0x90000047  }
0x283: {  	s0 =	sadd.s32 @!p0 $0x100000, s3;
	[bflag:$0x2] =	sbarrier.arrive $0xFFFF  }
0x284: {  	[sflag:s0] =	ssyncadd.tile.s32 @!p0 $0x1;
	_ =	shalt  }
.Lfunc_end2:
_tile_overlayer_lowered:
.L_overlay_start_2:
0x285: {  	(tag) =	ssettag $0x2  }
0x286: {  	s0 =	rddreg [dreg:$0x0];
	s2 =	stileid.u32  }
0x287: {  	s1 =	rddreg [dreg:$0x1];
	p0 =	sne.s32 s2, $0x0  }
0x288: {  	s3 =	rddreg [dreg:$0x2];
	[bflag:$0x3] =	sbarrier.arrive $0xFFFF;
	s2 =	simm.s32 @!p0 $0x1C05  }
0x289: {  	[timem:s3], [sflag:s2] =	dma.local @!p0 [hbm:s0], s1  }
0x28a: {  	s0 =	simm.s32 @!p0 $0x5  }
0x28b: {  	_ =	swait.ge @!p0 [sflag:s0], s1  }
0x28c: {  	s1 =	ssub.s32 @!p0 $0x0, s1;
	[sflag:s0] =	ssyncset.done @!p0 $0x0  }
0x28d: {  	[sflag:s0] =	ssyncadd.s32 @!p0 s1  }
0x28e: {  	[bflag:$0x3] =	sbarrier.arrive $0xFFFF  }
0x28f: {  	_ =	shalt  }

// kernel: sparse-core-data-format-call.cloned.1.call-start
scs
called_computation_lowered:
.L_overlay_start_0:
0x0: {  	s2 =	sld [smem:$0x3FD9]  }
0x1: {  	s3 =	sld [smem:$0x3FFE];
	_ =	sdelay $0x1  }
0x2: {  	s1 =	srdreg.scid  }
0x3: {  	s0 =	sand.u32 $0x1, s1  }
0x4: {  	s18 =	sshll.u32 s0, $0xA;
	s2 =	sadd.s32 s3, s2  }
0x5: {  	s2 =	sadd.s32 s2, s18  }
0x6: {  	[smem:$0x3FC6] =	sst s2  }
0x7: {  	_ = 	snop  }
0x8: {  	s2 =	sld [smem:$0x3FD0];
	(tm) =	ssettm $0x1  }
0x9: {  	s19 =	sld [smem:$0x3FFB];
	_ =	sdelay $0x3  }
0xa: {  	_ =	strace s19  }
0xb: {  	s3 =	sld [smem:$0x3FFC];
	_ =	sdelay $0x3  }
0xc: {  	_ =	strace s3  }
0xd: {  	s3 =	sld [smem:$0x3FFD];
	_ =	sdelay $0x3  }
0xe: {  	_ =	strace s3  }
0xf: {  	_ =	strace $0x8FFFFFFF  }
0x10: {  	s20 =	sld [smem:$0x3FDB];
	_ =	sdelay $0x1  }
0x11: {  	s4 =	simm.s32 $_scs_section_size  }
0x12: {  	s5 =	simm.s32 $_size__tile_overlayer_lowered;
	s6 =	simm.s32 $_tile_overlayer_lowered  }
0x13: {  	s23 =	simm.s32 $0x1BFF;
	s22 =	sshll.u32 s6, $0x1;
	s3 =	sadd.s32 s4, s20  }
0x14: {  	s7 =	simm.s32 $0x0;
	s21 =	sshll.u32 s5, $0x1;
	s5 =	sadd.s32 s22, s3  }
0x15: {  	[timem:s7], [sflag:s23] =	dma.local [hbm:s5], s21  }
0x16: {  	_ =	swait.ge [sflag:s23], s21  }
0x17: {  	s4 =	ssub.s32 $0x0, s21;
	[sflag:s23] =	ssyncset.done $0x0  }
0x18: {  	[sflag:s23] =	ssyncadd.s32 s4;
	_ =	sdelay $0x1  }
0x19: {  	s24 =	simm.s32 $0x1B8B  }
0x1a: {  	_ =	swait.ge [sflag:s24], $0x1  }
0x1b: {  	[sflag:s24] =	ssyncset.done $0x0  }
0x1c: {  	s26 =	simm.s32 $0x1B8E;
	s25 =	sld [smem:$0x3FFE];
	[sflag:s24] =	ssyncadd.s32 $0xFFFFFFFF  }
0x1d: {  	s27 =	simm.s32 $execute0_lowered;
	[smem:$0x3FD2] =	sst s26  }
0x1e: {  	s5 =	sshll.u32 s27, $0x1;
	_ =	strace $0x80000049;
	[dreg:$0x1] =	wrdreg $0xFFFFFFFF  }
0x1f: {  	s28 =	simm.s32 $_size_execute0_lowered;
	s3 =	sadd.s32 s3, s5;
	[dreg:$0x0] =	wrdreg $0x0  }
0x20: {  	s5 =	sshll.u32 s28, $0x1;
	[dreg:$0x2] =	wrdreg s3  }
0x21: {  	[dreg:$0x3] =	wrdreg s5  }
0x22: {  	[dreg:$0x4] =	wrdreg $0xC0  }
0x23: {  	_ =	task [dreg:s7], $0x5FFFF  }
0x24: {  	[dreg:$0x1] =	wrdreg $0xFFFFFFFF  }
0x25: {  	[dreg:$0x0] =	wrdreg $0x60  }
0x26: {  	[dreg:$0x2] =	wrdreg s25  }
0x27: {  	[dreg:$0x3] =	wrdreg s2  }
0x28: {  	[dreg:$0x4] =	wrdreg $0x9  }
0x29: {  	_ =	task.clear_ibuf [dreg:s7], $0x5FFFF;
	_ =	strace $0x90000049  }
0x2a: {  	s29 =	simm.s32 $0x9;
	_ =	strace $0x8000004B  }
0x2b: {  	_ =	swait.ge [sflag:s29], $0x1  }
0x2c: {  	[sflag:s29] =	ssyncadd.s32 $0xFFFFFFFF  }
0x2d: {  	_ =	strace $0x9000004B  }
0x2e: {  	_ =	sfence  }
0x2f: {  	s30 =	sld [smem:$0x0];
	_ =	sdelay $0x2  }
0x30: {  	s31 =	sshll.u32 s1, $0xD;
	s1 =	sshrl.u32 s1, $0x2  }
0x31: {  	s3 =	sand.u32 $0x4000, s31;
	s1 =	sadd.s32 s1, s30  }
0x32: {  	s0 =	sor.u32 s3, s0;
	s1 =	sshll.u32 s1, $0x11  }
0x33: {  	s0 =	sor.u32 s1, s0  }
0x34: {  	s0 =	sadd.s32 $0x8F2B, s0  }
0x35: {  	[sflag:s0] =	ssyncadd.remote.s32 $0x1  }
0x36: {  	_ =	sfence.sel $0xFFFF  }
0x37: {  	[dreg:$0x0] =	wrdreg $0xFFFFFFFF;
	(pc) =	sbr.abs _section_cstart, $3  }
0x38: {  	[dreg:$0x1] =	wrdreg $0xFFFFFFFF  }
0x39: {  	_ =	task.clear_ibuf [dreg:s7], $0x2FFFF;
	_ =	strace $0x9FFFFFFF  }
0x3a: {  	(tm) =	ssettm $0x7FFFFFFF  }
0x3b: {  	_ =	shalt  }
tec
execute0_lowered:
.L_overlay_start_1:
0x0: {  	(tag) =	ssettag $0x1  }
0x1: {  	s0 =	srdreg.scid  }
0x2: {  	s1 =	sshll.u32 s0, $0x4  }
0x3: {  	s0 =	stileid.u32;
	s1 =	sand.u32 $0x10, s1  }
0x4: {  	s1 =	sor.u32 s0, s1  }
0x5: {  	s6 =	rddreg [dreg:$0x0];
	s4 =	simm.s32 $0x1;
	s2 =	sshll.u32 s1, $0x7  }
0x6: {  	s7 =	simm.s32 $0x2;
	s12 =	simm.s32 $0x0;
	s1 =	ssub.s32 $0x1000, s2  }
0x7: {  	s8 =	simm.s32 $0x8000;
	s13 =	simm.s32 $0x0;
	s3 =	sand.u32 $0xF80, s1  }
0x8: {  	s9 =	simm.s32 $0x0;
	s5 =	sshrl.u32 s1, $0xC;
	p0 =	sne.s32 s3, $0x0  }
.Ltmp0:
0x9: {  	s1 =	rddreg [dreg:$0x2];
	s4 =	simm.s32 @!p0 $0x0;
	(pc) =	sbr.rel .LBB1_1-.Ltmp0, $4  }
0xa: {  	s11 =	simm.s32 $0x0;
	s3 =	rddreg [dreg:$0x1];
	s5 =	sadd.s32 s4, s5  }
0xb: {  	_ =	strace $0x8000004A;
	s4 =	simm.s32 $0x1;
	s5 =	smul.u32 $0xC8, s5  }
0xc: {  	s6 =	sadd.s32 $0xA00, s6;
	s10 =	smov.u32 s2;
	[sflag:s4] =	ssyncpa.u1 $0x0  }
0xd: {  	p0 =	por $0x0, $0x0;
	[sflag:s7] =	ssyncpa.u1 $0x0;
	s7 =	sor.u32 $0x1, s5  }
.LBB1_4:
0xe: {  	s16 =	sshll.u32 s13, $0x3;
	s17 =	sand.u32 $0x78, s13  }
0xf: {  	s30 =	sand.u32 $0x7E00, s13;
	s12 =	sshll.u32 s12, $0xF;
	s16 =	sand.u32 $0xC00, s16  }
0x10: {  	[tilespmem:s15+$0x810 ss:$0x81] =	vst.msk $0xffff, v2;
	s31 =	sand.u32 $0x7, s13;
	s16 =	sor.u32 s17, s16;
	s17 =	sadd.s32 s3, s30  }
0x11: {  	[tilespmem:s15+$0x1020 ss:$0x81] =	vst.msk $0xffff, v0;
	s13 =	sshll.u32 s31, $0x12;
	s12 =	sadd.s32 s12, s17;
	s16 =	sshrl.u32 s16, $0x3  }
0x12: {  	[tilespmem:s15+$0x0 ss:$0x81] =	vst.msk $0xffff, v1;
	s13 =	sor.u32 $0x400, s13;
	s12 =	sadd.s32 s16, s12  }
0x13: {  	[hbm4b:s12+s13] =	stream.strided.scatter [tilespmem:s14], [sflag:$0x2], $0x2000, s8, s13, $0x20;
	[tilespmem:$0x8080] =	vst v63  }
.LBB1_5:
0x14: {  	s14 =	sadd.s32 $0x1, s9  }
0x15: {  	s12 =	sadd.s32 $0x1000, s10;
	s16 =	smov.u32 s10;
	p2 =	sgt.s32 s14, $0xC7  }
0x16: {  	s16 =	smov.u32 @p2 s12  }
0x17: {  	s14 =	simm.s32 @p2 $0x0;
	p2 =	sgt.s32 s16, $0xFFF  }
0x18: {  	s16 =	smov.u32 @p2 s2;
	p2 =	sne.s32 s11, s7  }
.Ltmp1:
0x19: {  	p1 =	slt.u32 s11, $0x2;
	(pc) =	sbr.rel @!p2 .LBB1_6-.Ltmp1, $4  }
0x1a: {  	s15 =	simm.s32 @!p1 $0x2  }
0x1b: {  	s13 =	smov.u32 s10;
	p0 =	por !p0, !p0;
	_ =	swait.ge @!p1 [sflag:s15], $0x2000  }
0x1c: {  	s12 =	smov.u32 s9;
	[sflag:s15] =	ssyncset.done @!p1 $0x0;
	s9 =	smov.u32 s14  }
0x1d: {  	s11 =	sadd.s32 $0x1, s11;
	[sflag:s15] =	ssyncadd.s32 @!p1 $0xFFFFE000;
	s10 =	smov.u32 s16  }
.LBB1_1:
0x1e: {  	p1 =	sge.u32 s11, s5  }
0x1f: {  	s14 =	sand.u32 @!p1 $0x1FFFFFF, s9  }
0x20: {  	s15 =	smulhi.u32 @!p1 $0x147AE15, s14;
	_ =	sdelay $0x1  }
0x21: {  	s15 =	smul.u32 @!p1 $0xC8, s15  }
0x22: {  	s16 =	sxor.u32 @!p1 $0xFFFFFFFF, s11;
	s17 =	smul.u32 @!p1 $0xC80, s10  }
0x23: {  	s31 =	sadd.s32 $0xFFFFFFFF, s11;
	s16 =	sshll.u32 @!p1 s16, $0xD;
	s14 =	ssub.s32 @!p1 s14, s15  }
0x24: {  	s15 =	sand.u32 @!p1 $0x2000, s16;
	s16 =	sadd.s32 @!p1 s6, s17;
	s14 =	sshll.u32 @!p1 s14, $0x4  }
0x25: {  	s17 =	simm.s32 @!p1 $0x6400;
	s14 =	sadd.s32 @!p1 s14, s16;
	s16 =	simm.s32 @!p1 $0x40  }
0x26: {  	[tilespmem:s15], [sflag:$0x1] =	stream.strided.gather @!p1 [hbm4b:s14+s16], $0x2000, s17, s16, $0x38;
	[tilespmem:$0x8080] =	vst v63  }
0x27: {  	p1 =	sge.u32 s31, s5  }
.Ltmp2:
0x28: {  	_ = 	snop;
	(pc) =	sbr.rel @p1 .LBB1_5-.Ltmp2, $1  }
0x29: {  	_ =	sdelay $0x3  }
0x2a: {  	s14 =	simm.s32 $0x1  }
0x2b: {  	_ =	swait.ge [sflag:s4], $0x2000;
	s14 =	simm.s32 @!p0 $0x0  }
0x2c: {  	[sflag:s4] =	ssyncset.done $0x0;
	s15 =	sshll.u32 s14, $0xD  }
0x2d: {  	[sflag:s4] =	ssyncadd.s32 $0xFFFFE000;
	s18 =	sor.u32 $0x20, s15  }
0x2e: {  	s14 =	smul.u32 $0x8100, s14;
	v3 =	vld [tilespmem:s18+$0x10]  }
0x2f: {  	s30 =	sand.u32 $0x1, s11;
	v2 =	vld [tilespmem:s18+$0xFFFFFFF0]  }
0x30: {  	s15 =	smul.u32 $0x8100, s30;
	s14 =	sshrl.u32 s14, $0x2;
	v0 =	vld [tilespmem:s18+$0x0]  }
0x31: {  	v1 =	vld [tilespmem:s18+$0xFFFFFFE0];
	s16 =	sor.u32 $0x4000, s14  }
0x32: {  	s31 =	sshrl.u32 s15, $0x2;
	s15 =	sadd.s32 $0x0, s16  }
0x33: {  	s17 =	simm.s32 $0x4;
	s18 =	sadd.s32 $0x40, s18;
	s14 =	sor.u32 $0x4000, s31;
	[tilespmem:s15+$0x1830 ss:$0x81] =	vst.msk $0xffff, v3  }
.LBB1_3:
0x34: {  	v3 =	vld [tilespmem:s18+$0x10];
	p1 =	sne.s32 s17, $0x1FC;
	[tilespmem:s15+$0x810 ss:$0x81] =	vst.msk $0xffff, v2;
	s19 =	smov.u32 s17;
	s17 =	sadd.s32 $0x4, s17  }
.Ltmp3:
0x35: {  	v2 =	vld [tilespmem:s18+$0xFFFFFFF0];
	[tilespmem:s15+$0x1020 ss:$0x81] =	vst.msk $0xffff, v0;
	(pc) =	sbr.rel @p1 .LBB1_3-.Ltmp3, $4  }
0x36: {  	v0 =	vld [tilespmem:s18+$0x0];
	[tilespmem:s15+$0x0 ss:$0x81] =	vst.msk $0xffff, v1  }
0x37: {  	s15 =	sshra.s32 s19, $0x2;
	v1 =	vld [tilespmem:s18+$0xFFFFFFE0]  }
0x38: {  	s15 =	sadd.s32 s15, s16  }
0x39: {  	s18 =	sadd.s32 $0x40, s18;
	[tilespmem:s15+$0x1830 ss:$0x81] =	vst.msk $0xffff, v3  }
.Ltmp4:
0x3a: {  	_ = 	snop;
	(pc) =	sbr.rel .LBB1_4-.Ltmp4, $1  }
0x3b: {  	_ =	sdelay $0x3  }
.LBB1_6:
0x3c: {  	_ =	sfence.sel $0x180000  }
0x3d: {  	s2 =	simm.s32 $0x1;
	[bflag:$0x0] =	sbarrier.arrive $0xFFFF  }
0x3e: {  	s31 =	simm.s32 $0x2;
	[sflag:s2] =	ssyncpa.u1 $0x1  }
0x3f: {  	[sflag:s31] =	ssyncpa.u1 $0x1  }
0x40: {  	p0 =	sne.s32 s0, $0x0;
	_ =	strace $0x9000004A  }
0x41: {  	s0 =	sadd.s32 @!p0 $0x100000, s1;
	[bflag:$0x2] =	sbarrier.arrive $0xFFFF  }
0x42: {  	[sflag:s0] =	ssyncadd.tile.s32 @!p0 $0x1;
	_ =	shalt  }
.Lfunc_end1:
_tile_overlayer_lowered:
.L_overlay_start_2:
0x43: {  	(tag) =	ssettag $0x2  }
0x44: {  	s0 =	rddreg [dreg:$0x0];
	s2 =	stileid.u32  }
0x45: {  	s1 =	rddreg [dreg:$0x1];
	p0 =	sne.s32 s2, $0x0  }
0x46: {  	s3 =	rddreg [dreg:$0x2];
	[bflag:$0x3] =	sbarrier.arrive $0xFFFF;
	s2 =	simm.s32 @!p0 $0x1C01  }
0x47: {  	[timem:s3], [sflag:s2] =	dma.local @!p0 [hbm:s0], s1  }
0x48: {  	s0 =	simm.s32 @!p0 $0x1  }
0x49: {  	_ =	swait.ge @!p0 [sflag:s0], s1  }
0x4a: {  	s1 =	ssub.s32 @!p0 $0x0, s1;
	[sflag:s0] =	ssyncset.done @!p0 $0x0  }
0x4b: {  	[sflag:s0] =	ssyncadd.s32 @!p0 s1  }
0x4c: {  	[bflag:$0x3] =	sbarrier.arrive $0xFFFF  }
0x4d: {  	_ =	shalt  }

</sc_bundles>
